<compile_context>
chip_gen: v7x
topology: tpu7x:2x2x1
jax: 0.10.2.dev20260603
libtpu: 0.0.44.dev20260713+nightly
codegen_flags: <defaults>
</compile_context>

<pallas_src>
import functools

import jax
import jax.numpy as jnp
from jax import lax
from jax.experimental import pallas as pl
from jax.experimental.pallas import tpu as pltpu
from jax.experimental.pallas import tpu_sc as plsc

_N_ROWS = 32768
_N_COLS = 2048
_CH = 16
_NW = 32
_LANE = 16
_STRIDE = _N_COLS + 16
_UNROLL = 16
_NACC = 4


def _sc_rowmask_body(x_hbm, o_hbm, in0, in1, zbuf, valbuf, s_in0, s_in1, s_z, s_w):
    wid = lax.axis_index("s") * 2 + lax.axis_index("c")
    rpw = _N_ROWS // _NW
    nch = rpw // _CH
    base_row = wid * rpw
    chunk_words = _CH * _N_COLS

    lane = lax.iota(jnp.int32, _LANE)
    zero_f = jnp.zeros((_LANE,), jnp.float32)
    sbase = lane * _N_COLS
    gbase = lane * _STRIDE

    def _zero_blk(i, _):
        zbuf[pl.ds(i * _LANE, _LANE)] = zero_f
        return 0

    lax.fori_loop(0, chunk_words // _LANE, _zero_blk, 0)

    ins = (in0, in1)
    sins = (s_in0, s_in1)

    def _start_in(c, b):
        w0 = (base_row + c * _CH) * _N_COLS
        for r in range(_CH):
            pltpu.make_async_copy(
                x_hbm.at[pl.ds(w0 + r * _N_COLS, _N_COLS)],
                ins[b].at[pl.ds(r * _STRIDE, _N_COLS)],
                sins[b],
            ).start()

    def _wait_in(b):
        for r in range(_CH):
            pltpu.make_async_copy(
                x_hbm.at[pl.ds(base_row * _N_COLS + r * _N_COLS, _N_COLS)],
                ins[b].at[pl.ds(r * _STRIDE, _N_COLS)],
                sins[b],
            ).wait()

    def _compute_chunk(b):
        inb = ins[b]

        def _cols(i, carry):
            ms, mis = carry
            ms, mis = list(ms), list(mis)
            tbase = i * _UNROLL + lane
            for k in range(_UNROLL):
                a = k % _NACC
                jcol = (tbase + k) & (_N_COLS - 1)
                v = plsc.load_gather(inb, [gbase + jcol])
                upd = (v > ms[a]) | ((v == ms[a]) & (jcol < mis[a]))
                ms[a] = jnp.where(upd, v, ms[a])
                mis[a] = jnp.where(upd, jcol, mis[a])
            return (tuple(ms), tuple(mis))

        m0 = tuple(jnp.full((_LANE,), -jnp.inf, jnp.float32) for _ in range(_NACC))
        mi0 = tuple(jnp.zeros((_LANE,), jnp.int32) for _ in range(_NACC))
        ms, mis = lax.fori_loop(0, _N_COLS // _UNROLL, _cols, (m0, mi0))
        m, mi = ms[0], mis[0]
        for a in range(1, _NACC):
            upd = (ms[a] > m) | ((ms[a] == m) & (mis[a] < mi))
            m = jnp.where(upd, ms[a], m)
            mi = jnp.where(upd, mis[a], mi)
        return (m, mi)

    def _do_chunk(c, b):
        w0 = (base_row + c * _CH) * _N_COLS
        pltpu.make_async_copy(zbuf, o_hbm.at[pl.ds(w0, chunk_words)], s_z).start()

        @pl.when(c + 1 < nch)
        def _():
            _start_in(c + 1, 1 - b)

        _wait_in(b)
        valv, colv = _compute_chunk(b)

        @pl.when(c > 0)
        def _():
            pltpu.make_async_copy(valbuf, o_hbm.at[lane], s_w).wait()

        valbuf[...] = valv
        idxv = (base_row + c * _CH + lane) * _N_COLS + colv
        pltpu.make_async_copy(zbuf, o_hbm.at[pl.ds(w0, chunk_words)], s_z).wait()
        pltpu.make_async_copy(valbuf, o_hbm.at[idxv], s_w).start()

    _start_in(0, 0)

    def _pair(p, _):
        c0 = p * 2
        _do_chunk(c0, 0)
        _do_chunk(c0 + 1, 1)
        return 0

    lax.fori_loop(0, nch // 2, _pair, 0)
    pltpu.make_async_copy(valbuf, o_hbm.at[lane], s_w).wait()


@functools.partial(jax.jit, static_argnames=())
def kernel(x):
    mesh = plsc.VectorSubcoreMesh(
        core_axis_name="c", subcore_axis_name="s", num_cores=2, num_subcores=16
    )
    sc = pl.kernel(
        _sc_rowmask_body,
        mesh=mesh,
        compiler_params=pltpu.CompilerParams(needs_layout_passes=False),
        out_type=jax.ShapeDtypeStruct((_N_ROWS * _N_COLS,), jnp.float32),
        scratch_types=[
            pltpu.VMEM((_CH * _STRIDE,), jnp.float32),
            pltpu.VMEM((_CH * _STRIDE,), jnp.float32),
            pltpu.VMEM((_CH * _N_COLS,), jnp.float32),
            pltpu.VMEM((_LANE,), jnp.float32),
            pltpu.SemaphoreType.DMA,
            pltpu.SemaphoreType.DMA,
            pltpu.SemaphoreType.DMA,
            pltpu.SemaphoreType.DMA,
        ],
    )
    return sc(x.reshape(-1)).reshape(_N_ROWS, _N_COLS)

# --- scband reference (transcript-rebuilt; emitter-appended) ---
"""Pipeline reference for scband-max-pooling-layer-62895501082689 (READ-ONLY COPY).

The authoritative reference and input builder live on the scoring server;
editing this copy changes nothing except your own understanding.
"""

import jax, jax.numpy as jnp
import numpy as np


def setup_inputs(seed: int = 0) -> dict:
    key = jax.random.key(seed)
    x = jax.random.normal(key, (32768, 2048), dtype=jnp.float32)
    return {"x": x}


def reference(x):
    # For each row, keep only the value at the argmax position; zero elsewhere.
    n = x.shape[0]
    max_idx = jnp.argmax(x, axis=1)
    max_val = jnp.take_along_axis(x, max_idx[:, None], axis=1)[:, 0]
    out = jnp.zeros(x.shape, dtype=jnp.float32)
    out = out.at[jnp.arange(n), max_idx].set(max_val)
    return out

if __name__ == "__main__":
    import jax
    _d = setup_inputs()
    print(jax.jit(kernel)(*tuple(_d.values())))

</pallas_src>

<mosaic_0001>
#map = affine_map<(d0, d1) -> (0)>
module attributes {stable_mosaic.version = 14 : i64} {
  func.func @_sc_rowmask_body(%arg0: i32, %arg1: i32, %arg2: memref<67108864xf32, #tpu.memory_space<hbm>>, %arg3: memref<67108864xf32, #tpu.memory_space<hbm>>, %arg4: memref<33024xf32, #tpu.memory_space<vmem>>, %arg5: memref<33024xf32, #tpu.memory_space<vmem>>, %arg6: memref<32768xf32, #tpu.memory_space<vmem>>, %arg7: memref<16xf32, #tpu.memory_space<vmem>>, %arg8: memref<!tpu.dma_semaphore, #tpu.memory_space<semaphore_mem>>, %arg9: memref<!tpu.dma_semaphore, #tpu.memory_space<semaphore_mem>>, %arg10: memref<!tpu.dma_semaphore, #tpu.memory_space<semaphore_mem>>, %arg11: memref<!tpu.dma_semaphore, #tpu.memory_space<semaphore_mem>>) attributes {dimension_semantics = [#tpu.dimension_semantics<core_parallel>, #tpu.dimension_semantics<subcore_parallel>], iteration_bounds = array<i64: 2, 16>, scalar_prefetch = 0 : i64, scratch_operands = 8 : i64, tpu.core_type = #tpu.core_type<sc_vector_subcore>, window_params = [{transform_indices = #map}, {transform_indices = #map}]} {
    %mul3A = arith.constant 2 : i32
    %mul3A_0 = arith.muli %arg1, %mul3A : i32
    %add3A = arith.addi %mul3A_0, %arg0 : i32
    %mul3A_1 = arith.constant 1024 : i32
    %mul3A_2 = arith.muli %add3A, %mul3A_1 : i32
    %iota3A = tpu.iota {dimensions = array<i32: 0>} : vector<16xi32>
    %broadcast_in_dim3A = arith.constant 0.000000e+00 : f32
    %broadcast_in_dim3A_3 = vector.broadcast %broadcast_in_dim3A : f32 to vector<16xf32>
    %mul3A_4 = arith.constant 2048 : i32
    %mul3A_5 = vector.broadcast %mul3A_4 : i32 to vector<16xi32>
    %mul3A_6 = arith.muli %iota3A, %mul3A_5 : vector<16xi32>
    %mul3A_7 = arith.constant 2064 : i32
    %mul3A_8 = vector.broadcast %mul3A_7 : i32 to vector<16xi32>
    %mul3A_9 = arith.muli %iota3A, %mul3A_8 : vector<16xi32>
    %scan3A = arith.constant 0 : i32
    %scan3A_10 = arith.constant 0 : i32
    %scan3A_11 = arith.constant 2048 : i32
    %scan3A_12 = arith.addi %scan3A_10, %scan3A_11 : i32
    %scan3A_13 = arith.constant 1 : i32
    %scan3A_14 = scf.for %scan3A_155 = %scan3A_10 to %scan3A_12 step %scan3A_13 iter_args(%scan3A_156 = %scan3A) -> (i32)  : i32 {
      %mul3A_157 = arith.constant 16 : i32
      %mul3A_158 = arith.muli %scan3A_155, %mul3A_157 : i32
      %swap3A = arith.index_cast %mul3A_158 : i32 to index
      %swap3A_159 = tpu.vector_load %arg6[%swap3A] {strides = array<i32>} : memref<32768xf32, #tpu.memory_space<vmem>>, vector<16xf32>,
      tpu.vector_store %arg6[%swap3A], %broadcast_in_dim3A_3 {strides = array<i32>} : memref<32768xf32, #tpu.memory_space<vmem>>, vector<16xf32>,
      %scan3A_160 = arith.constant 0 : i32
      scf.yield %scan3A_160 : i32
    }
    %scan3A_15 = arith.constant 2048 : i32
    %add3A_16 = arith.constant 0 : i32
    %add3A_17 = arith.addi %mul3A_2, %add3A_16 : i32
    %mul3A_18 = arith.constant 2048 : i32
    %mul3A_19 = arith.muli %add3A_17, %mul3A_18 : i32
    %add3A_20 = arith.constant 0 : i32
    %add3A_21 = arith.addi %mul3A_19, %add3A_20 : i32
    %dma_start3A = arith.constant 0 : i32
    %dma_start3A_22 = tpu.memref_slice %arg4[%dma_start3A] : memref<33024xf32, #tpu.memory_space<vmem>> -> memref<2048xf32, #tpu.memory_space<vmem>>
    %dma_start3A_23 = tpu.memref_slice %arg2[%add3A_21] : memref<67108864xf32, #tpu.memory_space<hbm>> -> memref<2048xf32, #tpu.memory_space<hbm>>
    %dma_start3A_24 = arith.constant 0 : i32
    %dma_start3A_25 = tpu.memref_slice %arg4[%dma_start3A_24] : memref<33024xf32, #tpu.memory_space<vmem>> -> memref<2048xf32, #tpu.memory_space<vmem>>
    %dma_start3A_26 = tpu.memref_slice %arg2[%add3A_21] : memref<67108864xf32, #tpu.memory_space<hbm>> -> memref<2048xf32, #tpu.memory_space<hbm>>
    tpu.enqueue_dma source(%dma_start3A_26 : memref<2048xf32, #tpu.memory_space<hbm>>) target(%dma_start3A_25 : memref<2048xf32, #tpu.memory_space<vmem>>) target_semaphore(%arg8 : memref<!tpu.dma_semaphore, #tpu.memory_space<semaphore_mem>>)
    %add3A_27 = arith.constant 2048 : i32
    %add3A_28 = arith.addi %mul3A_19, %add3A_27 : i32
    %dma_start3A_29 = arith.constant 2064 : i32
    %dma_start3A_30 = tpu.memref_slice %arg4[%dma_start3A_29] : memref<33024xf32, #tpu.memory_space<vmem>> -> memref<2048xf32, #tpu.memory_space<vmem>>
    %dma_start3A_31 = tpu.memref_slice %arg2[%add3A_28] : memref<67108864xf32, #tpu.memory_space<hbm>> -> memref<2048xf32, #tpu.memory_space<hbm>>
    %dma_start3A_32 = arith.constant 2064 : i32
    %dma_start3A_33 = tpu.memref_slice %arg4[%dma_start3A_32] : memref<33024xf32, #tpu.memory_space<vmem>> -> memref<2048xf32, #tpu.memory_space<vmem>>
    %dma_start3A_34 = tpu.memref_slice %arg2[%add3A_28] : memref<67108864xf32, #tpu.memory_space<hbm>> -> memref<2048xf32, #tpu.memory_space<hbm>>
    tpu.enqueue_dma source(%dma_start3A_34 : memref<2048xf32, #tpu.memory_space<hbm>>) target(%dma_start3A_33 : memref<2048xf32, #tpu.memory_space<vmem>>) target_semaphore(%arg8 : memref<!tpu.dma_semaphore, #tpu.memory_space<semaphore_mem>>)
    %add3A_35 = arith.constant 4096 : i32
    %add3A_36 = arith.addi %mul3A_19, %add3A_35 : i32
    %dma_start3A_37 = arith.constant 4128 : i32
    %dma_start3A_38 = tpu.memref_slice %arg4[%dma_start3A_37] : memref<33024xf32, #tpu.memory_space<vmem>> -> memref<2048xf32, #tpu.memory_space<vmem>>
    %dma_start3A_39 = tpu.memref_slice %arg2[%add3A_36] : memref<67108864xf32, #tpu.memory_space<hbm>> -> memref<2048xf32, #tpu.memory_space<hbm>>
    %dma_start3A_40 = arith.constant 4128 : i32
    %dma_start3A_41 = tpu.memref_slice %arg4[%dma_start3A_40] : memref<33024xf32, #tpu.memory_space<vmem>> -> memref<2048xf32, #tpu.memory_space<vmem>>
    %dma_start3A_42 = tpu.memref_slice %arg2[%add3A_36] : memref<67108864xf32, #tpu.memory_space<hbm>> -> memref<2048xf32, #tpu.memory_space<hbm>>
    tpu.enqueue_dma source(%dma_start3A_42 : memref<2048xf32, #tpu.memory_space<hbm>>) target(%dma_start3A_41 : memref<2048xf32, #tpu.memory_space<vmem>>) target_semaphore(%arg8 : memref<!tpu.dma_semaphore, #tpu.memory_space<semaphore_mem>>)
    %add3A_43 = arith.constant 6144 : i32
    %add3A_44 = arith.addi %mul3A_19, %add3A_43 : i32
    %dma_start3A_45 = arith.constant 6192 : i32
    %dma_start3A_46 = tpu.memref_slice %arg4[%dma_start3A_45] : memref<33024xf32, #tpu.memory_space<vmem>> -> memref<2048xf32, #tpu.memory_space<vmem>>
    %dma_start3A_47 = tpu.memref_slice %arg2[%add3A_44] : memref<67108864xf32, #tpu.memory_space<hbm>> -> memref<2048xf32, #tpu.memory_space<hbm>>
    %dma_start3A_48 = arith.constant 6192 : i32
    %dma_start3A_49 = tpu.memref_slice %arg4[%dma_start3A_48] : memref<33024xf32, #tpu.memory_space<vmem>> -> memref<2048xf32, #tpu.memory_space<vmem>>
    %dma_start3A_50 = tpu.memref_slice %arg2[%add3A_44] : memref<67108864xf32, #tpu.memory_space<hbm>> -> memref<2048xf32, #tpu.memory_space<hbm>>
    tpu.enqueue_dma source(%dma_start3A_50 : memref<2048xf32, #tpu.memory_space<hbm>>) target(%dma_start3A_49 : memref<2048xf32, #tpu.memory_space<vmem>>) target_semaphore(%arg8 : memref<!tpu.dma_semaphore, #tpu.memory_space<semaphore_mem>>)
    %add3A_51 = arith.constant 8192 : i32
    %add3A_52 = arith.addi %mul3A_19, %add3A_51 : i32
    %dma_start3A_53 = arith.constant 8256 : i32
    %dma_start3A_54 = tpu.memref_slice %arg4[%dma_start3A_53] : memref<33024xf32, #tpu.memory_space<vmem>> -> memref<2048xf32, #tpu.memory_space<vmem>>
    %dma_start3A_55 = tpu.memref_slice %arg2[%add3A_52] : memref<67108864xf32, #tpu.memory_space<hbm>> -> memref<2048xf32, #tpu.memory_space<hbm>>
    %dma_start3A_56 = arith.constant 8256 : i32
    %dma_start3A_57 = tpu.memref_slice %arg4[%dma_start3A_56] : memref<33024xf32, #tpu.memory_space<vmem>> -> memref<2048xf32, #tpu.memory_space<vmem>>
    %dma_start3A_58 = tpu.memref_slice %arg2[%add3A_52] : memref<67108864xf32, #tpu.memory_space<hbm>> -> memref<2048xf32, #tpu.memory_space<hbm>>
    tpu.enqueue_dma source(%dma_start3A_58 : memref<2048xf32, #tpu.memory_space<hbm>>) target(%dma_start3A_57 : memref<2048xf32, #tpu.memory_space<vmem>>) target_semaphore(%arg8 : memref<!tpu.dma_semaphore, #tpu.memory_space<semaphore_mem>>)
    %add3A_59 = arith.constant 10240 : i32
    %add3A_60 = arith.addi %mul3A_19, %add3A_59 : i32
    %dma_start3A_61 = arith.constant 10320 : i32
    %dma_start3A_62 = tpu.memref_slice %arg4[%dma_start3A_61] : memref<33024xf32, #tpu.memory_space<vmem>> -> memref<2048xf32, #tpu.memory_space<vmem>>
    %dma_start3A_63 = tpu.memref_slice %arg2[%add3A_60] : memref<67108864xf32, #tpu.memory_space<hbm>> -> memref<2048xf32, #tpu.memory_space<hbm>>
    %dma_start3A_64 = arith.constant 10320 : i32
    %dma_start3A_65 = tpu.memref_slice %arg4[%dma_start3A_64] : memref<33024xf32, #tpu.memory_space<vmem>> -> memref<2048xf32, #tpu.memory_space<vmem>>
    %dma_start3A_66 = tpu.memref_slice %arg2[%add3A_60] : memref<67108864xf32, #tpu.memory_space<hbm>> -> memref<2048xf32, #tpu.memory_space<hbm>>
    tpu.enqueue_dma source(%dma_start3A_66 : memref<2048xf32, #tpu.memory_space<hbm>>) target(%dma_start3A_65 : memref<2048xf32, #tpu.memory_space<vmem>>) target_semaphore(%arg8 : memref<!tpu.dma_semaphore, #tpu.memory_space<semaphore_mem>>)
    %add3A_67 = arith.constant 12288 : i32
    %add3A_68 = arith.addi %mul3A_19, %add3A_67 : i32
    %dma_start3A_69 = arith.constant 12384 : i32
    %dma_start3A_70 = tpu.memref_slice %arg4[%dma_start3A_69] : memref<33024xf32, #tpu.memory_space<vmem>> -> memref<2048xf32, #tpu.memory_space<vmem>>
    %dma_start3A_71 = tpu.memref_slice %arg2[%add3A_68] : memref<67108864xf32, #tpu.memory_space<hbm>> -> memref<2048xf32, #tpu.memory_space<hbm>>
    %dma_start3A_72 = arith.constant 12384 : i32
    %dma_start3A_73 = tpu.memref_slice %arg4[%dma_start3A_72] : memref<33024xf32, #tpu.memory_space<vmem>> -> memref<2048xf32, #tpu.memory_space<vmem>>
    %dma_start3A_74 = tpu.memref_slice %arg2[%add3A_68] : memref<67108864xf32, #tpu.memory_space<hbm>> -> memref<2048xf32, #tpu.memory_space<hbm>>
    tpu.enqueue_dma source(%dma_start3A_74 : memref<2048xf32, #tpu.memory_space<hbm>>) target(%dma_start3A_73 : memref<2048xf32, #tpu.memory_space<vmem>>) target_semaphore(%arg8 : memref<!tpu.dma_semaphore, #tpu.memory_space<semaphore_mem>>)
    %add3A_75 = arith.constant 14336 : i32
    %add3A_76 = arith.addi %mul3A_19, %add3A_75 : i32
    %dma_start3A_77 = arith.constant 14448 : i32
    %dma_start3A_78 = tpu.memref_slice %arg4[%dma_start3A_77] : memref<33024xf32, #tpu.memory_space<vmem>> -> memref<2048xf32, #tpu.memory_space<vmem>>
    %dma_start3A_79 = tpu.memref_slice %arg2[%add3A_76] : memref<67108864xf32, #tpu.memory_space<hbm>> -> memref<2048xf32, #tpu.memory_space<hbm>>
    %dma_start3A_80 = arith.constant 14448 : i32
    %dma_start3A_81 = tpu.memref_slice %arg4[%dma_start3A_80] : memref<33024xf32, #tpu.memory_space<vmem>> -> memref<2048xf32, #tpu.memory_space<vmem>>
    %dma_start3A_82 = tpu.memref_slice %arg2[%add3A_76] : memref<67108864xf32, #tpu.memory_space<hbm>> -> memref<2048xf32, #tpu.memory_space<hbm>>
    tpu.enqueue_dma source(%dma_start3A_82 : memref<2048xf32, #tpu.memory_space<hbm>>) target(%dma_start3A_81 : memref<2048xf32, #tpu.memory_space<vmem>>) target_semaphore(%arg8 : memref<!tpu.dma_semaphore, #tpu.memory_space<semaphore_mem>>)
    %add3A_83 = arith.constant 16384 : i32
    %add3A_84 = arith.addi %mul3A_19, %add3A_83 : i32
    %dma_start3A_85 = arith.constant 16512 : i32
    %dma_start3A_86 = tpu.memref_slice %arg4[%dma_start3A_85] : memref<33024xf32, #tpu.memory_space<vmem>> -> memref<2048xf32, #tpu.memory_space<vmem>>
    %dma_start3A_87 = tpu.memref_slice %arg2[%add3A_84] : memref<67108864xf32, #tpu.memory_space<hbm>> -> memref<2048xf32, #tpu.memory_space<hbm>>
    %dma_start3A_88 = arith.constant 16512 : i32
    %dma_start3A_89 = tpu.memref_slice %arg4[%dma_start3A_88] : memref<33024xf32, #tpu.memory_space<vmem>> -> memref<2048xf32, #tpu.memory_space<vmem>>
    %dma_start3A_90 = tpu.memref_slice %arg2[%add3A_84] : memref<67108864xf32, #tpu.memory_space<hbm>> -> memref<2048xf32, #tpu.memory_space<hbm>>
    tpu.enqueue_dma source(%dma_start3A_90 : memref<2048xf32, #tpu.memory_space<hbm>>) target(%dma_start3A_89 : memref<2048xf32, #tpu.memory_space<vmem>>) target_semaphore(%arg8 : memref<!tpu.dma_semaphore, #tpu.memory_space<semaphore_mem>>)
    %add3A_91 = arith.constant 18432 : i32
    %add3A_92 = arith.addi %mul3A_19, %add3A_91 : i32
    %dma_start3A_93 = arith.constant 18576 : i32
    %dma_start3A_94 = tpu.memref_slice %arg4[%dma_start3A_93] : memref<33024xf32, #tpu.memory_space<vmem>> -> memref<2048xf32, #tpu.memory_space<vmem>>
    %dma_start3A_95 = tpu.memref_slice %arg2[%add3A_92] : memref<67108864xf32, #tpu.memory_space<hbm>> -> memref<2048xf32, #tpu.memory_space<hbm>>
    %dma_start3A_96 = arith.constant 18576 : i32
    %dma_start3A_97 = tpu.memref_slice %arg4[%dma_start3A_96] : memref<33024xf32, #tpu.memory_space<vmem>> -> memref<2048xf32, #tpu.memory_space<vmem>>
    %dma_start3A_98 = tpu.memref_slice %arg2[%add3A_92] : memref<67108864xf32, #tpu.memory_space<hbm>> -> memref<2048xf32, #tpu.memory_space<hbm>>
    tpu.enqueue_dma source(%dma_start3A_98 : memref<2048xf32, #tpu.memory_space<hbm>>) target(%dma_start3A_97 : memref<2048xf32, #tpu.memory_space<vmem>>) target_semaphore(%arg8 : memref<!tpu.dma_semaphore, #tpu.memory_space<semaphore_mem>>)
    %add3A_99 = arith.constant 20480 : i32
    %add3A_100 = arith.addi %mul3A_19, %add3A_99 : i32
    %dma_start3A_101 = arith.constant 20640 : i32
    %dma_start3A_102 = tpu.memref_slice %arg4[%dma_start3A_101] : memref<33024xf32, #tpu.memory_space<vmem>> -> memref<2048xf32, #tpu.memory_space<vmem>>
    %dma_start3A_103 = tpu.memref_slice %arg2[%add3A_100] : memref<67108864xf32, #tpu.memory_space<hbm>> -> memref<2048xf32, #tpu.memory_space<hbm>>
    %dma_start3A_104 = arith.constant 20640 : i32
    %dma_start3A_105 = tpu.memref_slice %arg4[%dma_start3A_104] : memref<33024xf32, #tpu.memory_space<vmem>> -> memref<2048xf32, #tpu.memory_space<vmem>>
    %dma_start3A_106 = tpu.memref_slice %arg2[%add3A_100] : memref<67108864xf32, #tpu.memory_space<hbm>> -> memref<2048xf32, #tpu.memory_space<hbm>>
    tpu.enqueue_dma source(%dma_start3A_106 : memref<2048xf32, #tpu.memory_space<hbm>>) target(%dma_start3A_105 : memref<2048xf32, #tpu.memory_space<vmem>>) target_semaphore(%arg8 : memref<!tpu.dma_semaphore, #tpu.memory_space<semaphore_mem>>)
    %add3A_107 = arith.constant 22528 : i32
    %add3A_108 = arith.addi %mul3A_19, %add3A_107 : i32
    %dma_start3A_109 = arith.constant 22704 : i32
    %dma_start3A_110 = tpu.memref_slice %arg4[%dma_start3A_109] : memref<33024xf32, #tpu.memory_space<vmem>> -> memref<2048xf32, #tpu.memory_space<vmem>>
    %dma_start3A_111 = tpu.memref_slice %arg2[%add3A_108] : memref<67108864xf32, #tpu.memory_space<hbm>> -> memref<2048xf32, #tpu.memory_space<hbm>>
    %dma_start3A_112 = arith.constant 22704 : i32
    %dma_start3A_113 = tpu.memref_slice %arg4[%dma_start3A_112] : memref<33024xf32, #tpu.memory_space<vmem>> -> memref<2048xf32, #tpu.memory_space<vmem>>
    %dma_start3A_114 = tpu.memref_slice %arg2[%add3A_108] : memref<67108864xf32, #tpu.memory_space<hbm>> -> memref<2048xf32, #tpu.memory_space<hbm>>
    tpu.enqueue_dma source(%dma_start3A_114 : memref<2048xf32, #tpu.memory_space<hbm>>) target(%dma_start3A_113 : memref<2048xf32, #tpu.memory_space<vmem>>) target_semaphore(%arg8 : memref<!tpu.dma_semaphore, #tpu.memory_space<semaphore_mem>>)
    %add3A_115 = arith.constant 24576 : i32
    %add3A_116 = arith.addi %mul3A_19, %add3A_115 : i32
    %dma_start3A_117 = arith.constant 24768 : i32
    %dma_start3A_118 = tpu.memref_slice %arg4[%dma_start3A_117] : memref<33024xf32, #tpu.memory_space<vmem>> -> memref<2048xf32, #tpu.memory_space<vmem>>
    %dma_start3A_119 = tpu.memref_slice %arg2[%add3A_116] : memref<67108864xf32, #tpu.memory_space<hbm>> -> memref<2048xf32, #tpu.memory_space<hbm>>
    %dma_start3A_120 = arith.constant 24768 : i32
    %dma_start3A_121 = tpu.memref_slice %arg4[%dma_start3A_120] : memref<33024xf32, #tpu.memory_space<vmem>> -> memref<2048xf32, #tpu.memory_space<vmem>>
    %dma_start3A_122 = tpu.memref_slice %arg2[%add3A_116] : memref<67108864xf32, #tpu.memory_space<hbm>> -> memref<2048xf32, #tpu.memory_space<hbm>>
    tpu.enqueue_dma source(%dma_start3A_122 : memref<2048xf32, #tpu.memory_space<hbm>>) target(%dma_start3A_121 : memref<2048xf32, #tpu.memory_space<vmem>>) target_semaphore(%arg8 : memref<!tpu.dma_semaphore, #tpu.memory_space<semaphore_mem>>)
    %add3A_123 = arith.constant 26624 : i32
    %add3A_124 = arith.addi %mul3A_19, %add3A_123 : i32
    %dma_start3A_125 = arith.constant 26832 : i32
    %dma_start3A_126 = tpu.memref_slice %arg4[%dma_start3A_125] : memref<33024xf32, #tpu.memory_space<vmem>> -> memref<2048xf32, #tpu.memory_space<vmem>>
    %dma_start3A_127 = tpu.memref_slice %arg2[%add3A_124] : memref<67108864xf32, #tpu.memory_space<hbm>> -> memref<2048xf32, #tpu.memory_space<hbm>>
    %dma_start3A_128 = arith.constant 26832 : i32
    %dma_start3A_129 = tpu.memref_slice %arg4[%dma_start3A_128] : memref<33024xf32, #tpu.memory_space<vmem>> -> memref<2048xf32, #tpu.memory_space<vmem>>
    %dma_start3A_130 = tpu.memref_slice %arg2[%add3A_124] : memref<67108864xf32, #tpu.memory_space<hbm>> -> memref<2048xf32, #tpu.memory_space<hbm>>
    tpu.enqueue_dma source(%dma_start3A_130 : memref<2048xf32, #tpu.memory_space<hbm>>) target(%dma_start3A_129 : memref<2048xf32, #tpu.memory_space<vmem>>) target_semaphore(%arg8 : memref<!tpu.dma_semaphore, #tpu.memory_space<semaphore_mem>>)
    %add3A_131 = arith.constant 28672 : i32
    %add3A_132 = arith.addi %mul3A_19, %add3A_131 : i32
    %dma_start3A_133 = arith.constant 28896 : i32
    %dma_start3A_134 = tpu.memref_slice %arg4[%dma_start3A_133] : memref<33024xf32, #tpu.memory_space<vmem>> -> memref<2048xf32, #tpu.memory_space<vmem>>
    %dma_start3A_135 = tpu.memref_slice %arg2[%add3A_132] : memref<67108864xf32, #tpu.memory_space<hbm>> -> memref<2048xf32, #tpu.memory_space<hbm>>
    %dma_start3A_136 = arith.constant 28896 : i32
    %dma_start3A_137 = tpu.memref_slice %arg4[%dma_start3A_136] : memref<33024xf32, #tpu.memory_space<vmem>> -> memref<2048xf32, #tpu.memory_space<vmem>>
    %dma_start3A_138 = tpu.memref_slice %arg2[%add3A_132] : memref<67108864xf32, #tpu.memory_space<hbm>> -> memref<2048xf32, #tpu.memory_space<hbm>>
    tpu.enqueue_dma source(%dma_start3A_138 : memref<2048xf32, #tpu.memory_space<hbm>>) target(%dma_start3A_137 : memref<2048xf32, #tpu.memory_space<vmem>>) target_semaphore(%arg8 : memref<!tpu.dma_semaphore, #tpu.memory_space<semaphore_mem>>)
    %add3A_139 = arith.constant 30720 : i32
    %add3A_140 = arith.addi %mul3A_19, %add3A_139 : i32
    %dma_start3A_141 = arith.constant 30960 : i32
    %dma_start3A_142 = tpu.memref_slice %arg4[%dma_start3A_141] : memref<33024xf32, #tpu.memory_space<vmem>> -> memref<2048xf32, #tpu.memory_space<vmem>>
    %dma_start3A_143 = tpu.memref_slice %arg2[%add3A_140] : memref<67108864xf32, #tpu.memory_space<hbm>> -> memref<2048xf32, #tpu.memory_space<hbm>>
    %dma_start3A_144 = arith.constant 30960 : i32
    %dma_start3A_145 = tpu.memref_slice %arg4[%dma_start3A_144] : memref<33024xf32, #tpu.memory_space<vmem>> -> memref<2048xf32, #tpu.memory_space<vmem>>
    %dma_start3A_146 = tpu.memref_slice %arg2[%add3A_140] : memref<67108864xf32, #tpu.memory_space<hbm>> -> memref<2048xf32, #tpu.memory_space<hbm>>
    tpu.enqueue_dma source(%dma_start3A_146 : memref<2048xf32, #tpu.memory_space<hbm>>) target(%dma_start3A_145 : memref<2048xf32, #tpu.memory_space<vmem>>) target_semaphore(%arg8 : memref<!tpu.dma_semaphore, #tpu.memory_space<semaphore_mem>>)
    %scan3A_147 = arith.constant 0 : i32
    %scan3A_148 = arith.constant 0 : i32
    %scan3A_149 = arith.constant 32 : i32
    %scan3A_150 = arith.addi %scan3A_148, %scan3A_149 : i32
    %scan3A_151 = arith.constant 1 : i32
    %scan3A_152 = scf.for %scan3A_155 = %scan3A_148 to %scan3A_150 step %scan3A_151 iter_args(%scan3A_156 = %scan3A_147) -> (i32)  : i32 {
      %mul3A_157 = arith.constant 2 : i32
      %mul3A_158 = arith.muli %scan3A_155, %mul3A_157 : i32
      %mul3A_159 = arith.constant 16 : i32
      %mul3A_160 = arith.muli %mul3A_158, %mul3A_159 : i32
      %add3A_161 = arith.addi %mul3A_2, %mul3A_160 : i32
      %mul3A_162 = arith.constant 2048 : i32
      %mul3A_163 = arith.muli %add3A_161, %mul3A_162 : i32
      %dma_start3A_164 = tpu.memref_slice %arg3[%mul3A_163] : memref<67108864xf32, #tpu.memory_space<hbm>> -> memref<32768xf32, #tpu.memory_space<hbm>>
      %dma_start3A_165 = tpu.memref_slice %arg3[%mul3A_163] : memref<67108864xf32, #tpu.memory_space<hbm>> -> memref<32768xf32, #tpu.memory_space<hbm>>
      tpu.enqueue_dma source(%arg6 : memref<32768xf32, #tpu.memory_space<vmem>>) target(%dma_start3A_165 : memref<32768xf32, #tpu.memory_space<hbm>>) target_semaphore(%arg10 : memref<!tpu.dma_semaphore, #tpu.memory_space<semaphore_mem>>)
      %add3A_166 = arith.constant 1 : i32
      %add3A_167 = arith.addi %mul3A_158, %add3A_166 : i32
      %lt3A = arith.constant 64 : i32
      %lt3A_168 = arith.cmpi slt, %add3A_167, %lt3A : i32
      %convert_element_type3A = arith.extui %lt3A_168 : i1 to i32
      %cond3A = arith.constant 0 : i32
      %cond3A_169 = arith.cmpi ne, %convert_element_type3A, %cond3A : i32
      scf.if %cond3A_169 {
        %add3A_627 = arith.constant 1 : i32
        %add3A_628 = arith.addi %mul3A_158, %add3A_627 : i32
        %mul3A_629 = arith.constant 16 : i32
        %mul3A_630 = arith.muli %add3A_628, %mul3A_629 : i32
        %add3A_631 = arith.addi %mul3A_2, %mul3A_630 : i32
        %mul3A_632 = arith.constant 2048 : i32
        %mul3A_633 = arith.muli %add3A_631, %mul3A_632 : i32
        %add3A_634 = arith.constant 0 : i32
        %add3A_635 = arith.addi %mul3A_633, %add3A_634 : i32
        %dma_start3A_636 = arith.constant 0 : i32
        %dma_start3A_637 = tpu.memref_slice %arg5[%dma_start3A_636] : memref<33024xf32, #tpu.memory_space<vmem>> -> memref<2048xf32, #tpu.memory_space<vmem>>
        %dma_start3A_638 = tpu.memref_slice %arg2[%add3A_635] : memref<67108864xf32, #tpu.memory_space<hbm>> -> memref<2048xf32, #tpu.memory_space<hbm>>
        %dma_start3A_639 = arith.constant 0 : i32
        %dma_start3A_640 = tpu.memref_slice %arg5[%dma_start3A_639] : memref<33024xf32, #tpu.memory_space<vmem>> -> memref<2048xf32, #tpu.memory_space<vmem>>
        %dma_start3A_641 = tpu.memref_slice %arg2[%add3A_635] : memref<67108864xf32, #tpu.memory_space<hbm>> -> memref<2048xf32, #tpu.memory_space<hbm>>
        tpu.enqueue_dma source(%dma_start3A_641 : memref<2048xf32, #tpu.memory_space<hbm>>) target(%dma_start3A_640 : memref<2048xf32, #tpu.memory_space<vmem>>) target_semaphore(%arg9 : memref<!tpu.dma_semaphore, #tpu.memory_space<semaphore_mem>>)
        %add3A_642 = arith.constant 2048 : i32
        %add3A_643 = arith.addi %mul3A_633, %add3A_642 : i32
        %dma_start3A_644 = arith.constant 2064 : i32
        %dma_start3A_645 = tpu.memref_slice %arg5[%dma_start3A_644] : memref<33024xf32, #tpu.memory_space<vmem>> -> memref<2048xf32, #tpu.memory_space<vmem>>
        %dma_start3A_646 = tpu.memref_slice %arg2[%add3A_643] : memref<67108864xf32, #tpu.memory_space<hbm>> -> memref<2048xf32, #tpu.memory_space<hbm>>
        %dma_start3A_647 = arith.constant 2064 : i32
        %dma_start3A_648 = tpu.memref_slice %arg5[%dma_start3A_647] : memref<33024xf32, #tpu.memory_space<vmem>> -> memref<2048xf32, #tpu.memory_space<vmem>>
        %dma_start3A_649 = tpu.memref_slice %arg2[%add3A_643] : memref<67108864xf32, #tpu.memory_space<hbm>> -> memref<2048xf32, #tpu.memory_space<hbm>>
        tpu.enqueue_dma source(%dma_start3A_649 : memref<2048xf32, #tpu.memory_space<hbm>>) target(%dma_start3A_648 : memref<2048xf32, #tpu.memory_space<vmem>>) target_semaphore(%arg9 : memref<!tpu.dma_semaphore, #tpu.memory_space<semaphore_mem>>)
        %add3A_650 = arith.constant 4096 : i32
        %add3A_651 = arith.addi %mul3A_633, %add3A_650 : i32
        %dma_start3A_652 = arith.constant 4128 : i32
        %dma_start3A_653 = tpu.memref_slice %arg5[%dma_start3A_652] : memref<33024xf32, #tpu.memory_space<vmem>> -> memref<2048xf32, #tpu.memory_space<vmem>>
        %dma_start3A_654 = tpu.memref_slice %arg2[%add3A_651] : memref<67108864xf32, #tpu.memory_space<hbm>> -> memref<2048xf32, #tpu.memory_space<hbm>>
        %dma_start3A_655 = arith.constant 4128 : i32
        %dma_start3A_656 = tpu.memref_slice %arg5[%dma_start3A_655] : memref<33024xf32, #tpu.memory_space<vmem>> -> memref<2048xf32, #tpu.memory_space<vmem>>
        %dma_start3A_657 = tpu.memref_slice %arg2[%add3A_651] : memref<67108864xf32, #tpu.memory_space<hbm>> -> memref<2048xf32, #tpu.memory_space<hbm>>
        tpu.enqueue_dma source(%dma_start3A_657 : memref<2048xf32, #tpu.memory_space<hbm>>) target(%dma_start3A_656 : memref<2048xf32, #tpu.memory_space<vmem>>) target_semaphore(%arg9 : memref<!tpu.dma_semaphore, #tpu.memory_space<semaphore_mem>>)
        %add3A_658 = arith.constant 6144 : i32
        %add3A_659 = arith.addi %mul3A_633, %add3A_658 : i32
        %dma_start3A_660 = arith.constant 6192 : i32
        %dma_start3A_661 = tpu.memref_slice %arg5[%dma_start3A_660] : memref<33024xf32, #tpu.memory_space<vmem>> -> memref<2048xf32, #tpu.memory_space<vmem>>
        %dma_start3A_662 = tpu.memref_slice %arg2[%add3A_659] : memref<67108864xf32, #tpu.memory_space<hbm>> -> memref<2048xf32, #tpu.memory_space<hbm>>
        %dma_start3A_663 = arith.constant 6192 : i32
        %dma_start3A_664 = tpu.memref_slice %arg5[%dma_start3A_663] : memref<33024xf32, #tpu.memory_space<vmem>> -> memref<2048xf32, #tpu.memory_space<vmem>>
        %dma_start3A_665 = tpu.memref_slice %arg2[%add3A_659] : memref<67108864xf32, #tpu.memory_space<hbm>> -> memref<2048xf32, #tpu.memory_space<hbm>>
        tpu.enqueue_dma source(%dma_start3A_665 : memref<2048xf32, #tpu.memory_space<hbm>>) target(%dma_start3A_664 : memref<2048xf32, #tpu.memory_space<vmem>>) target_semaphore(%arg9 : memref<!tpu.dma_semaphore, #tpu.memory_space<semaphore_mem>>)
        %add3A_666 = arith.constant 8192 : i32
        %add3A_667 = arith.addi %mul3A_633, %add3A_666 : i32
        %dma_start3A_668 = arith.constant 8256 : i32
        %dma_start3A_669 = tpu.memref_slice %arg5[%dma_start3A_668] : memref<33024xf32, #tpu.memory_space<vmem>> -> memref<2048xf32, #tpu.memory_space<vmem>>
        %dma_start3A_670 = tpu.memref_slice %arg2[%add3A_667] : memref<67108864xf32, #tpu.memory_space<hbm>> -> memref<2048xf32, #tpu.memory_space<hbm>>
        %dma_start3A_671 = arith.constant 8256 : i32
        %dma_start3A_672 = tpu.memref_slice %arg5[%dma_start3A_671] : memref<33024xf32, #tpu.memory_space<vmem>> -> memref<2048xf32, #tpu.memory_space<vmem>>
        %dma_start3A_673 = tpu.memref_slice %arg2[%add3A_667] : memref<67108864xf32, #tpu.memory_space<hbm>> -> memref<2048xf32, #tpu.memory_space<hbm>>
        tpu.enqueue_dma source(%dma_start3A_673 : memref<2048xf32, #tpu.memory_space<hbm>>) target(%dma_start3A_672 : memref<2048xf32, #tpu.memory_space<vmem>>) target_semaphore(%arg9 : memref<!tpu.dma_semaphore, #tpu.memory_space<semaphore_mem>>)
        %add3A_674 = arith.constant 10240 : i32
        %add3A_675 = arith.addi %mul3A_633, %add3A_674 : i32
        %dma_start3A_676 = arith.constant 10320 : i32
        %dma_start3A_677 = tpu.memref_slice %arg5[%dma_start3A_676] : memref<33024xf32, #tpu.memory_space<vmem>> -> memref<2048xf32, #tpu.memory_space<vmem>>
        %dma_start3A_678 = tpu.memref_slice %arg2[%add3A_675] : memref<67108864xf32, #tpu.memory_space<hbm>> -> memref<2048xf32, #tpu.memory_space<hbm>>
        %dma_start3A_679 = arith.constant 10320 : i32
        %dma_start3A_680 = tpu.memref_slice %arg5[%dma_start3A_679] : memref<33024xf32, #tpu.memory_space<vmem>> -> memref<2048xf32, #tpu.memory_space<vmem>>
        %dma_start3A_681 = tpu.memref_slice %arg2[%add3A_675] : memref<67108864xf32, #tpu.memory_space<hbm>> -> memref<2048xf32, #tpu.memory_space<hbm>>
        tpu.enqueue_dma source(%dma_start3A_681 : memref<2048xf32, #tpu.memory_space<hbm>>) target(%dma_start3A_680 : memref<2048xf32, #tpu.memory_space<vmem>>) target_semaphore(%arg9 : memref<!tpu.dma_semaphore, #tpu.memory_space<semaphore_mem>>)
        %add3A_682 = arith.constant 12288 : i32
        %add3A_683 = arith.addi %mul3A_633, %add3A_682 : i32
        %dma_start3A_684 = arith.constant 12384 : i32
        %dma_start3A_685 = tpu.memref_slice %arg5[%dma_start3A_684] : memref<33024xf32, #tpu.memory_space<vmem>> -> memref<2048xf32, #tpu.memory_space<vmem>>
        %dma_start3A_686 = tpu.memref_slice %arg2[%add3A_683] : memref<67108864xf32, #tpu.memory_space<hbm>> -> memref<2048xf32, #tpu.memory_space<hbm>>
        %dma_start3A_687 = arith.constant 12384 : i32
        %dma_start3A_688 = tpu.memref_slice %arg5[%dma_start3A_687] : memref<33024xf32, #tpu.memory_space<vmem>> -> memref<2048xf32, #tpu.memory_space<vmem>>
        %dma_start3A_689 = tpu.memref_slice %arg2[%add3A_683] : memref<67108864xf32, #tpu.memory_space<hbm>> -> memref<2048xf32, #tpu.memory_space<hbm>>
        tpu.enqueue_dma source(%dma_start3A_689 : memref<2048xf32, #tpu.memory_space<hbm>>) target(%dma_start3A_688 : memref<2048xf32, #tpu.memory_space<vmem>>) target_semaphore(%arg9 : memref<!tpu.dma_semaphore, #tpu.memory_space<semaphore_mem>>)
        %add3A_690 = arith.constant 14336 : i32
        %add3A_691 = arith.addi %mul3A_633, %add3A_690 : i32
        %dma_start3A_692 = arith.constant 14448 : i32
        %dma_start3A_693 = tpu.memref_slice %arg5[%dma_start3A_692] : memref<33024xf32, #tpu.memory_space<vmem>> -> memref<2048xf32, #tpu.memory_space<vmem>>
        %dma_start3A_694 = tpu.memref_slice %arg2[%add3A_691] : memref<67108864xf32, #tpu.memory_space<hbm>> -> memref<2048xf32, #tpu.memory_space<hbm>>
        %dma_start3A_695 = arith.constant 14448 : i32
        %dma_start3A_696 = tpu.memref_slice %arg5[%dma_start3A_695] : memref<33024xf32, #tpu.memory_space<vmem>> -> memref<2048xf32, #tpu.memory_space<vmem>>
        %dma_start3A_697 = tpu.memref_slice %arg2[%add3A_691] : memref<67108864xf32, #tpu.memory_space<hbm>> -> memref<2048xf32, #tpu.memory_space<hbm>>
        tpu.enqueue_dma source(%dma_start3A_697 : memref<2048xf32, #tpu.memory_space<hbm>>) target(%dma_start3A_696 : memref<2048xf32, #tpu.memory_space<vmem>>) target_semaphore(%arg9 : memref<!tpu.dma_semaphore, #tpu.memory_space<semaphore_mem>>)
        %add3A_698 = arith.constant 16384 : i32
        %add3A_699 = arith.addi %mul3A_633, %add3A_698 : i32
        %dma_start3A_700 = arith.constant 16512 : i32
        %dma_start3A_701 = tpu.memref_slice %arg5[%dma_start3A_700] : memref<33024xf32, #tpu.memory_space<vmem>> -> memref<2048xf32, #tpu.memory_space<vmem>>
        %dma_start3A_702 = tpu.memref_slice %arg2[%add3A_699] : memref<67108864xf32, #tpu.memory_space<hbm>> -> memref<2048xf32, #tpu.memory_space<hbm>>
        %dma_start3A_703 = arith.constant 16512 : i32
        %dma_start3A_704 = tpu.memref_slice %arg5[%dma_start3A_703] : memref<33024xf32, #tpu.memory_space<vmem>> -> memref<2048xf32, #tpu.memory_space<vmem>>
        %dma_start3A_705 = tpu.memref_slice %arg2[%add3A_699] : memref<67108864xf32, #tpu.memory_space<hbm>> -> memref<2048xf32, #tpu.memory_space<hbm>>
        tpu.enqueue_dma source(%dma_start3A_705 : memref<2048xf32, #tpu.memory_space<hbm>>) target(%dma_start3A_704 : memref<2048xf32, #tpu.memory_space<vmem>>) target_semaphore(%arg9 : memref<!tpu.dma_semaphore, #tpu.memory_space<semaphore_mem>>)
        %add3A_706 = arith.constant 18432 : i32
        %add3A_707 = arith.addi %mul3A_633, %add3A_706 : i32
        %dma_start3A_708 = arith.constant 18576 : i32
        %dma_start3A_709 = tpu.memref_slice %arg5[%dma_start3A_708] : memref<33024xf32, #tpu.memory_space<vmem>> -> memref<2048xf32, #tpu.memory_space<vmem>>
        %dma_start3A_710 = tpu.memref_slice %arg2[%add3A_707] : memref<67108864xf32, #tpu.memory_space<hbm>> -> memref<2048xf32, #tpu.memory_space<hbm>>
        %dma_start3A_711 = arith.constant 18576 : i32
        %dma_start3A_712 = tpu.memref_slice %arg5[%dma_start3A_711] : memref<33024xf32, #tpu.memory_space<vmem>> -> memref<2048xf32, #tpu.memory_space<vmem>>
        %dma_start3A_713 = tpu.memref_slice %arg2[%add3A_707] : memref<67108864xf32, #tpu.memory_space<hbm>> -> memref<2048xf32, #tpu.memory_space<hbm>>
        tpu.enqueue_dma source(%dma_start3A_713 : memref<2048xf32, #tpu.memory_space<hbm>>) target(%dma_start3A_712 : memref<2048xf32, #tpu.memory_space<vmem>>) target_semaphore(%arg9 : memref<!tpu.dma_semaphore, #tpu.memory_space<semaphore_mem>>)
        %add3A_714 = arith.constant 20480 : i32
        %add3A_715 = arith.addi %mul3A_633, %add3A_714 : i32
        %dma_start3A_716 = arith.constant 20640 : i32
        %dma_start3A_717 = tpu.memref_slice %arg5[%dma_start3A_716] : memref<33024xf32, #tpu.memory_space<vmem>> -> memref<2048xf32, #tpu.memory_space<vmem>>
        %dma_start3A_718 = tpu.memref_slice %arg2[%add3A_715] : memref<67108864xf32, #tpu.memory_space<hbm>> -> memref<2048xf32, #tpu.memory_space<hbm>>
        %dma_start3A_719 = arith.constant 20640 : i32
        %dma_start3A_720 = tpu.memref_slice %arg5[%dma_start3A_719] : memref<33024xf32, #tpu.memory_space<vmem>> -> memref<2048xf32, #tpu.memory_space<vmem>>
        %dma_start3A_721 = tpu.memref_slice %arg2[%add3A_715] : memref<67108864xf32, #tpu.memory_space<hbm>> -> memref<2048xf32, #tpu.memory_space<hbm>>
        tpu.enqueue_dma source(%dma_start3A_721 : memref<2048xf32, #tpu.memory_space<hbm>>) target(%dma_start3A_720 : memref<2048xf32, #tpu.memory_space<vmem>>) target_semaphore(%arg9 : memref<!tpu.dma_semaphore, #tpu.memory_space<semaphore_mem>>)
        %add3A_722 = arith.constant 22528 : i32
        %add3A_723 = arith.addi %mul3A_633, %add3A_722 : i32
        %dma_start3A_724 = arith.constant 22704 : i32
        %dma_start3A_725 = tpu.memref_slice %arg5[%dma_start3A_724] : memref<33024xf32, #tpu.memory_space<vmem>> -> memref<2048xf32, #tpu.memory_space<vmem>>
        %dma_start3A_726 = tpu.memref_slice %arg2[%add3A_723] : memref<67108864xf32, #tpu.memory_space<hbm>> -> memref<2048xf32, #tpu.memory_space<hbm>>
        %dma_start3A_727 = arith.constant 22704 : i32
        %dma_start3A_728 = tpu.memref_slice %arg5[%dma_start3A_727] : memref<33024xf32, #tpu.memory_space<vmem>> -> memref<2048xf32, #tpu.memory_space<vmem>>
        %dma_start3A_729 = tpu.memref_slice %arg2[%add3A_723] : memref<67108864xf32, #tpu.memory_space<hbm>> -> memref<2048xf32, #tpu.memory_space<hbm>>
        tpu.enqueue_dma source(%dma_start3A_729 : memref<2048xf32, #tpu.memory_space<hbm>>) target(%dma_start3A_728 : memref<2048xf32, #tpu.memory_space<vmem>>) target_semaphore(%arg9 : memref<!tpu.dma_semaphore, #tpu.memory_space<semaphore_mem>>)
        %add3A_730 = arith.constant 24576 : i32
        %add3A_731 = arith.addi %mul3A_633, %add3A_730 : i32
        %dma_start3A_732 = arith.constant 24768 : i32
        %dma_start3A_733 = tpu.memref_slice %arg5[%dma_start3A_732] : memref<33024xf32, #tpu.memory_space<vmem>> -> memref<2048xf32, #tpu.memory_space<vmem>>
        %dma_start3A_734 = tpu.memref_slice %arg2[%add3A_731] : memref<67108864xf32, #tpu.memory_space<hbm>> -> memref<2048xf32, #tpu.memory_space<hbm>>
        %dma_start3A_735 = arith.constant 24768 : i32
        %dma_start3A_736 = tpu.memref_slice %arg5[%dma_start3A_735] : memref<33024xf32, #tpu.memory_space<vmem>> -> memref<2048xf32, #tpu.memory_space<vmem>>
        %dma_start3A_737 = tpu.memref_slice %arg2[%add3A_731] : memref<67108864xf32, #tpu.memory_space<hbm>> -> memref<2048xf32, #tpu.memory_space<hbm>>
        tpu.enqueue_dma source(%dma_start3A_737 : memref<2048xf32, #tpu.memory_space<hbm>>) target(%dma_start3A_736 : memref<2048xf32, #tpu.memory_space<vmem>>) target_semaphore(%arg9 : memref<!tpu.dma_semaphore, #tpu.memory_space<semaphore_mem>>)
        %add3A_738 = arith.constant 26624 : i32
        %add3A_739 = arith.addi %mul3A_633, %add3A_738 : i32
        %dma_start3A_740 = arith.constant 26832 : i32
        %dma_start3A_741 = tpu.memref_slice %arg5[%dma_start3A_740] : memref<33024xf32, #tpu.memory_space<vmem>> -> memref<2048xf32, #tpu.memory_space<vmem>>
        %dma_start3A_742 = tpu.memref_slice %arg2[%add3A_739] : memref<67108864xf32, #tpu.memory_space<hbm>> -> memref<2048xf32, #tpu.memory_space<hbm>>
        %dma_start3A_743 = arith.constant 26832 : i32
        %dma_start3A_744 = tpu.memref_slice %arg5[%dma_start3A_743] : memref<33024xf32, #tpu.memory_space<vmem>> -> memref<2048xf32, #tpu.memory_space<vmem>>
        %dma_start3A_745 = tpu.memref_slice %arg2[%add3A_739] : memref<67108864xf32, #tpu.memory_space<hbm>> -> memref<2048xf32, #tpu.memory_space<hbm>>
        tpu.enqueue_dma source(%dma_start3A_745 : memref<2048xf32, #tpu.memory_space<hbm>>) target(%dma_start3A_744 : memref<2048xf32, #tpu.memory_space<vmem>>) target_semaphore(%arg9 : memref<!tpu.dma_semaphore, #tpu.memory_space<semaphore_mem>>)
        %add3A_746 = arith.constant 28672 : i32
        %add3A_747 = arith.addi %mul3A_633, %add3A_746 : i32
        %dma_start3A_748 = arith.constant 28896 : i32
        %dma_start3A_749 = tpu.memref_slice %arg5[%dma_start3A_748] : memref<33024xf32, #tpu.memory_space<vmem>> -> memref<2048xf32, #tpu.memory_space<vmem>>
        %dma_start3A_750 = tpu.memref_slice %arg2[%add3A_747] : memref<67108864xf32, #tpu.memory_space<hbm>> -> memref<2048xf32, #tpu.memory_space<hbm>>
        %dma_start3A_751 = arith.constant 28896 : i32
        %dma_start3A_752 = tpu.memref_slice %arg5[%dma_start3A_751] : memref<33024xf32, #tpu.memory_space<vmem>> -> memref<2048xf32, #tpu.memory_space<vmem>>
        %dma_start3A_753 = tpu.memref_slice %arg2[%add3A_747] : memref<67108864xf32, #tpu.memory_space<hbm>> -> memref<2048xf32, #tpu.memory_space<hbm>>
        tpu.enqueue_dma source(%dma_start3A_753 : memref<2048xf32, #tpu.memory_space<hbm>>) target(%dma_start3A_752 : memref<2048xf32, #tpu.memory_space<vmem>>) target_semaphore(%arg9 : memref<!tpu.dma_semaphore, #tpu.memory_space<semaphore_mem>>)
        %add3A_754 = arith.constant 30720 : i32
        %add3A_755 = arith.addi %mul3A_633, %add3A_754 : i32
        %dma_start3A_756 = arith.constant 30960 : i32
        %dma_start3A_757 = tpu.memref_slice %arg5[%dma_start3A_756] : memref<33024xf32, #tpu.memory_space<vmem>> -> memref<2048xf32, #tpu.memory_space<vmem>>
        %dma_start3A_758 = tpu.memref_slice %arg2[%add3A_755] : memref<67108864xf32, #tpu.memory_space<hbm>> -> memref<2048xf32, #tpu.memory_space<hbm>>
        %dma_start3A_759 = arith.constant 30960 : i32
        %dma_start3A_760 = tpu.memref_slice %arg5[%dma_start3A_759] : memref<33024xf32, #tpu.memory_space<vmem>> -> memref<2048xf32, #tpu.memory_space<vmem>>
        %dma_start3A_761 = tpu.memref_slice %arg2[%add3A_755] : memref<67108864xf32, #tpu.memory_space<hbm>> -> memref<2048xf32, #tpu.memory_space<hbm>>
        tpu.enqueue_dma source(%dma_start3A_761 : memref<2048xf32, #tpu.memory_space<hbm>>) target(%dma_start3A_760 : memref<2048xf32, #tpu.memory_space<vmem>>) target_semaphore(%arg9 : memref<!tpu.dma_semaphore, #tpu.memory_space<semaphore_mem>>)
      } else {
      }
      %mul3A_170 = arith.constant 2048 : i32
      %mul3A_171 = arith.muli %mul3A_2, %mul3A_170 : i32
      %add3A_172 = arith.constant 0 : i32
      %add3A_173 = arith.addi %mul3A_171, %add3A_172 : i32
      %dma_wait3A_174 = arith.constant 0 : i32
      %dma_wait3A_175 = tpu.memref_slice %arg4[%dma_wait3A_174] : memref<33024xf32, #tpu.memory_space<vmem>> -> memref<2048xf32, #tpu.memory_space<vmem>>
      %dma_wait3A_176 = tpu.memref_slice %arg2[%add3A_173] : memref<67108864xf32, #tpu.memory_space<hbm>> -> memref<2048xf32, #tpu.memory_space<hbm>>
      %dma_wait3A_177 = arith.constant 0 : i32
      %dma_wait3A_178 = tpu.memref_slice %arg4[%dma_wait3A_177] : memref<33024xf32, #tpu.memory_space<vmem>> -> memref<2048xf32, #tpu.memory_space<vmem>>
      %dma_wait3A_179 = tpu.memref_slice %arg2[%add3A_173] : memref<67108864xf32, #tpu.memory_space<hbm>> -> memref<2048xf32, #tpu.memory_space<hbm>>
      tpu.wait_dma2 semaphore(%arg8 : memref<!tpu.dma_semaphore, #tpu.memory_space<semaphore_mem>>) src(%dma_wait3A_179 : memref<2048xf32, #tpu.memory_space<hbm>>) dst(%dma_wait3A_178 : memref<2048xf32, #tpu.memory_space<vmem>>)
      %mul3A_180 = arith.constant 2048 : i32
      %mul3A_181 = arith.muli %mul3A_2, %mul3A_180 : i32
      %add3A_182 = arith.constant 2048 : i32
      %add3A_183 = arith.addi %mul3A_181, %add3A_182 : i32
      %dma_wait3A_184 = arith.constant 2064 : i32
      %dma_wait3A_185 = tpu.memref_slice %arg4[%dma_wait3A_184] : memref<33024xf32, #tpu.memory_space<vmem>> -> memref<2048xf32, #tpu.memory_space<vmem>>
      %dma_wait3A_186 = tpu.memref_slice %arg2[%add3A_183] : memref<67108864xf32, #tpu.memory_space<hbm>> -> memref<2048xf32, #tpu.memory_space<hbm>>
      %dma_wait3A_187 = arith.constant 2064 : i32
      %dma_wait3A_188 = tpu.memref_slice %arg4[%dma_wait3A_187] : memref<33024xf32, #tpu.memory_space<vmem>> -> memref<2048xf32, #tpu.memory_space<vmem>>
      %dma_wait3A_189 = tpu.memref_slice %arg2[%add3A_183] : memref<67108864xf32, #tpu.memory_space<hbm>> -> memref<2048xf32, #tpu.memory_space<hbm>>
      tpu.wait_dma2 semaphore(%arg8 : memref<!tpu.dma_semaphore, #tpu.memory_space<semaphore_mem>>) src(%dma_wait3A_189 : memref<2048xf32, #tpu.memory_space<hbm>>) dst(%dma_wait3A_188 : memref<2048xf32, #tpu.memory_space<vmem>>)
      %mul3A_190 = arith.constant 2048 : i32
      %mul3A_191 = arith.muli %mul3A_2, %mul3A_190 : i32
      %add3A_192 = arith.constant 4096 : i32
      %add3A_193 = arith.addi %mul3A_191, %add3A_192 : i32
      %dma_wait3A_194 = arith.constant 4128 : i32
      %dma_wait3A_195 = tpu.memref_slice %arg4[%dma_wait3A_194] : memref<33024xf32, #tpu.memory_space<vmem>> -> memref<2048xf32, #tpu.memory_space<vmem>>
      %dma_wait3A_196 = tpu.memref_slice %arg2[%add3A_193] : memref<67108864xf32, #tpu.memory_space<hbm>> -> memref<2048xf32, #tpu.memory_space<hbm>>
      %dma_wait3A_197 = arith.constant 4128 : i32
      %dma_wait3A_198 = tpu.memref_slice %arg4[%dma_wait3A_197] : memref<33024xf32, #tpu.memory_space<vmem>> -> memref<2048xf32, #tpu.memory_space<vmem>>
      %dma_wait3A_199 = tpu.memref_slice %arg2[%add3A_193] : memref<67108864xf32, #tpu.memory_space<hbm>> -> memref<2048xf32, #tpu.memory_space<hbm>>
      tpu.wait_dma2 semaphore(%arg8 : memref<!tpu.dma_semaphore, #tpu.memory_space<semaphore_mem>>) src(%dma_wait3A_199 : memref<2048xf32, #tpu.memory_space<hbm>>) dst(%dma_wait3A_198 : memref<2048xf32, #tpu.memory_space<vmem>>)
      %mul3A_200 = arith.constant 2048 : i32
      %mul3A_201 = arith.muli %mul3A_2, %mul3A_200 : i32
      %add3A_202 = arith.constant 6144 : i32
      %add3A_203 = arith.addi %mul3A_201, %add3A_202 : i32
      %dma_wait3A_204 = arith.constant 6192 : i32
      %dma_wait3A_205 = tpu.memref_slice %arg4[%dma_wait3A_204] : memref<33024xf32, #tpu.memory_space<vmem>> -> memref<2048xf32, #tpu.memory_space<vmem>>
      %dma_wait3A_206 = tpu.memref_slice %arg2[%add3A_203] : memref<67108864xf32, #tpu.memory_space<hbm>> -> memref<2048xf32, #tpu.memory_space<hbm>>
      %dma_wait3A_207 = arith.constant 6192 : i32
      %dma_wait3A_208 = tpu.memref_slice %arg4[%dma_wait3A_207] : memref<33024xf32, #tpu.memory_space<vmem>> -> memref<2048xf32, #tpu.memory_space<vmem>>
      %dma_wait3A_209 = tpu.memref_slice %arg2[%add3A_203] : memref<67108864xf32, #tpu.memory_space<hbm>> -> memref<2048xf32, #tpu.memory_space<hbm>>
      tpu.wait_dma2 semaphore(%arg8 : memref<!tpu.dma_semaphore, #tpu.memory_space<semaphore_mem>>) src(%dma_wait3A_209 : memref<2048xf32, #tpu.memory_space<hbm>>) dst(%dma_wait3A_208 : memref<2048xf32, #tpu.memory_space<vmem>>)
      %mul3A_210 = arith.constant 2048 : i32
      %mul3A_211 = arith.muli %mul3A_2, %mul3A_210 : i32
      %add3A_212 = arith.constant 8192 : i32
      %add3A_213 = arith.addi %mul3A_211, %add3A_212 : i32
      %dma_wait3A_214 = arith.constant 8256 : i32
      %dma_wait3A_215 = tpu.memref_slice %arg4[%dma_wait3A_214] : memref<33024xf32, #tpu.memory_space<vmem>> -> memref<2048xf32, #tpu.memory_space<vmem>>
      %dma_wait3A_216 = tpu.memref_slice %arg2[%add3A_213] : memref<67108864xf32, #tpu.memory_space<hbm>> -> memref<2048xf32, #tpu.memory_space<hbm>>
      %dma_wait3A_217 = arith.constant 8256 : i32
      %dma_wait3A_218 = tpu.memref_slice %arg4[%dma_wait3A_217] : memref<33024xf32, #tpu.memory_space<vmem>> -> memref<2048xf32, #tpu.memory_space<vmem>>
      %dma_wait3A_219 = tpu.memref_slice %arg2[%add3A_213] : memref<67108864xf32, #tpu.memory_space<hbm>> -> memref<2048xf32, #tpu.memory_space<hbm>>
      tpu.wait_dma2 semaphore(%arg8 : memref<!tpu.dma_semaphore, #tpu.memory_space<semaphore_mem>>) src(%dma_wait3A_219 : memref<2048xf32, #tpu.memory_space<hbm>>) dst(%dma_wait3A_218 : memref<2048xf32, #tpu.memory_space<vmem>>)
      %mul3A_220 = arith.constant 2048 : i32
      %mul3A_221 = arith.muli %mul3A_2, %mul3A_220 : i32
      %add3A_222 = arith.constant 10240 : i32
      %add3A_223 = arith.addi %mul3A_221, %add3A_222 : i32
      %dma_wait3A_224 = arith.constant 10320 : i32
      %dma_wait3A_225 = tpu.memref_slice %arg4[%dma_wait3A_224] : memref<33024xf32, #tpu.memory_space<vmem>> -> memref<2048xf32, #tpu.memory_space<vmem>>
      %dma_wait3A_226 = tpu.memref_slice %arg2[%add3A_223] : memref<67108864xf32, #tpu.memory_space<hbm>> -> memref<2048xf32, #tpu.memory_space<hbm>>
      %dma_wait3A_227 = arith.constant 10320 : i32
      %dma_wait3A_228 = tpu.memref_slice %arg4[%dma_wait3A_227] : memref<33024xf32, #tpu.memory_space<vmem>> -> memref<2048xf32, #tpu.memory_space<vmem>>
      %dma_wait3A_229 = tpu.memref_slice %arg2[%add3A_223] : memref<67108864xf32, #tpu.memory_space<hbm>> -> memref<2048xf32, #tpu.memory_space<hbm>>
      tpu.wait_dma2 semaphore(%arg8 : memref<!tpu.dma_semaphore, #tpu.memory_space<semaphore_mem>>) src(%dma_wait3A_229 : memref<2048xf32, #tpu.memory_space<hbm>>) dst(%dma_wait3A_228 : memref<2048xf32, #tpu.memory_space<vmem>>)
      %mul3A_230 = arith.constant 2048 : i32
      %mul3A_231 = arith.muli %mul3A_2, %mul3A_230 : i32
      %add3A_232 = arith.constant 12288 : i32
      %add3A_233 = arith.addi %mul3A_231, %add3A_232 : i32
      %dma_wait3A_234 = arith.constant 12384 : i32
      %dma_wait3A_235 = tpu.memref_slice %arg4[%dma_wait3A_234] : memref<33024xf32, #tpu.memory_space<vmem>> -> memref<2048xf32, #tpu.memory_space<vmem>>
      %dma_wait3A_236 = tpu.memref_slice %arg2[%add3A_233] : memref<67108864xf32, #tpu.memory_space<hbm>> -> memref<2048xf32, #tpu.memory_space<hbm>>
      %dma_wait3A_237 = arith.constant 12384 : i32
      %dma_wait3A_238 = tpu.memref_slice %arg4[%dma_wait3A_237] : memref<33024xf32, #tpu.memory_space<vmem>> -> memref<2048xf32, #tpu.memory_space<vmem>>
      %dma_wait3A_239 = tpu.memref_slice %arg2[%add3A_233] : memref<67108864xf32, #tpu.memory_space<hbm>> -> memref<2048xf32, #tpu.memory_space<hbm>>
      tpu.wait_dma2 semaphore(%arg8 : memref<!tpu.dma_semaphore, #tpu.memory_space<semaphore_mem>>) src(%dma_wait3A_239 : memref<2048xf32, #tpu.memory_space<hbm>>) dst(%dma_wait3A_238 : memref<2048xf32, #tpu.memory_space<vmem>>)
      %mul3A_240 = arith.constant 2048 : i32
      %mul3A_241 = arith.muli %mul3A_2, %mul3A_240 : i32
      %add3A_242 = arith.constant 14336 : i32
      %add3A_243 = arith.addi %mul3A_241, %add3A_242 : i32
      %dma_wait3A_244 = arith.constant 14448 : i32
      %dma_wait3A_245 = tpu.memref_slice %arg4[%dma_wait3A_244] : memref<33024xf32, #tpu.memory_space<vmem>> -> memref<2048xf32, #tpu.memory_space<vmem>>
      %dma_wait3A_246 = tpu.memref_slice %arg2[%add3A_243] : memref<67108864xf32, #tpu.memory_space<hbm>> -> memref<2048xf32, #tpu.memory_space<hbm>>
      %dma_wait3A_247 = arith.constant 14448 : i32
      %dma_wait3A_248 = tpu.memref_slice %arg4[%dma_wait3A_247] : memref<33024xf32, #tpu.memory_space<vmem>> -> memref<2048xf32, #tpu.memory_space<vmem>>
      %dma_wait3A_249 = tpu.memref_slice %arg2[%add3A_243] : memref<67108864xf32, #tpu.memory_space<hbm>> -> memref<2048xf32, #tpu.memory_space<hbm>>
      tpu.wait_dma2 semaphore(%arg8 : memref<!tpu.dma_semaphore, #tpu.memory_space<semaphore_mem>>) src(%dma_wait3A_249 : memref<2048xf32, #tpu.memory_space<hbm>>) dst(%dma_wait3A_248 : memref<2048xf32, #tpu.memory_space<vmem>>)
      %mul3A_250 = arith.constant 2048 : i32
      %mul3A_251 = arith.muli %mul3A_2, %mul3A_250 : i32
      %add3A_252 = arith.constant 16384 : i32
      %add3A_253 = arith.addi %mul3A_251, %add3A_252 : i32
      %dma_wait3A_254 = arith.constant 16512 : i32
      %dma_wait3A_255 = tpu.memref_slice %arg4[%dma_wait3A_254] : memref<33024xf32, #tpu.memory_space<vmem>> -> memref<2048xf32, #tpu.memory_space<vmem>>
      %dma_wait3A_256 = tpu.memref_slice %arg2[%add3A_253] : memref<67108864xf32, #tpu.memory_space<hbm>> -> memref<2048xf32, #tpu.memory_space<hbm>>
      %dma_wait3A_257 = arith.constant 16512 : i32
      %dma_wait3A_258 = tpu.memref_slice %arg4[%dma_wait3A_257] : memref<33024xf32, #tpu.memory_space<vmem>> -> memref<2048xf32, #tpu.memory_space<vmem>>
      %dma_wait3A_259 = tpu.memref_slice %arg2[%add3A_253] : memref<67108864xf32, #tpu.memory_space<hbm>> -> memref<2048xf32, #tpu.memory_space<hbm>>
      tpu.wait_dma2 semaphore(%arg8 : memref<!tpu.dma_semaphore, #tpu.memory_space<semaphore_mem>>) src(%dma_wait3A_259 : memref<2048xf32, #tpu.memory_space<hbm>>) dst(%dma_wait3A_258 : memref<2048xf32, #tpu.memory_space<vmem>>)
      %mul3A_260 = arith.constant 2048 : i32
      %mul3A_261 = arith.muli %mul3A_2, %mul3A_260 : i32
      %add3A_262 = arith.constant 18432 : i32
      %add3A_263 = arith.addi %mul3A_261, %add3A_262 : i32
      %dma_wait3A_264 = arith.constant 18576 : i32
      %dma_wait3A_265 = tpu.memref_slice %arg4[%dma_wait3A_264] : memref<33024xf32, #tpu.memory_space<vmem>> -> memref<2048xf32, #tpu.memory_space<vmem>>
      %dma_wait3A_266 = tpu.memref_slice %arg2[%add3A_263] : memref<67108864xf32, #tpu.memory_space<hbm>> -> memref<2048xf32, #tpu.memory_space<hbm>>
      %dma_wait3A_267 = arith.constant 18576 : i32
      %dma_wait3A_268 = tpu.memref_slice %arg4[%dma_wait3A_267] : memref<33024xf32, #tpu.memory_space<vmem>> -> memref<2048xf32, #tpu.memory_space<vmem>>
      %dma_wait3A_269 = tpu.memref_slice %arg2[%add3A_263] : memref<67108864xf32, #tpu.memory_space<hbm>> -> memref<2048xf32, #tpu.memory_space<hbm>>
      tpu.wait_dma2 semaphore(%arg8 : memref<!tpu.dma_semaphore, #tpu.memory_space<semaphore_mem>>) src(%dma_wait3A_269 : memref<2048xf32, #tpu.memory_space<hbm>>) dst(%dma_wait3A_268 : memref<2048xf32, #tpu.memory_space<vmem>>)
      %mul3A_270 = arith.constant 2048 : i32
      %mul3A_271 = arith.muli %mul3A_2, %mul3A_270 : i32
      %add3A_272 = arith.constant 20480 : i32
      %add3A_273 = arith.addi %mul3A_271, %add3A_272 : i32
      %dma_wait3A_274 = arith.constant 20640 : i32
      %dma_wait3A_275 = tpu.memref_slice %arg4[%dma_wait3A_274] : memref<33024xf32, #tpu.memory_space<vmem>> -> memref<2048xf32, #tpu.memory_space<vmem>>
      %dma_wait3A_276 = tpu.memref_slice %arg2[%add3A_273] : memref<67108864xf32, #tpu.memory_space<hbm>> -> memref<2048xf32, #tpu.memory_space<hbm>>
      %dma_wait3A_277 = arith.constant 20640 : i32
      %dma_wait3A_278 = tpu.memref_slice %arg4[%dma_wait3A_277] : memref<33024xf32, #tpu.memory_space<vmem>> -> memref<2048xf32, #tpu.memory_space<vmem>>
      %dma_wait3A_279 = tpu.memref_slice %arg2[%add3A_273] : memref<67108864xf32, #tpu.memory_space<hbm>> -> memref<2048xf32, #tpu.memory_space<hbm>>
      tpu.wait_dma2 semaphore(%arg8 : memref<!tpu.dma_semaphore, #tpu.memory_space<semaphore_mem>>) src(%dma_wait3A_279 : memref<2048xf32, #tpu.memory_space<hbm>>) dst(%dma_wait3A_278 : memref<2048xf32, #tpu.memory_space<vmem>>)
      %mul3A_280 = arith.constant 2048 : i32
      %mul3A_281 = arith.muli %mul3A_2, %mul3A_280 : i32
      %add3A_282 = arith.constant 22528 : i32
      %add3A_283 = arith.addi %mul3A_281, %add3A_282 : i32
      %dma_wait3A_284 = arith.constant 22704 : i32
      %dma_wait3A_285 = tpu.memref_slice %arg4[%dma_wait3A_284] : memref<33024xf32, #tpu.memory_space<vmem>> -> memref<2048xf32, #tpu.memory_space<vmem>>
      %dma_wait3A_286 = tpu.memref_slice %arg2[%add3A_283] : memref<67108864xf32, #tpu.memory_space<hbm>> -> memref<2048xf32, #tpu.memory_space<hbm>>
      %dma_wait3A_287 = arith.constant 22704 : i32
      %dma_wait3A_288 = tpu.memref_slice %arg4[%dma_wait3A_287] : memref<33024xf32, #tpu.memory_space<vmem>> -> memref<2048xf32, #tpu.memory_space<vmem>>
      %dma_wait3A_289 = tpu.memref_slice %arg2[%add3A_283] : memref<67108864xf32, #tpu.memory_space<hbm>> -> memref<2048xf32, #tpu.memory_space<hbm>>
      tpu.wait_dma2 semaphore(%arg8 : memref<!tpu.dma_semaphore, #tpu.memory_space<semaphore_mem>>) src(%dma_wait3A_289 : memref<2048xf32, #tpu.memory_space<hbm>>) dst(%dma_wait3A_288 : memref<2048xf32, #tpu.memory_space<vmem>>)
      %mul3A_290 = arith.constant 2048 : i32
      %mul3A_291 = arith.muli %mul3A_2, %mul3A_290 : i32
      %add3A_292 = arith.constant 24576 : i32
      %add3A_293 = arith.addi %mul3A_291, %add3A_292 : i32
      %dma_wait3A_294 = arith.constant 24768 : i32
      %dma_wait3A_295 = tpu.memref_slice %arg4[%dma_wait3A_294] : memref<33024xf32, #tpu.memory_space<vmem>> -> memref<2048xf32, #tpu.memory_space<vmem>>
      %dma_wait3A_296 = tpu.memref_slice %arg2[%add3A_293] : memref<67108864xf32, #tpu.memory_space<hbm>> -> memref<2048xf32, #tpu.memory_space<hbm>>
      %dma_wait3A_297 = arith.constant 24768 : i32
      %dma_wait3A_298 = tpu.memref_slice %arg4[%dma_wait3A_297] : memref<33024xf32, #tpu.memory_space<vmem>> -> memref<2048xf32, #tpu.memory_space<vmem>>
      %dma_wait3A_299 = tpu.memref_slice %arg2[%add3A_293] : memref<67108864xf32, #tpu.memory_space<hbm>> -> memref<2048xf32, #tpu.memory_space<hbm>>
      tpu.wait_dma2 semaphore(%arg8 : memref<!tpu.dma_semaphore, #tpu.memory_space<semaphore_mem>>) src(%dma_wait3A_299 : memref<2048xf32, #tpu.memory_space<hbm>>) dst(%dma_wait3A_298 : memref<2048xf32, #tpu.memory_space<vmem>>)
      %mul3A_300 = arith.constant 2048 : i32
      %mul3A_301 = arith.muli %mul3A_2, %mul3A_300 : i32
      %add3A_302 = arith.constant 26624 : i32
      %add3A_303 = arith.addi %mul3A_301, %add3A_302 : i32
      %dma_wait3A_304 = arith.constant 26832 : i32
      %dma_wait3A_305 = tpu.memref_slice %arg4[%dma_wait3A_304] : memref<33024xf32, #tpu.memory_space<vmem>> -> memref<2048xf32, #tpu.memory_space<vmem>>
      %dma_wait3A_306 = tpu.memref_slice %arg2[%add3A_303] : memref<67108864xf32, #tpu.memory_space<hbm>> -> memref<2048xf32, #tpu.memory_space<hbm>>
      %dma_wait3A_307 = arith.constant 26832 : i32
      %dma_wait3A_308 = tpu.memref_slice %arg4[%dma_wait3A_307] : memref<33024xf32, #tpu.memory_space<vmem>> -> memref<2048xf32, #tpu.memory_space<vmem>>
      %dma_wait3A_309 = tpu.memref_slice %arg2[%add3A_303] : memref<67108864xf32, #tpu.memory_space<hbm>> -> memref<2048xf32, #tpu.memory_space<hbm>>
      tpu.wait_dma2 semaphore(%arg8 : memref<!tpu.dma_semaphore, #tpu.memory_space<semaphore_mem>>) src(%dma_wait3A_309 : memref<2048xf32, #tpu.memory_space<hbm>>) dst(%dma_wait3A_308 : memref<2048xf32, #tpu.memory_space<vmem>>)
      %mul3A_310 = arith.constant 2048 : i32
      %mul3A_311 = arith.muli %mul3A_2, %mul3A_310 : i32
      %add3A_312 = arith.constant 28672 : i32
      %add3A_313 = arith.addi %mul3A_311, %add3A_312 : i32
      %dma_wait3A_314 = arith.constant 28896 : i32
      %dma_wait3A_315 = tpu.memref_slice %arg4[%dma_wait3A_314] : memref<33024xf32, #tpu.memory_space<vmem>> -> memref<2048xf32, #tpu.memory_space<vmem>>
      %dma_wait3A_316 = tpu.memref_slice %arg2[%add3A_313] : memref<67108864xf32, #tpu.memory_space<hbm>> -> memref<2048xf32, #tpu.memory_space<hbm>>
      %dma_wait3A_317 = arith.constant 28896 : i32
      %dma_wait3A_318 = tpu.memref_slice %arg4[%dma_wait3A_317] : memref<33024xf32, #tpu.memory_space<vmem>> -> memref<2048xf32, #tpu.memory_space<vmem>>
      %dma_wait3A_319 = tpu.memref_slice %arg2[%add3A_313] : memref<67108864xf32, #tpu.memory_space<hbm>> -> memref<2048xf32, #tpu.memory_space<hbm>>
      tpu.wait_dma2 semaphore(%arg8 : memref<!tpu.dma_semaphore, #tpu.memory_space<semaphore_mem>>) src(%dma_wait3A_319 : memref<2048xf32, #tpu.memory_space<hbm>>) dst(%dma_wait3A_318 : memref<2048xf32, #tpu.memory_space<vmem>>)
      %mul3A_320 = arith.constant 2048 : i32
      %mul3A_321 = arith.muli %mul3A_2, %mul3A_320 : i32
      %add3A_322 = arith.constant 30720 : i32
      %add3A_323 = arith.addi %mul3A_321, %add3A_322 : i32
      %dma_wait3A_324 = arith.constant 30960 : i32
      %dma_wait3A_325 = tpu.memref_slice %arg4[%dma_wait3A_324] : memref<33024xf32, #tpu.memory_space<vmem>> -> memref<2048xf32, #tpu.memory_space<vmem>>
      %dma_wait3A_326 = tpu.memref_slice %arg2[%add3A_323] : memref<67108864xf32, #tpu.memory_space<hbm>> -> memref<2048xf32, #tpu.memory_space<hbm>>
      %dma_wait3A_327 = arith.constant 30960 : i32
      %dma_wait3A_328 = tpu.memref_slice %arg4[%dma_wait3A_327] : memref<33024xf32, #tpu.memory_space<vmem>> -> memref<2048xf32, #tpu.memory_space<vmem>>
      %dma_wait3A_329 = tpu.memref_slice %arg2[%add3A_323] : memref<67108864xf32, #tpu.memory_space<hbm>> -> memref<2048xf32, #tpu.memory_space<hbm>>
      tpu.wait_dma2 semaphore(%arg8 : memref<!tpu.dma_semaphore, #tpu.memory_space<semaphore_mem>>) src(%dma_wait3A_329 : memref<2048xf32, #tpu.memory_space<hbm>>) dst(%dma_wait3A_328 : memref<2048xf32, #tpu.memory_space<vmem>>)
      %broadcast_in_dim3A_330 = arith.constant 0xFF800000 : f32
      %broadcast_in_dim3A_331 = vector.broadcast %broadcast_in_dim3A_330 : f32 to vector<16xf32>
      %broadcast_in_dim3A_332 = arith.constant 0xFF800000 : f32
      %broadcast_in_dim3A_333 = vector.broadcast %broadcast_in_dim3A_332 : f32 to vector<16xf32>
      %broadcast_in_dim3A_334 = arith.constant 0xFF800000 : f32
      %broadcast_in_dim3A_335 = vector.broadcast %broadcast_in_dim3A_334 : f32 to vector<16xf32>
      %broadcast_in_dim3A_336 = arith.constant 0xFF800000 : f32
      %broadcast_in_dim3A_337 = vector.broadcast %broadcast_in_dim3A_336 : f32 to vector<16xf32>
      %broadcast_in_dim3A_338 = arith.constant 0 : i32
      %broadcast_in_dim3A_339 = vector.broadcast %broadcast_in_dim3A_338 : i32 to vector<16xi32>
      %broadcast_in_dim3A_340 = arith.constant 0 : i32
      %broadcast_in_dim3A_341 = vector.broadcast %broadcast_in_dim3A_340 : i32 to vector<16xi32>
      %broadcast_in_dim3A_342 = arith.constant 0 : i32
      %broadcast_in_dim3A_343 = vector.broadcast %broadcast_in_dim3A_342 : i32 to vector<16xi32>
      %broadcast_in_dim3A_344 = arith.constant 0 : i32
      %broadcast_in_dim3A_345 = vector.broadcast %broadcast_in_dim3A_344 : i32 to vector<16xi32>
      %scan3A_346 = arith.constant 0 : i32
      %scan3A_347 = arith.constant 128 : i32
      %scan3A_348 = arith.addi %scan3A_346, %scan3A_347 : i32
      %scan3A_349 = arith.constant 1 : i32
      %scan3A_350:8 = scf.for %scan3A_627 = %scan3A_346 to %scan3A_348 step %scan3A_349 iter_args(%scan3A_628 = %broadcast_in_dim3A_331, %scan3A_629 = %broadcast_in_dim3A_333, %scan3A_630 = %broadcast_in_dim3A_335, %scan3A_631 = %broadcast_in_dim3A_337, %scan3A_632 = %broadcast_in_dim3A_339, %scan3A_633 = %broadcast_in_dim3A_341, %scan3A_634 = %broadcast_in_dim3A_343, %scan3A_635 = %broadcast_in_dim3A_345) -> (vector<16xf32>, vector<16xf32>, vector<16xf32>, vector<16xf32>, vector<16xi32>, vector<16xi32>, vector<16xi32>, vector<16xi32>)  : i32 {
        %mul3A_636 = arith.constant 16 : i32
        %mul3A_637 = arith.muli %scan3A_627, %mul3A_636 : i32
        %add3A_638 = vector.broadcast %mul3A_637 : i32 to vector<16xi32>
        %add3A_639 = arith.addi %add3A_638, %iota3A : vector<16xi32>
        %add3A_640 = arith.constant 0 : i32
        %add3A_641 = vector.broadcast %add3A_640 : i32 to vector<16xi32>
        %add3A_642 = arith.addi %add3A_639, %add3A_641 : vector<16xi32>
        %and3A_643 = arith.constant 2047 : i32
        %and3A_644 = vector.broadcast %and3A_643 : i32 to vector<16xi32>
        %and3A_645 = arith.andi %add3A_642, %and3A_644 : vector<16xi32>
        %add3A_646 = arith.addi %mul3A_9, %and3A_645 : vector<16xi32>
        %gather3A = tpu.vector_load_idx %arg4[%add3A_646] : memref<33024xf32, #tpu.memory_space<vmem>>[vector<16xi32>], vector<16xf32>,
        %gt3A_647 = arith.cmpf ogt, %gather3A, %scan3A_628 : vector<16xf32>
        %eq3A_648 = arith.cmpf oeq, %gather3A, %scan3A_628 : vector<16xf32>
        %lt3A_649 = arith.cmpi slt, %and3A_645, %scan3A_632 : vector<16xi32>
        %and3A_650 = arith.andi %eq3A_648, %lt3A_649 : vector<16xi1>
        %or3A_651 = arith.ori %gt3A_647, %and3A_650 : vector<16xi1>
        %select_n3A_652 = arith.select %or3A_651, %gather3A, %scan3A_628 : vector<16xi1>, vector<16xf32>
        %select_n3A_653 = arith.select %or3A_651, %and3A_645, %scan3A_632 : vector<16xi1>, vector<16xi32>
        %add3A_654 = arith.constant 1 : i32
        %add3A_655 = vector.broadcast %add3A_654 : i32 to vector<16xi32>
        %add3A_656 = arith.addi %add3A_639, %add3A_655 : vector<16xi32>
        %and3A_657 = arith.constant 2047 : i32
        %and3A_658 = vector.broadcast %and3A_657 : i32 to vector<16xi32>
        %and3A_659 = arith.andi %add3A_656, %and3A_658 : vector<16xi32>
        %add3A_660 = arith.addi %mul3A_9, %and3A_659 : vector<16xi32>
        %gather3A_661 = tpu.vector_load_idx %arg4[%add3A_660] : memref<33024xf32, #tpu.memory_space<vmem>>[vector<16xi32>], vector<16xf32>,
        %gt3A_662 = arith.cmpf ogt, %gather3A_661, %scan3A_629 : vector<16xf32>
        %eq3A_663 = arith.cmpf oeq, %gather3A_661, %scan3A_629 : vector<16xf32>
        %lt3A_664 = arith.cmpi slt, %and3A_659, %scan3A_633 : vector<16xi32>
        %and3A_665 = arith.andi %eq3A_663, %lt3A_664 : vector<16xi1>
        %or3A_666 = arith.ori %gt3A_662, %and3A_665 : vector<16xi1>
        %select_n3A_667 = arith.select %or3A_666, %gather3A_661, %scan3A_629 : vector<16xi1>, vector<16xf32>
        %select_n3A_668 = arith.select %or3A_666, %and3A_659, %scan3A_633 : vector<16xi1>, vector<16xi32>
        %add3A_669 = arith.constant 2 : i32
        %add3A_670 = vector.broadcast %add3A_669 : i32 to vector<16xi32>
        %add3A_671 = arith.addi %add3A_639, %add3A_670 : vector<16xi32>
        %and3A_672 = arith.constant 2047 : i32
        %and3A_673 = vector.broadcast %and3A_672 : i32 to vector<16xi32>
        %and3A_674 = arith.andi %add3A_671, %and3A_673 : vector<16xi32>
        %add3A_675 = arith.addi %mul3A_9, %and3A_674 : vector<16xi32>
        %gather3A_676 = tpu.vector_load_idx %arg4[%add3A_675] : memref<33024xf32, #tpu.memory_space<vmem>>[vector<16xi32>], vector<16xf32>,
        %gt3A_677 = arith.cmpf ogt, %gather3A_676, %scan3A_630 : vector<16xf32>
        %eq3A_678 = arith.cmpf oeq, %gather3A_676, %scan3A_630 : vector<16xf32>
        %lt3A_679 = arith.cmpi slt, %and3A_674, %scan3A_634 : vector<16xi32>
        %and3A_680 = arith.andi %eq3A_678, %lt3A_679 : vector<16xi1>
        %or3A_681 = arith.ori %gt3A_677, %and3A_680 : vector<16xi1>
        %select_n3A_682 = arith.select %or3A_681, %gather3A_676, %scan3A_630 : vector<16xi1>, vector<16xf32>
        %select_n3A_683 = arith.select %or3A_681, %and3A_674, %scan3A_634 : vector<16xi1>, vector<16xi32>
        %add3A_684 = arith.constant 3 : i32
        %add3A_685 = vector.broadcast %add3A_684 : i32 to vector<16xi32>
        %add3A_686 = arith.addi %add3A_639, %add3A_685 : vector<16xi32>
        %and3A_687 = arith.constant 2047 : i32
        %and3A_688 = vector.broadcast %and3A_687 : i32 to vector<16xi32>
        %and3A_689 = arith.andi %add3A_686, %and3A_688 : vector<16xi32>
        %add3A_690 = arith.addi %mul3A_9, %and3A_689 : vector<16xi32>
        %gather3A_691 = tpu.vector_load_idx %arg4[%add3A_690] : memref<33024xf32, #tpu.memory_space<vmem>>[vector<16xi32>], vector<16xf32>,
        %gt3A_692 = arith.cmpf ogt, %gather3A_691, %scan3A_631 : vector<16xf32>
        %eq3A_693 = arith.cmpf oeq, %gather3A_691, %scan3A_631 : vector<16xf32>
        %lt3A_694 = arith.cmpi slt, %and3A_689, %scan3A_635 : vector<16xi32>
        %and3A_695 = arith.andi %eq3A_693, %lt3A_694 : vector<16xi1>
        %or3A_696 = arith.ori %gt3A_692, %and3A_695 : vector<16xi1>
        %select_n3A_697 = arith.select %or3A_696, %gather3A_691, %scan3A_631 : vector<16xi1>, vector<16xf32>
        %select_n3A_698 = arith.select %or3A_696, %and3A_689, %scan3A_635 : vector<16xi1>, vector<16xi32>
        %add3A_699 = arith.constant 4 : i32
        %add3A_700 = vector.broadcast %add3A_699 : i32 to vector<16xi32>
        %add3A_701 = arith.addi %add3A_639, %add3A_700 : vector<16xi32>
        %and3A_702 = arith.constant 2047 : i32
        %and3A_703 = vector.broadcast %and3A_702 : i32 to vector<16xi32>
        %and3A_704 = arith.andi %add3A_701, %and3A_703 : vector<16xi32>
        %add3A_705 = arith.addi %mul3A_9, %and3A_704 : vector<16xi32>
        %gather3A_706 = tpu.vector_load_idx %arg4[%add3A_705] : memref<33024xf32, #tpu.memory_space<vmem>>[vector<16xi32>], vector<16xf32>,
        %gt3A_707 = arith.cmpf ogt, %gather3A_706, %select_n3A_652 : vector<16xf32>
        %eq3A_708 = arith.cmpf oeq, %gather3A_706, %select_n3A_652 : vector<16xf32>
        %lt3A_709 = arith.cmpi slt, %and3A_704, %select_n3A_653 : vector<16xi32>
        %and3A_710 = arith.andi %eq3A_708, %lt3A_709 : vector<16xi1>
        %or3A_711 = arith.ori %gt3A_707, %and3A_710 : vector<16xi1>
        %select_n3A_712 = arith.select %or3A_711, %gather3A_706, %select_n3A_652 : vector<16xi1>, vector<16xf32>
        %select_n3A_713 = arith.select %or3A_711, %and3A_704, %select_n3A_653 : vector<16xi1>, vector<16xi32>
        %add3A_714 = arith.constant 5 : i32
        %add3A_715 = vector.broadcast %add3A_714 : i32 to vector<16xi32>
        %add3A_716 = arith.addi %add3A_639, %add3A_715 : vector<16xi32>
        %and3A_717 = arith.constant 2047 : i32
        %and3A_718 = vector.broadcast %and3A_717 : i32 to vector<16xi32>
        %and3A_719 = arith.andi %add3A_716, %and3A_718 : vector<16xi32>
        %add3A_720 = arith.addi %mul3A_9, %and3A_719 : vector<16xi32>
        %gather3A_721 = tpu.vector_load_idx %arg4[%add3A_720] : memref<33024xf32, #tpu.memory_space<vmem>>[vector<16xi32>], vector<16xf32>,
        %gt3A_722 = arith.cmpf ogt, %gather3A_721, %select_n3A_667 : vector<16xf32>
        %eq3A_723 = arith.cmpf oeq, %gather3A_721, %select_n3A_667 : vector<16xf32>
        %lt3A_724 = arith.cmpi slt, %and3A_719, %select_n3A_668 : vector<16xi32>
        %and3A_725 = arith.andi %eq3A_723, %lt3A_724 : vector<16xi1>
        %or3A_726 = arith.ori %gt3A_722, %and3A_725 : vector<16xi1>
        %select_n3A_727 = arith.select %or3A_726, %gather3A_721, %select_n3A_667 : vector<16xi1>, vector<16xf32>
        %select_n3A_728 = arith.select %or3A_726, %and3A_719, %select_n3A_668 : vector<16xi1>, vector<16xi32>
        %add3A_729 = arith.constant 6 : i32
        %add3A_730 = vector.broadcast %add3A_729 : i32 to vector<16xi32>
        %add3A_731 = arith.addi %add3A_639, %add3A_730 : vector<16xi32>
        %and3A_732 = arith.constant 2047 : i32
        %and3A_733 = vector.broadcast %and3A_732 : i32 to vector<16xi32>
        %and3A_734 = arith.andi %add3A_731, %and3A_733 : vector<16xi32>
        %add3A_735 = arith.addi %mul3A_9, %and3A_734 : vector<16xi32>
        %gather3A_736 = tpu.vector_load_idx %arg4[%add3A_735] : memref<33024xf32, #tpu.memory_space<vmem>>[vector<16xi32>], vector<16xf32>,
        %gt3A_737 = arith.cmpf ogt, %gather3A_736, %select_n3A_682 : vector<16xf32>
        %eq3A_738 = arith.cmpf oeq, %gather3A_736, %select_n3A_682 : vector<16xf32>
        %lt3A_739 = arith.cmpi slt, %and3A_734, %select_n3A_683 : vector<16xi32>
        %and3A_740 = arith.andi %eq3A_738, %lt3A_739 : vector<16xi1>
        %or3A_741 = arith.ori %gt3A_737, %and3A_740 : vector<16xi1>
        %select_n3A_742 = arith.select %or3A_741, %gather3A_736, %select_n3A_682 : vector<16xi1>, vector<16xf32>
        %select_n3A_743 = arith.select %or3A_741, %and3A_734, %select_n3A_683 : vector<16xi1>, vector<16xi32>
        %add3A_744 = arith.constant 7 : i32
        %add3A_745 = vector.broadcast %add3A_744 : i32 to vector<16xi32>
        %add3A_746 = arith.addi %add3A_639, %add3A_745 : vector<16xi32>
        %and3A_747 = arith.constant 2047 : i32
        %and3A_748 = vector.broadcast %and3A_747 : i32 to vector<16xi32>
        %and3A_749 = arith.andi %add3A_746, %and3A_748 : vector<16xi32>
        %add3A_750 = arith.addi %mul3A_9, %and3A_749 : vector<16xi32>
        %gather3A_751 = tpu.vector_load_idx %arg4[%add3A_750] : memref<33024xf32, #tpu.memory_space<vmem>>[vector<16xi32>], vector<16xf32>,
        %gt3A_752 = arith.cmpf ogt, %gather3A_751, %select_n3A_697 : vector<16xf32>
        %eq3A_753 = arith.cmpf oeq, %gather3A_751, %select_n3A_697 : vector<16xf32>
        %lt3A_754 = arith.cmpi slt, %and3A_749, %select_n3A_698 : vector<16xi32>
        %and3A_755 = arith.andi %eq3A_753, %lt3A_754 : vector<16xi1>
        %or3A_756 = arith.ori %gt3A_752, %and3A_755 : vector<16xi1>
        %select_n3A_757 = arith.select %or3A_756, %gather3A_751, %select_n3A_697 : vector<16xi1>, vector<16xf32>
        %select_n3A_758 = arith.select %or3A_756, %and3A_749, %select_n3A_698 : vector<16xi1>, vector<16xi32>
        %add3A_759 = arith.constant 8 : i32
        %add3A_760 = vector.broadcast %add3A_759 : i32 to vector<16xi32>
        %add3A_761 = arith.addi %add3A_639, %add3A_760 : vector<16xi32>
        %and3A_762 = arith.constant 2047 : i32
        %and3A_763 = vector.broadcast %and3A_762 : i32 to vector<16xi32>
        %and3A_764 = arith.andi %add3A_761, %and3A_763 : vector<16xi32>
        %add3A_765 = arith.addi %mul3A_9, %and3A_764 : vector<16xi32>
        %gather3A_766 = tpu.vector_load_idx %arg4[%add3A_765] : memref<33024xf32, #tpu.memory_space<vmem>>[vector<16xi32>], vector<16xf32>,
        %gt3A_767 = arith.cmpf ogt, %gather3A_766, %select_n3A_712 : vector<16xf32>
        %eq3A_768 = arith.cmpf oeq, %gather3A_766, %select_n3A_712 : vector<16xf32>
        %lt3A_769 = arith.cmpi slt, %and3A_764, %select_n3A_713 : vector<16xi32>
        %and3A_770 = arith.andi %eq3A_768, %lt3A_769 : vector<16xi1>
        %or3A_771 = arith.ori %gt3A_767, %and3A_770 : vector<16xi1>
        %select_n3A_772 = arith.select %or3A_771, %gather3A_766, %select_n3A_712 : vector<16xi1>, vector<16xf32>
        %select_n3A_773 = arith.select %or3A_771, %and3A_764, %select_n3A_713 : vector<16xi1>, vector<16xi32>
        %add3A_774 = arith.constant 9 : i32
        %add3A_775 = vector.broadcast %add3A_774 : i32 to vector<16xi32>
        %add3A_776 = arith.addi %add3A_639, %add3A_775 : vector<16xi32>
        %and3A_777 = arith.constant 2047 : i32
        %and3A_778 = vector.broadcast %and3A_777 : i32 to vector<16xi32>
        %and3A_779 = arith.andi %add3A_776, %and3A_778 : vector<16xi32>
        %add3A_780 = arith.addi %mul3A_9, %and3A_779 : vector<16xi32>
        %gather3A_781 = tpu.vector_load_idx %arg4[%add3A_780] : memref<33024xf32, #tpu.memory_space<vmem>>[vector<16xi32>], vector<16xf32>,
        %gt3A_782 = arith.cmpf ogt, %gather3A_781, %select_n3A_727 : vector<16xf32>
        %eq3A_783 = arith.cmpf oeq, %gather3A_781, %select_n3A_727 : vector<16xf32>
        %lt3A_784 = arith.cmpi slt, %and3A_779, %select_n3A_728 : vector<16xi32>
        %and3A_785 = arith.andi %eq3A_783, %lt3A_784 : vector<16xi1>
        %or3A_786 = arith.ori %gt3A_782, %and3A_785 : vector<16xi1>
        %select_n3A_787 = arith.select %or3A_786, %gather3A_781, %select_n3A_727 : vector<16xi1>, vector<16xf32>
        %select_n3A_788 = arith.select %or3A_786, %and3A_779, %select_n3A_728 : vector<16xi1>, vector<16xi32>
        %add3A_789 = arith.constant 10 : i32
        %add3A_790 = vector.broadcast %add3A_789 : i32 to vector<16xi32>
        %add3A_791 = arith.addi %add3A_639, %add3A_790 : vector<16xi32>
        %and3A_792 = arith.constant 2047 : i32
        %and3A_793 = vector.broadcast %and3A_792 : i32 to vector<16xi32>
        %and3A_794 = arith.andi %add3A_791, %and3A_793 : vector<16xi32>
        %add3A_795 = arith.addi %mul3A_9, %and3A_794 : vector<16xi32>
        %gather3A_796 = tpu.vector_load_idx %arg4[%add3A_795] : memref<33024xf32, #tpu.memory_space<vmem>>[vector<16xi32>], vector<16xf32>,
        %gt3A_797 = arith.cmpf ogt, %gather3A_796, %select_n3A_742 : vector<16xf32>
        %eq3A_798 = arith.cmpf oeq, %gather3A_796, %select_n3A_742 : vector<16xf32>
        %lt3A_799 = arith.cmpi slt, %and3A_794, %select_n3A_743 : vector<16xi32>
        %and3A_800 = arith.andi %eq3A_798, %lt3A_799 : vector<16xi1>
        %or3A_801 = arith.ori %gt3A_797, %and3A_800 : vector<16xi1>
        %select_n3A_802 = arith.select %or3A_801, %gather3A_796, %select_n3A_742 : vector<16xi1>, vector<16xf32>
        %select_n3A_803 = arith.select %or3A_801, %and3A_794, %select_n3A_743 : vector<16xi1>, vector<16xi32>
        %add3A_804 = arith.constant 11 : i32
        %add3A_805 = vector.broadcast %add3A_804 : i32 to vector<16xi32>
        %add3A_806 = arith.addi %add3A_639, %add3A_805 : vector<16xi32>
        %and3A_807 = arith.constant 2047 : i32
        %and3A_808 = vector.broadcast %and3A_807 : i32 to vector<16xi32>
        %and3A_809 = arith.andi %add3A_806, %and3A_808 : vector<16xi32>
        %add3A_810 = arith.addi %mul3A_9, %and3A_809 : vector<16xi32>
        %gather3A_811 = tpu.vector_load_idx %arg4[%add3A_810] : memref<33024xf32, #tpu.memory_space<vmem>>[vector<16xi32>], vector<16xf32>,
        %gt3A_812 = arith.cmpf ogt, %gather3A_811, %select_n3A_757 : vector<16xf32>
        %eq3A_813 = arith.cmpf oeq, %gather3A_811, %select_n3A_757 : vector<16xf32>
        %lt3A_814 = arith.cmpi slt, %and3A_809, %select_n3A_758 : vector<16xi32>
        %and3A_815 = arith.andi %eq3A_813, %lt3A_814 : vector<16xi1>
        %or3A_816 = arith.ori %gt3A_812, %and3A_815 : vector<16xi1>
        %select_n3A_817 = arith.select %or3A_816, %gather3A_811, %select_n3A_757 : vector<16xi1>, vector<16xf32>
        %select_n3A_818 = arith.select %or3A_816, %and3A_809, %select_n3A_758 : vector<16xi1>, vector<16xi32>
        %add3A_819 = arith.constant 12 : i32
        %add3A_820 = vector.broadcast %add3A_819 : i32 to vector<16xi32>
        %add3A_821 = arith.addi %add3A_639, %add3A_820 : vector<16xi32>
        %and3A_822 = arith.constant 2047 : i32
        %and3A_823 = vector.broadcast %and3A_822 : i32 to vector<16xi32>
        %and3A_824 = arith.andi %add3A_821, %and3A_823 : vector<16xi32>
        %add3A_825 = arith.addi %mul3A_9, %and3A_824 : vector<16xi32>
        %gather3A_826 = tpu.vector_load_idx %arg4[%add3A_825] : memref<33024xf32, #tpu.memory_space<vmem>>[vector<16xi32>], vector<16xf32>,
        %gt3A_827 = arith.cmpf ogt, %gather3A_826, %select_n3A_772 : vector<16xf32>
        %eq3A_828 = arith.cmpf oeq, %gather3A_826, %select_n3A_772 : vector<16xf32>
        %lt3A_829 = arith.cmpi slt, %and3A_824, %select_n3A_773 : vector<16xi32>
        %and3A_830 = arith.andi %eq3A_828, %lt3A_829 : vector<16xi1>
        %or3A_831 = arith.ori %gt3A_827, %and3A_830 : vector<16xi1>
        %select_n3A_832 = arith.select %or3A_831, %gather3A_826, %select_n3A_772 : vector<16xi1>, vector<16xf32>
        %select_n3A_833 = arith.select %or3A_831, %and3A_824, %select_n3A_773 : vector<16xi1>, vector<16xi32>
        %add3A_834 = arith.constant 13 : i32
        %add3A_835 = vector.broadcast %add3A_834 : i32 to vector<16xi32>
        %add3A_836 = arith.addi %add3A_639, %add3A_835 : vector<16xi32>
        %and3A_837 = arith.constant 2047 : i32
        %and3A_838 = vector.broadcast %and3A_837 : i32 to vector<16xi32>
        %and3A_839 = arith.andi %add3A_836, %and3A_838 : vector<16xi32>
        %add3A_840 = arith.addi %mul3A_9, %and3A_839 : vector<16xi32>
        %gather3A_841 = tpu.vector_load_idx %arg4[%add3A_840] : memref<33024xf32, #tpu.memory_space<vmem>>[vector<16xi32>], vector<16xf32>,
        %gt3A_842 = arith.cmpf ogt, %gather3A_841, %select_n3A_787 : vector<16xf32>
        %eq3A_843 = arith.cmpf oeq, %gather3A_841, %select_n3A_787 : vector<16xf32>
        %lt3A_844 = arith.cmpi slt, %and3A_839, %select_n3A_788 : vector<16xi32>
        %and3A_845 = arith.andi %eq3A_843, %lt3A_844 : vector<16xi1>
        %or3A_846 = arith.ori %gt3A_842, %and3A_845 : vector<16xi1>
        %select_n3A_847 = arith.select %or3A_846, %gather3A_841, %select_n3A_787 : vector<16xi1>, vector<16xf32>
        %select_n3A_848 = arith.select %or3A_846, %and3A_839, %select_n3A_788 : vector<16xi1>, vector<16xi32>
        %add3A_849 = arith.constant 14 : i32
        %add3A_850 = vector.broadcast %add3A_849 : i32 to vector<16xi32>
        %add3A_851 = arith.addi %add3A_639, %add3A_850 : vector<16xi32>
        %and3A_852 = arith.constant 2047 : i32
        %and3A_853 = vector.broadcast %and3A_852 : i32 to vector<16xi32>
        %and3A_854 = arith.andi %add3A_851, %and3A_853 : vector<16xi32>
        %add3A_855 = arith.addi %mul3A_9, %and3A_854 : vector<16xi32>
        %gather3A_856 = tpu.vector_load_idx %arg4[%add3A_855] : memref<33024xf32, #tpu.memory_space<vmem>>[vector<16xi32>], vector<16xf32>,
        %gt3A_857 = arith.cmpf ogt, %gather3A_856, %select_n3A_802 : vector<16xf32>
        %eq3A_858 = arith.cmpf oeq, %gather3A_856, %select_n3A_802 : vector<16xf32>
        %lt3A_859 = arith.cmpi slt, %and3A_854, %select_n3A_803 : vector<16xi32>
        %and3A_860 = arith.andi %eq3A_858, %lt3A_859 : vector<16xi1>
        %or3A_861 = arith.ori %gt3A_857, %and3A_860 : vector<16xi1>
        %select_n3A_862 = arith.select %or3A_861, %gather3A_856, %select_n3A_802 : vector<16xi1>, vector<16xf32>
        %select_n3A_863 = arith.select %or3A_861, %and3A_854, %select_n3A_803 : vector<16xi1>, vector<16xi32>
        %add3A_864 = arith.constant 15 : i32
        %add3A_865 = vector.broadcast %add3A_864 : i32 to vector<16xi32>
        %add3A_866 = arith.addi %add3A_639, %add3A_865 : vector<16xi32>
        %and3A_867 = arith.constant 2047 : i32
        %and3A_868 = vector.broadcast %and3A_867 : i32 to vector<16xi32>
        %and3A_869 = arith.andi %add3A_866, %and3A_868 : vector<16xi32>
        %add3A_870 = arith.addi %mul3A_9, %and3A_869 : vector<16xi32>
        %gather3A_871 = tpu.vector_load_idx %arg4[%add3A_870] : memref<33024xf32, #tpu.memory_space<vmem>>[vector<16xi32>], vector<16xf32>,
        %gt3A_872 = arith.cmpf ogt, %gather3A_871, %select_n3A_817 : vector<16xf32>
        %eq3A_873 = arith.cmpf oeq, %gather3A_871, %select_n3A_817 : vector<16xf32>
        %lt3A_874 = arith.cmpi slt, %and3A_869, %select_n3A_818 : vector<16xi32>
        %and3A_875 = arith.andi %eq3A_873, %lt3A_874 : vector<16xi1>
        %or3A_876 = arith.ori %gt3A_872, %and3A_875 : vector<16xi1>
        %select_n3A_877 = arith.select %or3A_876, %gather3A_871, %select_n3A_817 : vector<16xi1>, vector<16xf32>
        %select_n3A_878 = arith.select %or3A_876, %and3A_869, %select_n3A_818 : vector<16xi1>, vector<16xi32>
        scf.yield %select_n3A_832, %select_n3A_847, %select_n3A_862, %select_n3A_877, %select_n3A_833, %select_n3A_848, %select_n3A_863, %select_n3A_878 : vector<16xf32>, vector<16xf32>, vector<16xf32>, vector<16xf32>, vector<16xi32>, vector<16xi32>, vector<16xi32>, vector<16xi32>
      }
      %scan3A_351 = arith.constant 128 : i32
      %gt3A = arith.cmpf ogt, %scan3A_350#1, %scan3A_350#0 : vector<16xf32>
      %eq3A = arith.cmpf oeq, %scan3A_350#1, %scan3A_350#0 : vector<16xf32>
      %lt3A_352 = arith.cmpi slt, %scan3A_350#5, %scan3A_350#4 : vector<16xi32>
      %and3A = arith.andi %eq3A, %lt3A_352 : vector<16xi1>
      %or3A = arith.ori %gt3A, %and3A : vector<16xi1>
      %select_n3A = arith.select %or3A, %scan3A_350#1, %scan3A_350#0 : vector<16xi1>, vector<16xf32>
      %select_n3A_353 = arith.select %or3A, %scan3A_350#5, %scan3A_350#4 : vector<16xi1>, vector<16xi32>
      %gt3A_354 = arith.cmpf ogt, %scan3A_350#2, %select_n3A : vector<16xf32>
      %eq3A_355 = arith.cmpf oeq, %scan3A_350#2, %select_n3A : vector<16xf32>
      %lt3A_356 = arith.cmpi slt, %scan3A_350#6, %select_n3A_353 : vector<16xi32>
      %and3A_357 = arith.andi %eq3A_355, %lt3A_356 : vector<16xi1>
      %or3A_358 = arith.ori %gt3A_354, %and3A_357 : vector<16xi1>
      %select_n3A_359 = arith.select %or3A_358, %scan3A_350#2, %select_n3A : vector<16xi1>, vector<16xf32>
      %select_n3A_360 = arith.select %or3A_358, %scan3A_350#6, %select_n3A_353 : vector<16xi1>, vector<16xi32>
      %gt3A_361 = arith.cmpf ogt, %scan3A_350#3, %select_n3A_359 : vector<16xf32>
      %eq3A_362 = arith.cmpf oeq, %scan3A_350#3, %select_n3A_359 : vector<16xf32>
      %lt3A_363 = arith.cmpi slt, %scan3A_350#7, %select_n3A_360 : vector<16xi32>
      %and3A_364 = arith.andi %eq3A_362, %lt3A_363 : vector<16xi1>
      %or3A_365 = arith.ori %gt3A_361, %and3A_364 : vector<16xi1>
      %select_n3A_366 = arith.select %or3A_365, %scan3A_350#3, %select_n3A_359 : vector<16xi1>, vector<16xf32>
      %select_n3A_367 = arith.select %or3A_365, %scan3A_350#7, %select_n3A_360 : vector<16xi1>, vector<16xi32>
      %gt3A_368 = arith.constant 0 : i32
      %gt3A_369 = arith.cmpi sgt, %mul3A_158, %gt3A_368 : i32
      %convert_element_type3A_370 = arith.extui %gt3A_369 : i1 to i32
      %cond3A_371 = arith.constant 0 : i32
      %cond3A_372 = arith.cmpi ne, %convert_element_type3A_370, %cond3A_371 : i32
      scf.if %cond3A_372 {
        %dma_wait3A_627 = arith.constant 0 : i32
        %dma_wait3A_628 = tpu.memref_slice %arg3[%dma_wait3A_627] : memref<67108864xf32, #tpu.memory_space<hbm>> -> memref<67108864xf32, #tpu.memory_space<hbm>>
        tpu.wait_indirect_dma semaphore(%arg11 : memref<!tpu.dma_semaphore, #tpu.memory_space<semaphore_mem>>) src(%arg7 : memref<16xf32, #tpu.memory_space<vmem>>) dst(%dma_wait3A_628 : memref<67108864xf32, #tpu.memory_space<hbm>>)
      } else {
      }
      %swap3A = arith.constant 0 : index
      %swap3A_373 = tpu.vector_load %arg7[%swap3A] {strides = array<i32>} : memref<16xf32, #tpu.memory_space<vmem>>, vector<16xf32>,
      tpu.vector_store %arg7[%swap3A], %select_n3A_366 {strides = array<i32>} : memref<16xf32, #tpu.memory_space<vmem>>, vector<16xf32>,
      %mul3A_374 = arith.constant 16 : i32
      %mul3A_375 = arith.muli %mul3A_158, %mul3A_374 : i32
      %add3A_376 = arith.addi %mul3A_2, %mul3A_375 : i32
      %add3A_377 = vector.broadcast %add3A_376 : i32 to vector<16xi32>
      %add3A_378 = arith.addi %add3A_377, %iota3A : vector<16xi32>
      %mul3A_379 = arith.constant 2048 : i32
      %mul3A_380 = vector.broadcast %mul3A_379 : i32 to vector<16xi32>
      %mul3A_381 = arith.muli %add3A_378, %mul3A_380 : vector<16xi32>
      %add3A_382 = arith.addi %mul3A_381, %select_n3A_367 : vector<16xi32>
      %dma_wait3A_383 = tpu.memref_slice %arg3[%mul3A_163] : memref<67108864xf32, #tpu.memory_space<hbm>> -> memref<32768xf32, #tpu.memory_space<hbm>>
      %dma_wait3A_384 = tpu.memref_slice %arg3[%mul3A_163] : memref<67108864xf32, #tpu.memory_space<hbm>> -> memref<32768xf32, #tpu.memory_space<hbm>>
      tpu.wait_dma2 semaphore(%arg10 : memref<!tpu.dma_semaphore, #tpu.memory_space<semaphore_mem>>) src(%arg6 : memref<32768xf32, #tpu.memory_space<vmem>>) dst(%dma_wait3A_384 : memref<32768xf32, #tpu.memory_space<hbm>>)
      %dma_start3A_385 = arith.constant 0 : i32
      %dma_start3A_386 = tpu.memref_slice %arg3[%dma_start3A_385] : memref<67108864xf32, #tpu.memory_space<hbm>> -> memref<67108864xf32, #tpu.memory_space<hbm>>
      tpu.enqueue_indirect_dma source(%arg7 : memref<16xf32, #tpu.memory_space<vmem>>) target(%dma_start3A_386 : memref<67108864xf32, #tpu.memory_space<hbm>>) offsets(%add3A_382 : vector<16xi32>) semaphore(%arg11 : memref<!tpu.dma_semaphore, #tpu.memory_space<semaphore_mem>>)
      %add3A_387 = arith.constant 1 : i32
      %add3A_388 = arith.addi %mul3A_158, %add3A_387 : i32
      %mul3A_389 = arith.constant 16 : i32
      %mul3A_390 = arith.muli %add3A_388, %mul3A_389 : i32
      %add3A_391 = arith.addi %mul3A_2, %mul3A_390 : i32
      %mul3A_392 = arith.constant 2048 : i32
      %mul3A_393 = arith.muli %add3A_391, %mul3A_392 : i32
      %dma_start3A_394 = tpu.memref_slice %arg3[%mul3A_393] : memref<67108864xf32, #tpu.memory_space<hbm>> -> memref<32768xf32, #tpu.memory_space<hbm>>
      %dma_start3A_395 = tpu.memref_slice %arg3[%mul3A_393] : memref<67108864xf32, #tpu.memory_space<hbm>> -> memref<32768xf32, #tpu.memory_space<hbm>>
      tpu.enqueue_dma source(%arg6 : memref<32768xf32, #tpu.memory_space<vmem>>) target(%dma_start3A_395 : memref<32768xf32, #tpu.memory_space<hbm>>) target_semaphore(%arg10 : memref<!tpu.dma_semaphore, #tpu.memory_space<semaphore_mem>>)
      %add3A_396 = arith.constant 1 : i32
      %add3A_397 = arith.addi %add3A_388, %add3A_396 : i32
      %lt3A_398 = arith.constant 64 : i32
      %lt3A_399 = arith.cmpi slt, %add3A_397, %lt3A_398 : i32
      %convert_element_type3A_400 = arith.extui %lt3A_399 : i1 to i32
      %cond3A_401 = arith.constant 0 : i32
      %cond3A_402 = arith.cmpi ne, %convert_element_type3A_400, %cond3A_401 : i32
      scf.if %cond3A_402 {
        %add3A_627 = arith.constant 1 : i32
        %add3A_628 = arith.addi %add3A_388, %add3A_627 : i32
        %mul3A_629 = arith.constant 16 : i32
        %mul3A_630 = arith.muli %add3A_628, %mul3A_629 : i32
        %add3A_631 = arith.addi %mul3A_2, %mul3A_630 : i32
        %mul3A_632 = arith.constant 2048 : i32
        %mul3A_633 = arith.muli %add3A_631, %mul3A_632 : i32
        %add3A_634 = arith.constant 0 : i32
        %add3A_635 = arith.addi %mul3A_633, %add3A_634 : i32
        %dma_start3A_636 = arith.constant 0 : i32
        %dma_start3A_637 = tpu.memref_slice %arg4[%dma_start3A_636] : memref<33024xf32, #tpu.memory_space<vmem>> -> memref<2048xf32, #tpu.memory_space<vmem>>
        %dma_start3A_638 = tpu.memref_slice %arg2[%add3A_635] : memref<67108864xf32, #tpu.memory_space<hbm>> -> memref<2048xf32, #tpu.memory_space<hbm>>
        %dma_start3A_639 = arith.constant 0 : i32
        %dma_start3A_640 = tpu.memref_slice %arg4[%dma_start3A_639] : memref<33024xf32, #tpu.memory_space<vmem>> -> memref<2048xf32, #tpu.memory_space<vmem>>
        %dma_start3A_641 = tpu.memref_slice %arg2[%add3A_635] : memref<67108864xf32, #tpu.memory_space<hbm>> -> memref<2048xf32, #tpu.memory_space<hbm>>
        tpu.enqueue_dma source(%dma_start3A_641 : memref<2048xf32, #tpu.memory_space<hbm>>) target(%dma_start3A_640 : memref<2048xf32, #tpu.memory_space<vmem>>) target_semaphore(%arg8 : memref<!tpu.dma_semaphore, #tpu.memory_space<semaphore_mem>>)
        %add3A_642 = arith.constant 2048 : i32
        %add3A_643 = arith.addi %mul3A_633, %add3A_642 : i32
        %dma_start3A_644 = arith.constant 2064 : i32
        %dma_start3A_645 = tpu.memref_slice %arg4[%dma_start3A_644] : memref<33024xf32, #tpu.memory_space<vmem>> -> memref<2048xf32, #tpu.memory_space<vmem>>
        %dma_start3A_646 = tpu.memref_slice %arg2[%add3A_643] : memref<67108864xf32, #tpu.memory_space<hbm>> -> memref<2048xf32, #tpu.memory_space<hbm>>
        %dma_start3A_647 = arith.constant 2064 : i32
        %dma_start3A_648 = tpu.memref_slice %arg4[%dma_start3A_647] : memref<33024xf32, #tpu.memory_space<vmem>> -> memref<2048xf32, #tpu.memory_space<vmem>>
        %dma_start3A_649 = tpu.memref_slice %arg2[%add3A_643] : memref<67108864xf32, #tpu.memory_space<hbm>> -> memref<2048xf32, #tpu.memory_space<hbm>>
        tpu.enqueue_dma source(%dma_start3A_649 : memref<2048xf32, #tpu.memory_space<hbm>>) target(%dma_start3A_648 : memref<2048xf32, #tpu.memory_space<vmem>>) target_semaphore(%arg8 : memref<!tpu.dma_semaphore, #tpu.memory_space<semaphore_mem>>)
        %add3A_650 = arith.constant 4096 : i32
        %add3A_651 = arith.addi %mul3A_633, %add3A_650 : i32
        %dma_start3A_652 = arith.constant 4128 : i32
        %dma_start3A_653 = tpu.memref_slice %arg4[%dma_start3A_652] : memref<33024xf32, #tpu.memory_space<vmem>> -> memref<2048xf32, #tpu.memory_space<vmem>>
        %dma_start3A_654 = tpu.memref_slice %arg2[%add3A_651] : memref<67108864xf32, #tpu.memory_space<hbm>> -> memref<2048xf32, #tpu.memory_space<hbm>>
        %dma_start3A_655 = arith.constant 4128 : i32
        %dma_start3A_656 = tpu.memref_slice %arg4[%dma_start3A_655] : memref<33024xf32, #tpu.memory_space<vmem>> -> memref<2048xf32, #tpu.memory_space<vmem>>
        %dma_start3A_657 = tpu.memref_slice %arg2[%add3A_651] : memref<67108864xf32, #tpu.memory_space<hbm>> -> memref<2048xf32, #tpu.memory_space<hbm>>
        tpu.enqueue_dma source(%dma_start3A_657 : memref<2048xf32, #tpu.memory_space<hbm>>) target(%dma_start3A_656 : memref<2048xf32, #tpu.memory_space<vmem>>) target_semaphore(%arg8 : memref<!tpu.dma_semaphore, #tpu.memory_space<semaphore_mem>>)
        %add3A_658 = arith.constant 6144 : i32
        %add3A_659 = arith.addi %mul3A_633, %add3A_658 : i32
        %dma_start3A_660 = arith.constant 6192 : i32
        %dma_start3A_661 = tpu.memref_slice %arg4[%dma_start3A_660] : memref<33024xf32, #tpu.memory_space<vmem>> -> memref<2048xf32, #tpu.memory_space<vmem>>
        %dma_start3A_662 = tpu.memref_slice %arg2[%add3A_659] : memref<67108864xf32, #tpu.memory_space<hbm>> -> memref<2048xf32, #tpu.memory_space<hbm>>
        %dma_start3A_663 = arith.constant 6192 : i32
        %dma_start3A_664 = tpu.memref_slice %arg4[%dma_start3A_663] : memref<33024xf32, #tpu.memory_space<vmem>> -> memref<2048xf32, #tpu.memory_space<vmem>>
        %dma_start3A_665 = tpu.memref_slice %arg2[%add3A_659] : memref<67108864xf32, #tpu.memory_space<hbm>> -> memref<2048xf32, #tpu.memory_space<hbm>>
        tpu.enqueue_dma source(%dma_start3A_665 : memref<2048xf32, #tpu.memory_space<hbm>>) target(%dma_start3A_664 : memref<2048xf32, #tpu.memory_space<vmem>>) target_semaphore(%arg8 : memref<!tpu.dma_semaphore, #tpu.memory_space<semaphore_mem>>)
        %add3A_666 = arith.constant 8192 : i32
        %add3A_667 = arith.addi %mul3A_633, %add3A_666 : i32
        %dma_start3A_668 = arith.constant 8256 : i32
        %dma_start3A_669 = tpu.memref_slice %arg4[%dma_start3A_668] : memref<33024xf32, #tpu.memory_space<vmem>> -> memref<2048xf32, #tpu.memory_space<vmem>>
        %dma_start3A_670 = tpu.memref_slice %arg2[%add3A_667] : memref<67108864xf32, #tpu.memory_space<hbm>> -> memref<2048xf32, #tpu.memory_space<hbm>>
        %dma_start3A_671 = arith.constant 8256 : i32
        %dma_start3A_672 = tpu.memref_slice %arg4[%dma_start3A_671] : memref<33024xf32, #tpu.memory_space<vmem>> -> memref<2048xf32, #tpu.memory_space<vmem>>
        %dma_start3A_673 = tpu.memref_slice %arg2[%add3A_667] : memref<67108864xf32, #tpu.memory_space<hbm>> -> memref<2048xf32, #tpu.memory_space<hbm>>
        tpu.enqueue_dma source(%dma_start3A_673 : memref<2048xf32, #tpu.memory_space<hbm>>) target(%dma_start3A_672 : memref<2048xf32, #tpu.memory_space<vmem>>) target_semaphore(%arg8 : memref<!tpu.dma_semaphore, #tpu.memory_space<semaphore_mem>>)
        %add3A_674 = arith.constant 10240 : i32
        %add3A_675 = arith.addi %mul3A_633, %add3A_674 : i32
        %dma_start3A_676 = arith.constant 10320 : i32
        %dma_start3A_677 = tpu.memref_slice %arg4[%dma_start3A_676] : memref<33024xf32, #tpu.memory_space<vmem>> -> memref<2048xf32, #tpu.memory_space<vmem>>
        %dma_start3A_678 = tpu.memref_slice %arg2[%add3A_675] : memref<67108864xf32, #tpu.memory_space<hbm>> -> memref<2048xf32, #tpu.memory_space<hbm>>
        %dma_start3A_679 = arith.constant 10320 : i32
        %dma_start3A_680 = tpu.memref_slice %arg4[%dma_start3A_679] : memref<33024xf32, #tpu.memory_space<vmem>> -> memref<2048xf32, #tpu.memory_space<vmem>>
        %dma_start3A_681 = tpu.memref_slice %arg2[%add3A_675] : memref<67108864xf32, #tpu.memory_space<hbm>> -> memref<2048xf32, #tpu.memory_space<hbm>>
        tpu.enqueue_dma source(%dma_start3A_681 : memref<2048xf32, #tpu.memory_space<hbm>>) target(%dma_start3A_680 : memref<2048xf32, #tpu.memory_space<vmem>>) target_semaphore(%arg8 : memref<!tpu.dma_semaphore, #tpu.memory_space<semaphore_mem>>)
        %add3A_682 = arith.constant 12288 : i32
        %add3A_683 = arith.addi %mul3A_633, %add3A_682 : i32
        %dma_start3A_684 = arith.constant 12384 : i32
        %dma_start3A_685 = tpu.memref_slice %arg4[%dma_start3A_684] : memref<33024xf32, #tpu.memory_space<vmem>> -> memref<2048xf32, #tpu.memory_space<vmem>>
        %dma_start3A_686 = tpu.memref_slice %arg2[%add3A_683] : memref<67108864xf32, #tpu.memory_space<hbm>> -> memref<2048xf32, #tpu.memory_space<hbm>>
        %dma_start3A_687 = arith.constant 12384 : i32
        %dma_start3A_688 = tpu.memref_slice %arg4[%dma_start3A_687] : memref<33024xf32, #tpu.memory_space<vmem>> -> memref<2048xf32, #tpu.memory_space<vmem>>
        %dma_start3A_689 = tpu.memref_slice %arg2[%add3A_683] : memref<67108864xf32, #tpu.memory_space<hbm>> -> memref<2048xf32, #tpu.memory_space<hbm>>
        tpu.enqueue_dma source(%dma_start3A_689 : memref<2048xf32, #tpu.memory_space<hbm>>) target(%dma_start3A_688 : memref<2048xf32, #tpu.memory_space<vmem>>) target_semaphore(%arg8 : memref<!tpu.dma_semaphore, #tpu.memory_space<semaphore_mem>>)
        %add3A_690 = arith.constant 14336 : i32
        %add3A_691 = arith.addi %mul3A_633, %add3A_690 : i32
        %dma_start3A_692 = arith.constant 14448 : i32
        %dma_start3A_693 = tpu.memref_slice %arg4[%dma_start3A_692] : memref<33024xf32, #tpu.memory_space<vmem>> -> memref<2048xf32, #tpu.memory_space<vmem>>
        %dma_start3A_694 = tpu.memref_slice %arg2[%add3A_691] : memref<67108864xf32, #tpu.memory_space<hbm>> -> memref<2048xf32, #tpu.memory_space<hbm>>
        %dma_start3A_695 = arith.constant 14448 : i32
        %dma_start3A_696 = tpu.memref_slice %arg4[%dma_start3A_695] : memref<33024xf32, #tpu.memory_space<vmem>> -> memref<2048xf32, #tpu.memory_space<vmem>>
        %dma_start3A_697 = tpu.memref_slice %arg2[%add3A_691] : memref<67108864xf32, #tpu.memory_space<hbm>> -> memref<2048xf32, #tpu.memory_space<hbm>>
        tpu.enqueue_dma source(%dma_start3A_697 : memref<2048xf32, #tpu.memory_space<hbm>>) target(%dma_start3A_696 : memref<2048xf32, #tpu.memory_space<vmem>>) target_semaphore(%arg8 : memref<!tpu.dma_semaphore, #tpu.memory_space<semaphore_mem>>)
        %add3A_698 = arith.constant 16384 : i32
        %add3A_699 = arith.addi %mul3A_633, %add3A_698 : i32
        %dma_start3A_700 = arith.constant 16512 : i32
        %dma_start3A_701 = tpu.memref_slice %arg4[%dma_start3A_700] : memref<33024xf32, #tpu.memory_space<vmem>> -> memref<2048xf32, #tpu.memory_space<vmem>>
        %dma_start3A_702 = tpu.memref_slice %arg2[%add3A_699] : memref<67108864xf32, #tpu.memory_space<hbm>> -> memref<2048xf32, #tpu.memory_space<hbm>>
        %dma_start3A_703 = arith.constant 16512 : i32
        %dma_start3A_704 = tpu.memref_slice %arg4[%dma_start3A_703] : memref<33024xf32, #tpu.memory_space<vmem>> -> memref<2048xf32, #tpu.memory_space<vmem>>
        %dma_start3A_705 = tpu.memref_slice %arg2[%add3A_699] : memref<67108864xf32, #tpu.memory_space<hbm>> -> memref<2048xf32, #tpu.memory_space<hbm>>
        tpu.enqueue_dma source(%dma_start3A_705 : memref<2048xf32, #tpu.memory_space<hbm>>) target(%dma_start3A_704 : memref<2048xf32, #tpu.memory_space<vmem>>) target_semaphore(%arg8 : memref<!tpu.dma_semaphore, #tpu.memory_space<semaphore_mem>>)
        %add3A_706 = arith.constant 18432 : i32
        %add3A_707 = arith.addi %mul3A_633, %add3A_706 : i32
        %dma_start3A_708 = arith.constant 18576 : i32
        %dma_start3A_709 = tpu.memref_slice %arg4[%dma_start3A_708] : memref<33024xf32, #tpu.memory_space<vmem>> -> memref<2048xf32, #tpu.memory_space<vmem>>
        %dma_start3A_710 = tpu.memref_slice %arg2[%add3A_707] : memref<67108864xf32, #tpu.memory_space<hbm>> -> memref<2048xf32, #tpu.memory_space<hbm>>
        %dma_start3A_711 = arith.constant 18576 : i32
        %dma_start3A_712 = tpu.memref_slice %arg4[%dma_start3A_711] : memref<33024xf32, #tpu.memory_space<vmem>> -> memref<2048xf32, #tpu.memory_space<vmem>>
        %dma_start3A_713 = tpu.memref_slice %arg2[%add3A_707] : memref<67108864xf32, #tpu.memory_space<hbm>> -> memref<2048xf32, #tpu.memory_space<hbm>>
        tpu.enqueue_dma source(%dma_start3A_713 : memref<2048xf32, #tpu.memory_space<hbm>>) target(%dma_start3A_712 : memref<2048xf32, #tpu.memory_space<vmem>>) target_semaphore(%arg8 : memref<!tpu.dma_semaphore, #tpu.memory_space<semaphore_mem>>)
        %add3A_714 = arith.constant 20480 : i32
        %add3A_715 = arith.addi %mul3A_633, %add3A_714 : i32
        %dma_start3A_716 = arith.constant 20640 : i32
        %dma_start3A_717 = tpu.memref_slice %arg4[%dma_start3A_716] : memref<33024xf32, #tpu.memory_space<vmem>> -> memref<2048xf32, #tpu.memory_space<vmem>>
        %dma_start3A_718 = tpu.memref_slice %arg2[%add3A_715] : memref<67108864xf32, #tpu.memory_space<hbm>> -> memref<2048xf32, #tpu.memory_space<hbm>>
        %dma_start3A_719 = arith.constant 20640 : i32
        %dma_start3A_720 = tpu.memref_slice %arg4[%dma_start3A_719] : memref<33024xf32, #tpu.memory_space<vmem>> -> memref<2048xf32, #tpu.memory_space<vmem>>
        %dma_start3A_721 = tpu.memref_slice %arg2[%add3A_715] : memref<67108864xf32, #tpu.memory_space<hbm>> -> memref<2048xf32, #tpu.memory_space<hbm>>
        tpu.enqueue_dma source(%dma_start3A_721 : memref<2048xf32, #tpu.memory_space<hbm>>) target(%dma_start3A_720 : memref<2048xf32, #tpu.memory_space<vmem>>) target_semaphore(%arg8 : memref<!tpu.dma_semaphore, #tpu.memory_space<semaphore_mem>>)
        %add3A_722 = arith.constant 22528 : i32
        %add3A_723 = arith.addi %mul3A_633, %add3A_722 : i32
        %dma_start3A_724 = arith.constant 22704 : i32
        %dma_start3A_725 = tpu.memref_slice %arg4[%dma_start3A_724] : memref<33024xf32, #tpu.memory_space<vmem>> -> memref<2048xf32, #tpu.memory_space<vmem>>
        %dma_start3A_726 = tpu.memref_slice %arg2[%add3A_723] : memref<67108864xf32, #tpu.memory_space<hbm>> -> memref<2048xf32, #tpu.memory_space<hbm>>
        %dma_start3A_727 = arith.constant 22704 : i32
        %dma_start3A_728 = tpu.memref_slice %arg4[%dma_start3A_727] : memref<33024xf32, #tpu.memory_space<vmem>> -> memref<2048xf32, #tpu.memory_space<vmem>>
        %dma_start3A_729 = tpu.memref_slice %arg2[%add3A_723] : memref<67108864xf32, #tpu.memory_space<hbm>> -> memref<2048xf32, #tpu.memory_space<hbm>>
        tpu.enqueue_dma source(%dma_start3A_729 : memref<2048xf32, #tpu.memory_space<hbm>>) target(%dma_start3A_728 : memref<2048xf32, #tpu.memory_space<vmem>>) target_semaphore(%arg8 : memref<!tpu.dma_semaphore, #tpu.memory_space<semaphore_mem>>)
        %add3A_730 = arith.constant 24576 : i32
        %add3A_731 = arith.addi %mul3A_633, %add3A_730 : i32
        %dma_start3A_732 = arith.constant 24768 : i32
        %dma_start3A_733 = tpu.memref_slice %arg4[%dma_start3A_732] : memref<33024xf32, #tpu.memory_space<vmem>> -> memref<2048xf32, #tpu.memory_space<vmem>>
        %dma_start3A_734 = tpu.memref_slice %arg2[%add3A_731] : memref<67108864xf32, #tpu.memory_space<hbm>> -> memref<2048xf32, #tpu.memory_space<hbm>>
        %dma_start3A_735 = arith.constant 24768 : i32
        %dma_start3A_736 = tpu.memref_slice %arg4[%dma_start3A_735] : memref<33024xf32, #tpu.memory_space<vmem>> -> memref<2048xf32, #tpu.memory_space<vmem>>
        %dma_start3A_737 = tpu.memref_slice %arg2[%add3A_731] : memref<67108864xf32, #tpu.memory_space<hbm>> -> memref<2048xf32, #tpu.memory_space<hbm>>
        tpu.enqueue_dma source(%dma_start3A_737 : memref<2048xf32, #tpu.memory_space<hbm>>) target(%dma_start3A_736 : memref<2048xf32, #tpu.memory_space<vmem>>) target_semaphore(%arg8 : memref<!tpu.dma_semaphore, #tpu.memory_space<semaphore_mem>>)
        %add3A_738 = arith.constant 26624 : i32
        %add3A_739 = arith.addi %mul3A_633, %add3A_738 : i32
        %dma_start3A_740 = arith.constant 26832 : i32
        %dma_start3A_741 = tpu.memref_slice %arg4[%dma_start3A_740] : memref<33024xf32, #tpu.memory_space<vmem>> -> memref<2048xf32, #tpu.memory_space<vmem>>
        %dma_start3A_742 = tpu.memref_slice %arg2[%add3A_739] : memref<67108864xf32, #tpu.memory_space<hbm>> -> memref<2048xf32, #tpu.memory_space<hbm>>
        %dma_start3A_743 = arith.constant 26832 : i32
        %dma_start3A_744 = tpu.memref_slice %arg4[%dma_start3A_743] : memref<33024xf32, #tpu.memory_space<vmem>> -> memref<2048xf32, #tpu.memory_space<vmem>>
        %dma_start3A_745 = tpu.memref_slice %arg2[%add3A_739] : memref<67108864xf32, #tpu.memory_space<hbm>> -> memref<2048xf32, #tpu.memory_space<hbm>>
        tpu.enqueue_dma source(%dma_start3A_745 : memref<2048xf32, #tpu.memory_space<hbm>>) target(%dma_start3A_744 : memref<2048xf32, #tpu.memory_space<vmem>>) target_semaphore(%arg8 : memref<!tpu.dma_semaphore, #tpu.memory_space<semaphore_mem>>)
        %add3A_746 = arith.constant 28672 : i32
        %add3A_747 = arith.addi %mul3A_633, %add3A_746 : i32
        %dma_start3A_748 = arith.constant 28896 : i32
        %dma_start3A_749 = tpu.memref_slice %arg4[%dma_start3A_748] : memref<33024xf32, #tpu.memory_space<vmem>> -> memref<2048xf32, #tpu.memory_space<vmem>>
        %dma_start3A_750 = tpu.memref_slice %arg2[%add3A_747] : memref<67108864xf32, #tpu.memory_space<hbm>> -> memref<2048xf32, #tpu.memory_space<hbm>>
        %dma_start3A_751 = arith.constant 28896 : i32
        %dma_start3A_752 = tpu.memref_slice %arg4[%dma_start3A_751] : memref<33024xf32, #tpu.memory_space<vmem>> -> memref<2048xf32, #tpu.memory_space<vmem>>
        %dma_start3A_753 = tpu.memref_slice %arg2[%add3A_747] : memref<67108864xf32, #tpu.memory_space<hbm>> -> memref<2048xf32, #tpu.memory_space<hbm>>
        tpu.enqueue_dma source(%dma_start3A_753 : memref<2048xf32, #tpu.memory_space<hbm>>) target(%dma_start3A_752 : memref<2048xf32, #tpu.memory_space<vmem>>) target_semaphore(%arg8 : memref<!tpu.dma_semaphore, #tpu.memory_space<semaphore_mem>>)
        %add3A_754 = arith.constant 30720 : i32
        %add3A_755 = arith.addi %mul3A_633, %add3A_754 : i32
        %dma_start3A_756 = arith.constant 30960 : i32
        %dma_start3A_757 = tpu.memref_slice %arg4[%dma_start3A_756] : memref<33024xf32, #tpu.memory_space<vmem>> -> memref<2048xf32, #tpu.memory_space<vmem>>
        %dma_start3A_758 = tpu.memref_slice %arg2[%add3A_755] : memref<67108864xf32, #tpu.memory_space<hbm>> -> memref<2048xf32, #tpu.memory_space<hbm>>
        %dma_start3A_759 = arith.constant 30960 : i32
        %dma_start3A_760 = tpu.memref_slice %arg4[%dma_start3A_759] : memref<33024xf32, #tpu.memory_space<vmem>> -> memref<2048xf32, #tpu.memory_space<vmem>>
        %dma_start3A_761 = tpu.memref_slice %arg2[%add3A_755] : memref<67108864xf32, #tpu.memory_space<hbm>> -> memref<2048xf32, #tpu.memory_space<hbm>>
        tpu.enqueue_dma source(%dma_start3A_761 : memref<2048xf32, #tpu.memory_space<hbm>>) target(%dma_start3A_760 : memref<2048xf32, #tpu.memory_space<vmem>>) target_semaphore(%arg8 : memref<!tpu.dma_semaphore, #tpu.memory_space<semaphore_mem>>)
      } else {
      }
      %mul3A_403 = arith.constant 2048 : i32
      %mul3A_404 = arith.muli %mul3A_2, %mul3A_403 : i32
      %add3A_405 = arith.constant 0 : i32
      %add3A_406 = arith.addi %mul3A_404, %add3A_405 : i32
      %dma_wait3A_407 = arith.constant 0 : i32
      %dma_wait3A_408 = tpu.memref_slice %arg5[%dma_wait3A_407] : memref<33024xf32, #tpu.memory_space<vmem>> -> memref<2048xf32, #tpu.memory_space<vmem>>
      %dma_wait3A_409 = tpu.memref_slice %arg2[%add3A_406] : memref<67108864xf32, #tpu.memory_space<hbm>> -> memref<2048xf32, #tpu.memory_space<hbm>>
      %dma_wait3A_410 = arith.constant 0 : i32
      %dma_wait3A_411 = tpu.memref_slice %arg5[%dma_wait3A_410] : memref<33024xf32, #tpu.memory_space<vmem>> -> memref<2048xf32, #tpu.memory_space<vmem>>
      %dma_wait3A_412 = tpu.memref_slice %arg2[%add3A_406] : memref<67108864xf32, #tpu.memory_space<hbm>> -> memref<2048xf32, #tpu.memory_space<hbm>>
      tpu.wait_dma2 semaphore(%arg9 : memref<!tpu.dma_semaphore, #tpu.memory_space<semaphore_mem>>) src(%dma_wait3A_412 : memref<2048xf32, #tpu.memory_space<hbm>>) dst(%dma_wait3A_411 : memref<2048xf32, #tpu.memory_space<vmem>>)
      %mul3A_413 = arith.constant 2048 : i32
      %mul3A_414 = arith.muli %mul3A_2, %mul3A_413 : i32
      %add3A_415 = arith.constant 2048 : i32
      %add3A_416 = arith.addi %mul3A_414, %add3A_415 : i32
      %dma_wait3A_417 = arith.constant 2064 : i32
      %dma_wait3A_418 = tpu.memref_slice %arg5[%dma_wait3A_417] : memref<33024xf32, #tpu.memory_space<vmem>> -> memref<2048xf32, #tpu.memory_space<vmem>>
      %dma_wait3A_419 = tpu.memref_slice %arg2[%add3A_416] : memref<67108864xf32, #tpu.memory_space<hbm>> -> memref<2048xf32, #tpu.memory_space<hbm>>
      %dma_wait3A_420 = arith.constant 2064 : i32
      %dma_wait3A_421 = tpu.memref_slice %arg5[%dma_wait3A_420] : memref<33024xf32, #tpu.memory_space<vmem>> -> memref<2048xf32, #tpu.memory_space<vmem>>
      %dma_wait3A_422 = tpu.memref_slice %arg2[%add3A_416] : memref<67108864xf32, #tpu.memory_space<hbm>> -> memref<2048xf32, #tpu.memory_space<hbm>>
      tpu.wait_dma2 semaphore(%arg9 : memref<!tpu.dma_semaphore, #tpu.memory_space<semaphore_mem>>) src(%dma_wait3A_422 : memref<2048xf32, #tpu.memory_space<hbm>>) dst(%dma_wait3A_421 : memref<2048xf32, #tpu.memory_space<vmem>>)
      %mul3A_423 = arith.constant 2048 : i32
      %mul3A_424 = arith.muli %mul3A_2, %mul3A_423 : i32
      %add3A_425 = arith.constant 4096 : i32
      %add3A_426 = arith.addi %mul3A_424, %add3A_425 : i32
      %dma_wait3A_427 = arith.constant 4128 : i32
      %dma_wait3A_428 = tpu.memref_slice %arg5[%dma_wait3A_427] : memref<33024xf32, #tpu.memory_space<vmem>> -> memref<2048xf32, #tpu.memory_space<vmem>>
      %dma_wait3A_429 = tpu.memref_slice %arg2[%add3A_426] : memref<67108864xf32, #tpu.memory_space<hbm>> -> memref<2048xf32, #tpu.memory_space<hbm>>
      %dma_wait3A_430 = arith.constant 4128 : i32
      %dma_wait3A_431 = tpu.memref_slice %arg5[%dma_wait3A_430] : memref<33024xf32, #tpu.memory_space<vmem>> -> memref<2048xf32, #tpu.memory_space<vmem>>
      %dma_wait3A_432 = tpu.memref_slice %arg2[%add3A_426] : memref<67108864xf32, #tpu.memory_space<hbm>> -> memref<2048xf32, #tpu.memory_space<hbm>>
      tpu.wait_dma2 semaphore(%arg9 : memref<!tpu.dma_semaphore, #tpu.memory_space<semaphore_mem>>) src(%dma_wait3A_432 : memref<2048xf32, #tpu.memory_space<hbm>>) dst(%dma_wait3A_431 : memref<2048xf32, #tpu.memory_space<vmem>>)
      %mul3A_433 = arith.constant 2048 : i32
      %mul3A_434 = arith.muli %mul3A_2, %mul3A_433 : i32
      %add3A_435 = arith.constant 6144 : i32
      %add3A_436 = arith.addi %mul3A_434, %add3A_435 : i32
      %dma_wait3A_437 = arith.constant 6192 : i32
      %dma_wait3A_438 = tpu.memref_slice %arg5[%dma_wait3A_437] : memref<33024xf32, #tpu.memory_space<vmem>> -> memref<2048xf32, #tpu.memory_space<vmem>>
      %dma_wait3A_439 = tpu.memref_slice %arg2[%add3A_436] : memref<67108864xf32, #tpu.memory_space<hbm>> -> memref<2048xf32, #tpu.memory_space<hbm>>
      %dma_wait3A_440 = arith.constant 6192 : i32
      %dma_wait3A_441 = tpu.memref_slice %arg5[%dma_wait3A_440] : memref<33024xf32, #tpu.memory_space<vmem>> -> memref<2048xf32, #tpu.memory_space<vmem>>
      %dma_wait3A_442 = tpu.memref_slice %arg2[%add3A_436] : memref<67108864xf32, #tpu.memory_space<hbm>> -> memref<2048xf32, #tpu.memory_space<hbm>>
      tpu.wait_dma2 semaphore(%arg9 : memref<!tpu.dma_semaphore, #tpu.memory_space<semaphore_mem>>) src(%dma_wait3A_442 : memref<2048xf32, #tpu.memory_space<hbm>>) dst(%dma_wait3A_441 : memref<2048xf32, #tpu.memory_space<vmem>>)
      %mul3A_443 = arith.constant 2048 : i32
      %mul3A_444 = arith.muli %mul3A_2, %mul3A_443 : i32
      %add3A_445 = arith.constant 8192 : i32
      %add3A_446 = arith.addi %mul3A_444, %add3A_445 : i32
      %dma_wait3A_447 = arith.constant 8256 : i32
      %dma_wait3A_448 = tpu.memref_slice %arg5[%dma_wait3A_447] : memref<33024xf32, #tpu.memory_space<vmem>> -> memref<2048xf32, #tpu.memory_space<vmem>>
      %dma_wait3A_449 = tpu.memref_slice %arg2[%add3A_446] : memref<67108864xf32, #tpu.memory_space<hbm>> -> memref<2048xf32, #tpu.memory_space<hbm>>
      %dma_wait3A_450 = arith.constant 8256 : i32
      %dma_wait3A_451 = tpu.memref_slice %arg5[%dma_wait3A_450] : memref<33024xf32, #tpu.memory_space<vmem>> -> memref<2048xf32, #tpu.memory_space<vmem>>
      %dma_wait3A_452 = tpu.memref_slice %arg2[%add3A_446] : memref<67108864xf32, #tpu.memory_space<hbm>> -> memref<2048xf32, #tpu.memory_space<hbm>>
      tpu.wait_dma2 semaphore(%arg9 : memref<!tpu.dma_semaphore, #tpu.memory_space<semaphore_mem>>) src(%dma_wait3A_452 : memref<2048xf32, #tpu.memory_space<hbm>>) dst(%dma_wait3A_451 : memref<2048xf32, #tpu.memory_space<vmem>>)
      %mul3A_453 = arith.constant 2048 : i32
      %mul3A_454 = arith.muli %mul3A_2, %mul3A_453 : i32
      %add3A_455 = arith.constant 10240 : i32
      %add3A_456 = arith.addi %mul3A_454, %add3A_455 : i32
      %dma_wait3A_457 = arith.constant 10320 : i32
      %dma_wait3A_458 = tpu.memref_slice %arg5[%dma_wait3A_457] : memref<33024xf32, #tpu.memory_space<vmem>> -> memref<2048xf32, #tpu.memory_space<vmem>>
      %dma_wait3A_459 = tpu.memref_slice %arg2[%add3A_456] : memref<67108864xf32, #tpu.memory_space<hbm>> -> memref<2048xf32, #tpu.memory_space<hbm>>
      %dma_wait3A_460 = arith.constant 10320 : i32
      %dma_wait3A_461 = tpu.memref_slice %arg5[%dma_wait3A_460] : memref<33024xf32, #tpu.memory_space<vmem>> -> memref<2048xf32, #tpu.memory_space<vmem>>
      %dma_wait3A_462 = tpu.memref_slice %arg2[%add3A_456] : memref<67108864xf32, #tpu.memory_space<hbm>> -> memref<2048xf32, #tpu.memory_space<hbm>>
      tpu.wait_dma2 semaphore(%arg9 : memref<!tpu.dma_semaphore, #tpu.memory_space<semaphore_mem>>) src(%dma_wait3A_462 : memref<2048xf32, #tpu.memory_space<hbm>>) dst(%dma_wait3A_461 : memref<2048xf32, #tpu.memory_space<vmem>>)
      %mul3A_463 = arith.constant 2048 : i32
      %mul3A_464 = arith.muli %mul3A_2, %mul3A_463 : i32
      %add3A_465 = arith.constant 12288 : i32
      %add3A_466 = arith.addi %mul3A_464, %add3A_465 : i32
      %dma_wait3A_467 = arith.constant 12384 : i32
      %dma_wait3A_468 = tpu.memref_slice %arg5[%dma_wait3A_467] : memref<33024xf32, #tpu.memory_space<vmem>> -> memref<2048xf32, #tpu.memory_space<vmem>>
      %dma_wait3A_469 = tpu.memref_slice %arg2[%add3A_466] : memref<67108864xf32, #tpu.memory_space<hbm>> -> memref<2048xf32, #tpu.memory_space<hbm>>
      %dma_wait3A_470 = arith.constant 12384 : i32
      %dma_wait3A_471 = tpu.memref_slice %arg5[%dma_wait3A_470] : memref<33024xf32, #tpu.memory_space<vmem>> -> memref<2048xf32, #tpu.memory_space<vmem>>
      %dma_wait3A_472 = tpu.memref_slice %arg2[%add3A_466] : memref<67108864xf32, #tpu.memory_space<hbm>> -> memref<2048xf32, #tpu.memory_space<hbm>>
      tpu.wait_dma2 semaphore(%arg9 : memref<!tpu.dma_semaphore, #tpu.memory_space<semaphore_mem>>) src(%dma_wait3A_472 : memref<2048xf32, #tpu.memory_space<hbm>>) dst(%dma_wait3A_471 : memref<2048xf32, #tpu.memory_space<vmem>>)
      %mul3A_473 = arith.constant 2048 : i32
      %mul3A_474 = arith.muli %mul3A_2, %mul3A_473 : i32
      %add3A_475 = arith.constant 14336 : i32
      %add3A_476 = arith.addi %mul3A_474, %add3A_475 : i32
      %dma_wait3A_477 = arith.constant 14448 : i32
      %dma_wait3A_478 = tpu.memref_slice %arg5[%dma_wait3A_477] : memref<33024xf32, #tpu.memory_space<vmem>> -> memref<2048xf32, #tpu.memory_space<vmem>>
      %dma_wait3A_479 = tpu.memref_slice %arg2[%add3A_476] : memref<67108864xf32, #tpu.memory_space<hbm>> -> memref<2048xf32, #tpu.memory_space<hbm>>
      %dma_wait3A_480 = arith.constant 14448 : i32
      %dma_wait3A_481 = tpu.memref_slice %arg5[%dma_wait3A_480] : memref<33024xf32, #tpu.memory_space<vmem>> -> memref<2048xf32, #tpu.memory_space<vmem>>
      %dma_wait3A_482 = tpu.memref_slice %arg2[%add3A_476] : memref<67108864xf32, #tpu.memory_space<hbm>> -> memref<2048xf32, #tpu.memory_space<hbm>>
      tpu.wait_dma2 semaphore(%arg9 : memref<!tpu.dma_semaphore, #tpu.memory_space<semaphore_mem>>) src(%dma_wait3A_482 : memref<2048xf32, #tpu.memory_space<hbm>>) dst(%dma_wait3A_481 : memref<2048xf32, #tpu.memory_space<vmem>>)
      %mul3A_483 = arith.constant 2048 : i32
      %mul3A_484 = arith.muli %mul3A_2, %mul3A_483 : i32
      %add3A_485 = arith.constant 16384 : i32
      %add3A_486 = arith.addi %mul3A_484, %add3A_485 : i32
      %dma_wait3A_487 = arith.constant 16512 : i32
      %dma_wait3A_488 = tpu.memref_slice %arg5[%dma_wait3A_487] : memref<33024xf32, #tpu.memory_space<vmem>> -> memref<2048xf32, #tpu.memory_space<vmem>>
      %dma_wait3A_489 = tpu.memref_slice %arg2[%add3A_486] : memref<67108864xf32, #tpu.memory_space<hbm>> -> memref<2048xf32, #tpu.memory_space<hbm>>
      %dma_wait3A_490 = arith.constant 16512 : i32
      %dma_wait3A_491 = tpu.memref_slice %arg5[%dma_wait3A_490] : memref<33024xf32, #tpu.memory_space<vmem>> -> memref<2048xf32, #tpu.memory_space<vmem>>
      %dma_wait3A_492 = tpu.memref_slice %arg2[%add3A_486] : memref<67108864xf32, #tpu.memory_space<hbm>> -> memref<2048xf32, #tpu.memory_space<hbm>>
      tpu.wait_dma2 semaphore(%arg9 : memref<!tpu.dma_semaphore, #tpu.memory_space<semaphore_mem>>) src(%dma_wait3A_492 : memref<2048xf32, #tpu.memory_space<hbm>>) dst(%dma_wait3A_491 : memref<2048xf32, #tpu.memory_space<vmem>>)
      %mul3A_493 = arith.constant 2048 : i32
      %mul3A_494 = arith.muli %mul3A_2, %mul3A_493 : i32
      %add3A_495 = arith.constant 18432 : i32
      %add3A_496 = arith.addi %mul3A_494, %add3A_495 : i32
      %dma_wait3A_497 = arith.constant 18576 : i32
      %dma_wait3A_498 = tpu.memref_slice %arg5[%dma_wait3A_497] : memref<33024xf32, #tpu.memory_space<vmem>> -> memref<2048xf32, #tpu.memory_space<vmem>>
      %dma_wait3A_499 = tpu.memref_slice %arg2[%add3A_496] : memref<67108864xf32, #tpu.memory_space<hbm>> -> memref<2048xf32, #tpu.memory_space<hbm>>
      %dma_wait3A_500 = arith.constant 18576 : i32
      %dma_wait3A_501 = tpu.memref_slice %arg5[%dma_wait3A_500] : memref<33024xf32, #tpu.memory_space<vmem>> -> memref<2048xf32, #tpu.memory_space<vmem>>
      %dma_wait3A_502 = tpu.memref_slice %arg2[%add3A_496] : memref<67108864xf32, #tpu.memory_space<hbm>> -> memref<2048xf32, #tpu.memory_space<hbm>>
      tpu.wait_dma2 semaphore(%arg9 : memref<!tpu.dma_semaphore, #tpu.memory_space<semaphore_mem>>) src(%dma_wait3A_502 : memref<2048xf32, #tpu.memory_space<hbm>>) dst(%dma_wait3A_501 : memref<2048xf32, #tpu.memory_space<vmem>>)
      %mul3A_503 = arith.constant 2048 : i32
      %mul3A_504 = arith.muli %mul3A_2, %mul3A_503 : i32
      %add3A_505 = arith.constant 20480 : i32
      %add3A_506 = arith.addi %mul3A_504, %add3A_505 : i32
      %dma_wait3A_507 = arith.constant 20640 : i32
      %dma_wait3A_508 = tpu.memref_slice %arg5[%dma_wait3A_507] : memref<33024xf32, #tpu.memory_space<vmem>> -> memref<2048xf32, #tpu.memory_space<vmem>>
      %dma_wait3A_509 = tpu.memref_slice %arg2[%add3A_506] : memref<67108864xf32, #tpu.memory_space<hbm>> -> memref<2048xf32, #tpu.memory_space<hbm>>
      %dma_wait3A_510 = arith.constant 20640 : i32
      %dma_wait3A_511 = tpu.memref_slice %arg5[%dma_wait3A_510] : memref<33024xf32, #tpu.memory_space<vmem>> -> memref<2048xf32, #tpu.memory_space<vmem>>
      %dma_wait3A_512 = tpu.memref_slice %arg2[%add3A_506] : memref<67108864xf32, #tpu.memory_space<hbm>> -> memref<2048xf32, #tpu.memory_space<hbm>>
      tpu.wait_dma2 semaphore(%arg9 : memref<!tpu.dma_semaphore, #tpu.memory_space<semaphore_mem>>) src(%dma_wait3A_512 : memref<2048xf32, #tpu.memory_space<hbm>>) dst(%dma_wait3A_511 : memref<2048xf32, #tpu.memory_space<vmem>>)
      %mul3A_513 = arith.constant 2048 : i32
      %mul3A_514 = arith.muli %mul3A_2, %mul3A_513 : i32
      %add3A_515 = arith.constant 22528 : i32
      %add3A_516 = arith.addi %mul3A_514, %add3A_515 : i32
      %dma_wait3A_517 = arith.constant 22704 : i32
      %dma_wait3A_518 = tpu.memref_slice %arg5[%dma_wait3A_517] : memref<33024xf32, #tpu.memory_space<vmem>> -> memref<2048xf32, #tpu.memory_space<vmem>>
      %dma_wait3A_519 = tpu.memref_slice %arg2[%add3A_516] : memref<67108864xf32, #tpu.memory_space<hbm>> -> memref<2048xf32, #tpu.memory_space<hbm>>
      %dma_wait3A_520 = arith.constant 22704 : i32
      %dma_wait3A_521 = tpu.memref_slice %arg5[%dma_wait3A_520] : memref<33024xf32, #tpu.memory_space<vmem>> -> memref<2048xf32, #tpu.memory_space<vmem>>
      %dma_wait3A_522 = tpu.memref_slice %arg2[%add3A_516] : memref<67108864xf32, #tpu.memory_space<hbm>> -> memref<2048xf32, #tpu.memory_space<hbm>>
      tpu.wait_dma2 semaphore(%arg9 : memref<!tpu.dma_semaphore, #tpu.memory_space<semaphore_mem>>) src(%dma_wait3A_522 : memref<2048xf32, #tpu.memory_space<hbm>>) dst(%dma_wait3A_521 : memref<2048xf32, #tpu.memory_space<vmem>>)
      %mul3A_523 = arith.constant 2048 : i32
      %mul3A_524 = arith.muli %mul3A_2, %mul3A_523 : i32
      %add3A_525 = arith.constant 24576 : i32
      %add3A_526 = arith.addi %mul3A_524, %add3A_525 : i32
      %dma_wait3A_527 = arith.constant 24768 : i32
      %dma_wait3A_528 = tpu.memref_slice %arg5[%dma_wait3A_527] : memref<33024xf32, #tpu.memory_space<vmem>> -> memref<2048xf32, #tpu.memory_space<vmem>>
      %dma_wait3A_529 = tpu.memref_slice %arg2[%add3A_526] : memref<67108864xf32, #tpu.memory_space<hbm>> -> memref<2048xf32, #tpu.memory_space<hbm>>
      %dma_wait3A_530 = arith.constant 24768 : i32
      %dma_wait3A_531 = tpu.memref_slice %arg5[%dma_wait3A_530] : memref<33024xf32, #tpu.memory_space<vmem>> -> memref<2048xf32, #tpu.memory_space<vmem>>
      %dma_wait3A_532 = tpu.memref_slice %arg2[%add3A_526] : memref<67108864xf32, #tpu.memory_space<hbm>> -> memref<2048xf32, #tpu.memory_space<hbm>>
      tpu.wait_dma2 semaphore(%arg9 : memref<!tpu.dma_semaphore, #tpu.memory_space<semaphore_mem>>) src(%dma_wait3A_532 : memref<2048xf32, #tpu.memory_space<hbm>>) dst(%dma_wait3A_531 : memref<2048xf32, #tpu.memory_space<vmem>>)
      %mul3A_533 = arith.constant 2048 : i32
      %mul3A_534 = arith.muli %mul3A_2, %mul3A_533 : i32
      %add3A_535 = arith.constant 26624 : i32
      %add3A_536 = arith.addi %mul3A_534, %add3A_535 : i32
      %dma_wait3A_537 = arith.constant 26832 : i32
      %dma_wait3A_538 = tpu.memref_slice %arg5[%dma_wait3A_537] : memref<33024xf32, #tpu.memory_space<vmem>> -> memref<2048xf32, #tpu.memory_space<vmem>>
      %dma_wait3A_539 = tpu.memref_slice %arg2[%add3A_536] : memref<67108864xf32, #tpu.memory_space<hbm>> -> memref<2048xf32, #tpu.memory_space<hbm>>
      %dma_wait3A_540 = arith.constant 26832 : i32
      %dma_wait3A_541 = tpu.memref_slice %arg5[%dma_wait3A_540] : memref<33024xf32, #tpu.memory_space<vmem>> -> memref<2048xf32, #tpu.memory_space<vmem>>
      %dma_wait3A_542 = tpu.memref_slice %arg2[%add3A_536] : memref<67108864xf32, #tpu.memory_space<hbm>> -> memref<2048xf32, #tpu.memory_space<hbm>>
      tpu.wait_dma2 semaphore(%arg9 : memref<!tpu.dma_semaphore, #tpu.memory_space<semaphore_mem>>) src(%dma_wait3A_542 : memref<2048xf32, #tpu.memory_space<hbm>>) dst(%dma_wait3A_541 : memref<2048xf32, #tpu.memory_space<vmem>>)
      %mul3A_543 = arith.constant 2048 : i32
      %mul3A_544 = arith.muli %mul3A_2, %mul3A_543 : i32
      %add3A_545 = arith.constant 28672 : i32
      %add3A_546 = arith.addi %mul3A_544, %add3A_545 : i32
      %dma_wait3A_547 = arith.constant 28896 : i32
      %dma_wait3A_548 = tpu.memref_slice %arg5[%dma_wait3A_547] : memref<33024xf32, #tpu.memory_space<vmem>> -> memref<2048xf32, #tpu.memory_space<vmem>>
      %dma_wait3A_549 = tpu.memref_slice %arg2[%add3A_546] : memref<67108864xf32, #tpu.memory_space<hbm>> -> memref<2048xf32, #tpu.memory_space<hbm>>
      %dma_wait3A_550 = arith.constant 28896 : i32
      %dma_wait3A_551 = tpu.memref_slice %arg5[%dma_wait3A_550] : memref<33024xf32, #tpu.memory_space<vmem>> -> memref<2048xf32, #tpu.memory_space<vmem>>
      %dma_wait3A_552 = tpu.memref_slice %arg2[%add3A_546] : memref<67108864xf32, #tpu.memory_space<hbm>> -> memref<2048xf32, #tpu.memory_space<hbm>>
      tpu.wait_dma2 semaphore(%arg9 : memref<!tpu.dma_semaphore, #tpu.memory_space<semaphore_mem>>) src(%dma_wait3A_552 : memref<2048xf32, #tpu.memory_space<hbm>>) dst(%dma_wait3A_551 : memref<2048xf32, #tpu.memory_space<vmem>>)
      %mul3A_553 = arith.constant 2048 : i32
      %mul3A_554 = arith.muli %mul3A_2, %mul3A_553 : i32
      %add3A_555 = arith.constant 30720 : i32
      %add3A_556 = arith.addi %mul3A_554, %add3A_555 : i32
      %dma_wait3A_557 = arith.constant 30960 : i32
      %dma_wait3A_558 = tpu.memref_slice %arg5[%dma_wait3A_557] : memref<33024xf32, #tpu.memory_space<vmem>> -> memref<2048xf32, #tpu.memory_space<vmem>>
      %dma_wait3A_559 = tpu.memref_slice %arg2[%add3A_556] : memref<67108864xf32, #tpu.memory_space<hbm>> -> memref<2048xf32, #tpu.memory_space<hbm>>
      %dma_wait3A_560 = arith.constant 30960 : i32
      %dma_wait3A_561 = tpu.memref_slice %arg5[%dma_wait3A_560] : memref<33024xf32, #tpu.memory_space<vmem>> -> memref<2048xf32, #tpu.memory_space<vmem>>
      %dma_wait3A_562 = tpu.memref_slice %arg2[%add3A_556] : memref<67108864xf32, #tpu.memory_space<hbm>> -> memref<2048xf32, #tpu.memory_space<hbm>>
      tpu.wait_dma2 semaphore(%arg9 : memref<!tpu.dma_semaphore, #tpu.memory_space<semaphore_mem>>) src(%dma_wait3A_562 : memref<2048xf32, #tpu.memory_space<hbm>>) dst(%dma_wait3A_561 : memref<2048xf32, #tpu.memory_space<vmem>>)
      %broadcast_in_dim3A_563 = arith.constant 0xFF800000 : f32
      %broadcast_in_dim3A_564 = vector.broadcast %broadcast_in_dim3A_563 : f32 to vector<16xf32>
      %broadcast_in_dim3A_565 = arith.constant 0xFF800000 : f32
      %broadcast_in_dim3A_566 = vector.broadcast %broadcast_in_dim3A_565 : f32 to vector<16xf32>
      %broadcast_in_dim3A_567 = arith.constant 0xFF800000 : f32
      %broadcast_in_dim3A_568 = vector.broadcast %broadcast_in_dim3A_567 : f32 to vector<16xf32>
      %broadcast_in_dim3A_569 = arith.constant 0xFF800000 : f32
      %broadcast_in_dim3A_570 = vector.broadcast %broadcast_in_dim3A_569 : f32 to vector<16xf32>
      %broadcast_in_dim3A_571 = arith.constant 0 : i32
      %broadcast_in_dim3A_572 = vector.broadcast %broadcast_in_dim3A_571 : i32 to vector<16xi32>
      %broadcast_in_dim3A_573 = arith.constant 0 : i32
      %broadcast_in_dim3A_574 = vector.broadcast %broadcast_in_dim3A_573 : i32 to vector<16xi32>
      %broadcast_in_dim3A_575 = arith.constant 0 : i32
      %broadcast_in_dim3A_576 = vector.broadcast %broadcast_in_dim3A_575 : i32 to vector<16xi32>
      %broadcast_in_dim3A_577 = arith.constant 0 : i32
      %broadcast_in_dim3A_578 = vector.broadcast %broadcast_in_dim3A_577 : i32 to vector<16xi32>
      %scan3A_579 = arith.constant 0 : i32
      %scan3A_580 = arith.constant 128 : i32
      %scan3A_581 = arith.addi %scan3A_579, %scan3A_580 : i32
      %scan3A_582 = arith.constant 1 : i32
      %scan3A_583:8 = scf.for %scan3A_627 = %scan3A_579 to %scan3A_581 step %scan3A_582 iter_args(%scan3A_628 = %broadcast_in_dim3A_564, %scan3A_629 = %broadcast_in_dim3A_566, %scan3A_630 = %broadcast_in_dim3A_568, %scan3A_631 = %broadcast_in_dim3A_570, %scan3A_632 = %broadcast_in_dim3A_572, %scan3A_633 = %broadcast_in_dim3A_574, %scan3A_634 = %broadcast_in_dim3A_576, %scan3A_635 = %broadcast_in_dim3A_578) -> (vector<16xf32>, vector<16xf32>, vector<16xf32>, vector<16xf32>, vector<16xi32>, vector<16xi32>, vector<16xi32>, vector<16xi32>)  : i32 {
        %mul3A_636 = arith.constant 16 : i32
        %mul3A_637 = arith.muli %scan3A_627, %mul3A_636 : i32
        %add3A_638 = vector.broadcast %mul3A_637 : i32 to vector<16xi32>
        %add3A_639 = arith.addi %add3A_638, %iota3A : vector<16xi32>
        %add3A_640 = arith.constant 0 : i32
        %add3A_641 = vector.broadcast %add3A_640 : i32 to vector<16xi32>
        %add3A_642 = arith.addi %add3A_639, %add3A_641 : vector<16xi32>
        %and3A_643 = arith.constant 2047 : i32
        %and3A_644 = vector.broadcast %and3A_643 : i32 to vector<16xi32>
        %and3A_645 = arith.andi %add3A_642, %and3A_644 : vector<16xi32>
        %add3A_646 = arith.addi %mul3A_9, %and3A_645 : vector<16xi32>
        %gather3A = tpu.vector_load_idx %arg5[%add3A_646] : memref<33024xf32, #tpu.memory_space<vmem>>[vector<16xi32>], vector<16xf32>,
        %gt3A_647 = arith.cmpf ogt, %gather3A, %scan3A_628 : vector<16xf32>
        %eq3A_648 = arith.cmpf oeq, %gather3A, %scan3A_628 : vector<16xf32>
        %lt3A_649 = arith.cmpi slt, %and3A_645, %scan3A_632 : vector<16xi32>
        %and3A_650 = arith.andi %eq3A_648, %lt3A_649 : vector<16xi1>
        %or3A_651 = arith.ori %gt3A_647, %and3A_650 : vector<16xi1>
        %select_n3A_652 = arith.select %or3A_651, %gather3A, %scan3A_628 : vector<16xi1>, vector<16xf32>
        %select_n3A_653 = arith.select %or3A_651, %and3A_645, %scan3A_632 : vector<16xi1>, vector<16xi32>
        %add3A_654 = arith.constant 1 : i32
        %add3A_655 = vector.broadcast %add3A_654 : i32 to vector<16xi32>
        %add3A_656 = arith.addi %add3A_639, %add3A_655 : vector<16xi32>
        %and3A_657 = arith.constant 2047 : i32
        %and3A_658 = vector.broadcast %and3A_657 : i32 to vector<16xi32>
        %and3A_659 = arith.andi %add3A_656, %and3A_658 : vector<16xi32>
        %add3A_660 = arith.addi %mul3A_9, %and3A_659 : vector<16xi32>
        %gather3A_661 = tpu.vector_load_idx %arg5[%add3A_660] : memref<33024xf32, #tpu.memory_space<vmem>>[vector<16xi32>], vector<16xf32>,
        %gt3A_662 = arith.cmpf ogt, %gather3A_661, %scan3A_629 : vector<16xf32>
        %eq3A_663 = arith.cmpf oeq, %gather3A_661, %scan3A_629 : vector<16xf32>
        %lt3A_664 = arith.cmpi slt, %and3A_659, %scan3A_633 : vector<16xi32>
        %and3A_665 = arith.andi %eq3A_663, %lt3A_664 : vector<16xi1>
        %or3A_666 = arith.ori %gt3A_662, %and3A_665 : vector<16xi1>
        %select_n3A_667 = arith.select %or3A_666, %gather3A_661, %scan3A_629 : vector<16xi1>, vector<16xf32>
        %select_n3A_668 = arith.select %or3A_666, %and3A_659, %scan3A_633 : vector<16xi1>, vector<16xi32>
        %add3A_669 = arith.constant 2 : i32
        %add3A_670 = vector.broadcast %add3A_669 : i32 to vector<16xi32>
        %add3A_671 = arith.addi %add3A_639, %add3A_670 : vector<16xi32>
        %and3A_672 = arith.constant 2047 : i32
        %and3A_673 = vector.broadcast %and3A_672 : i32 to vector<16xi32>
        %and3A_674 = arith.andi %add3A_671, %and3A_673 : vector<16xi32>
        %add3A_675 = arith.addi %mul3A_9, %and3A_674 : vector<16xi32>
        %gather3A_676 = tpu.vector_load_idx %arg5[%add3A_675] : memref<33024xf32, #tpu.memory_space<vmem>>[vector<16xi32>], vector<16xf32>,
        %gt3A_677 = arith.cmpf ogt, %gather3A_676, %scan3A_630 : vector<16xf32>
        %eq3A_678 = arith.cmpf oeq, %gather3A_676, %scan3A_630 : vector<16xf32>
        %lt3A_679 = arith.cmpi slt, %and3A_674, %scan3A_634 : vector<16xi32>
        %and3A_680 = arith.andi %eq3A_678, %lt3A_679 : vector<16xi1>
        %or3A_681 = arith.ori %gt3A_677, %and3A_680 : vector<16xi1>
        %select_n3A_682 = arith.select %or3A_681, %gather3A_676, %scan3A_630 : vector<16xi1>, vector<16xf32>
        %select_n3A_683 = arith.select %or3A_681, %and3A_674, %scan3A_634 : vector<16xi1>, vector<16xi32>
        %add3A_684 = arith.constant 3 : i32
        %add3A_685 = vector.broadcast %add3A_684 : i32 to vector<16xi32>
        %add3A_686 = arith.addi %add3A_639, %add3A_685 : vector<16xi32>
        %and3A_687 = arith.constant 2047 : i32
        %and3A_688 = vector.broadcast %and3A_687 : i32 to vector<16xi32>
        %and3A_689 = arith.andi %add3A_686, %and3A_688 : vector<16xi32>
        %add3A_690 = arith.addi %mul3A_9, %and3A_689 : vector<16xi32>
        %gather3A_691 = tpu.vector_load_idx %arg5[%add3A_690] : memref<33024xf32, #tpu.memory_space<vmem>>[vector<16xi32>], vector<16xf32>,
        %gt3A_692 = arith.cmpf ogt, %gather3A_691, %scan3A_631 : vector<16xf32>
        %eq3A_693 = arith.cmpf oeq, %gather3A_691, %scan3A_631 : vector<16xf32>
        %lt3A_694 = arith.cmpi slt, %and3A_689, %scan3A_635 : vector<16xi32>
        %and3A_695 = arith.andi %eq3A_693, %lt3A_694 : vector<16xi1>
        %or3A_696 = arith.ori %gt3A_692, %and3A_695 : vector<16xi1>
        %select_n3A_697 = arith.select %or3A_696, %gather3A_691, %scan3A_631 : vector<16xi1>, vector<16xf32>
        %select_n3A_698 = arith.select %or3A_696, %and3A_689, %scan3A_635 : vector<16xi1>, vector<16xi32>
        %add3A_699 = arith.constant 4 : i32
        %add3A_700 = vector.broadcast %add3A_699 : i32 to vector<16xi32>
        %add3A_701 = arith.addi %add3A_639, %add3A_700 : vector<16xi32>
        %and3A_702 = arith.constant 2047 : i32
        %and3A_703 = vector.broadcast %and3A_702 : i32 to vector<16xi32>
        %and3A_704 = arith.andi %add3A_701, %and3A_703 : vector<16xi32>
        %add3A_705 = arith.addi %mul3A_9, %and3A_704 : vector<16xi32>
        %gather3A_706 = tpu.vector_load_idx %arg5[%add3A_705] : memref<33024xf32, #tpu.memory_space<vmem>>[vector<16xi32>], vector<16xf32>,
        %gt3A_707 = arith.cmpf ogt, %gather3A_706, %select_n3A_652 : vector<16xf32>
        %eq3A_708 = arith.cmpf oeq, %gather3A_706, %select_n3A_652 : vector<16xf32>
        %lt3A_709 = arith.cmpi slt, %and3A_704, %select_n3A_653 : vector<16xi32>
        %and3A_710 = arith.andi %eq3A_708, %lt3A_709 : vector<16xi1>
        %or3A_711 = arith.ori %gt3A_707, %and3A_710 : vector<16xi1>
        %select_n3A_712 = arith.select %or3A_711, %gather3A_706, %select_n3A_652 : vector<16xi1>, vector<16xf32>
        %select_n3A_713 = arith.select %or3A_711, %and3A_704, %select_n3A_653 : vector<16xi1>, vector<16xi32>
        %add3A_714 = arith.constant 5 : i32
        %add3A_715 = vector.broadcast %add3A_714 : i32 to vector<16xi32>
        %add3A_716 = arith.addi %add3A_639, %add3A_715 : vector<16xi32>
        %and3A_717 = arith.constant 2047 : i32
        %and3A_718 = vector.broadcast %and3A_717 : i32 to vector<16xi32>
        %and3A_719 = arith.andi %add3A_716, %and3A_718 : vector<16xi32>
        %add3A_720 = arith.addi %mul3A_9, %and3A_719 : vector<16xi32>
        %gather3A_721 = tpu.vector_load_idx %arg5[%add3A_720] : memref<33024xf32, #tpu.memory_space<vmem>>[vector<16xi32>], vector<16xf32>,
        %gt3A_722 = arith.cmpf ogt, %gather3A_721, %select_n3A_667 : vector<16xf32>
        %eq3A_723 = arith.cmpf oeq, %gather3A_721, %select_n3A_667 : vector<16xf32>
        %lt3A_724 = arith.cmpi slt, %and3A_719, %select_n3A_668 : vector<16xi32>
        %and3A_725 = arith.andi %eq3A_723, %lt3A_724 : vector<16xi1>
        %or3A_726 = arith.ori %gt3A_722, %and3A_725 : vector<16xi1>
        %select_n3A_727 = arith.select %or3A_726, %gather3A_721, %select_n3A_667 : vector<16xi1>, vector<16xf32>
        %select_n3A_728 = arith.select %or3A_726, %and3A_719, %select_n3A_668 : vector<16xi1>, vector<16xi32>
        %add3A_729 = arith.constant 6 : i32
        %add3A_730 = vector.broadcast %add3A_729 : i32 to vector<16xi32>
        %add3A_731 = arith.addi %add3A_639, %add3A_730 : vector<16xi32>
        %and3A_732 = arith.constant 2047 : i32
        %and3A_733 = vector.broadcast %and3A_732 : i32 to vector<16xi32>
        %and3A_734 = arith.andi %add3A_731, %and3A_733 : vector<16xi32>
        %add3A_735 = arith.addi %mul3A_9, %and3A_734 : vector<16xi32>
        %gather3A_736 = tpu.vector_load_idx %arg5[%add3A_735] : memref<33024xf32, #tpu.memory_space<vmem>>[vector<16xi32>], vector<16xf32>,
        %gt3A_737 = arith.cmpf ogt, %gather3A_736, %select_n3A_682 : vector<16xf32>
        %eq3A_738 = arith.cmpf oeq, %gather3A_736, %select_n3A_682 : vector<16xf32>
        %lt3A_739 = arith.cmpi slt, %and3A_734, %select_n3A_683 : vector<16xi32>
        %and3A_740 = arith.andi %eq3A_738, %lt3A_739 : vector<16xi1>
        %or3A_741 = arith.ori %gt3A_737, %and3A_740 : vector<16xi1>
        %select_n3A_742 = arith.select %or3A_741, %gather3A_736, %select_n3A_682 : vector<16xi1>, vector<16xf32>
        %select_n3A_743 = arith.select %or3A_741, %and3A_734, %select_n3A_683 : vector<16xi1>, vector<16xi32>
        %add3A_744 = arith.constant 7 : i32
        %add3A_745 = vector.broadcast %add3A_744 : i32 to vector<16xi32>
        %add3A_746 = arith.addi %add3A_639, %add3A_745 : vector<16xi32>
        %and3A_747 = arith.constant 2047 : i32
        %and3A_748 = vector.broadcast %and3A_747 : i32 to vector<16xi32>
        %and3A_749 = arith.andi %add3A_746, %and3A_748 : vector<16xi32>
        %add3A_750 = arith.addi %mul3A_9, %and3A_749 : vector<16xi32>
        %gather3A_751 = tpu.vector_load_idx %arg5[%add3A_750] : memref<33024xf32, #tpu.memory_space<vmem>>[vector<16xi32>], vector<16xf32>,
        %gt3A_752 = arith.cmpf ogt, %gather3A_751, %select_n3A_697 : vector<16xf32>
        %eq3A_753 = arith.cmpf oeq, %gather3A_751, %select_n3A_697 : vector<16xf32>
        %lt3A_754 = arith.cmpi slt, %and3A_749, %select_n3A_698 : vector<16xi32>
        %and3A_755 = arith.andi %eq3A_753, %lt3A_754 : vector<16xi1>
        %or3A_756 = arith.ori %gt3A_752, %and3A_755 : vector<16xi1>
        %select_n3A_757 = arith.select %or3A_756, %gather3A_751, %select_n3A_697 : vector<16xi1>, vector<16xf32>
        %select_n3A_758 = arith.select %or3A_756, %and3A_749, %select_n3A_698 : vector<16xi1>, vector<16xi32>
        %add3A_759 = arith.constant 8 : i32
        %add3A_760 = vector.broadcast %add3A_759 : i32 to vector<16xi32>
        %add3A_761 = arith.addi %add3A_639, %add3A_760 : vector<16xi32>
        %and3A_762 = arith.constant 2047 : i32
        %and3A_763 = vector.broadcast %and3A_762 : i32 to vector<16xi32>
        %and3A_764 = arith.andi %add3A_761, %and3A_763 : vector<16xi32>
        %add3A_765 = arith.addi %mul3A_9, %and3A_764 : vector<16xi32>
        %gather3A_766 = tpu.vector_load_idx %arg5[%add3A_765] : memref<33024xf32, #tpu.memory_space<vmem>>[vector<16xi32>], vector<16xf32>,
        %gt3A_767 = arith.cmpf ogt, %gather3A_766, %select_n3A_712 : vector<16xf32>
        %eq3A_768 = arith.cmpf oeq, %gather3A_766, %select_n3A_712 : vector<16xf32>
        %lt3A_769 = arith.cmpi slt, %and3A_764, %select_n3A_713 : vector<16xi32>
        %and3A_770 = arith.andi %eq3A_768, %lt3A_769 : vector<16xi1>
        %or3A_771 = arith.ori %gt3A_767, %and3A_770 : vector<16xi1>
        %select_n3A_772 = arith.select %or3A_771, %gather3A_766, %select_n3A_712 : vector<16xi1>, vector<16xf32>
        %select_n3A_773 = arith.select %or3A_771, %and3A_764, %select_n3A_713 : vector<16xi1>, vector<16xi32>
        %add3A_774 = arith.constant 9 : i32
        %add3A_775 = vector.broadcast %add3A_774 : i32 to vector<16xi32>
        %add3A_776 = arith.addi %add3A_639, %add3A_775 : vector<16xi32>
        %and3A_777 = arith.constant 2047 : i32
        %and3A_778 = vector.broadcast %and3A_777 : i32 to vector<16xi32>
        %and3A_779 = arith.andi %add3A_776, %and3A_778 : vector<16xi32>
        %add3A_780 = arith.addi %mul3A_9, %and3A_779 : vector<16xi32>
        %gather3A_781 = tpu.vector_load_idx %arg5[%add3A_780] : memref<33024xf32, #tpu.memory_space<vmem>>[vector<16xi32>], vector<16xf32>,
        %gt3A_782 = arith.cmpf ogt, %gather3A_781, %select_n3A_727 : vector<16xf32>
        %eq3A_783 = arith.cmpf oeq, %gather3A_781, %select_n3A_727 : vector<16xf32>
        %lt3A_784 = arith.cmpi slt, %and3A_779, %select_n3A_728 : vector<16xi32>
        %and3A_785 = arith.andi %eq3A_783, %lt3A_784 : vector<16xi1>
        %or3A_786 = arith.ori %gt3A_782, %and3A_785 : vector<16xi1>
        %select_n3A_787 = arith.select %or3A_786, %gather3A_781, %select_n3A_727 : vector<16xi1>, vector<16xf32>
        %select_n3A_788 = arith.select %or3A_786, %and3A_779, %select_n3A_728 : vector<16xi1>, vector<16xi32>
        %add3A_789 = arith.constant 10 : i32
        %add3A_790 = vector.broadcast %add3A_789 : i32 to vector<16xi32>
        %add3A_791 = arith.addi %add3A_639, %add3A_790 : vector<16xi32>
        %and3A_792 = arith.constant 2047 : i32
        %and3A_793 = vector.broadcast %and3A_792 : i32 to vector<16xi32>
        %and3A_794 = arith.andi %add3A_791, %and3A_793 : vector<16xi32>
        %add3A_795 = arith.addi %mul3A_9, %and3A_794 : vector<16xi32>
        %gather3A_796 = tpu.vector_load_idx %arg5[%add3A_795] : memref<33024xf32, #tpu.memory_space<vmem>>[vector<16xi32>], vector<16xf32>,
        %gt3A_797 = arith.cmpf ogt, %gather3A_796, %select_n3A_742 : vector<16xf32>
        %eq3A_798 = arith.cmpf oeq, %gather3A_796, %select_n3A_742 : vector<16xf32>
        %lt3A_799 = arith.cmpi slt, %and3A_794, %select_n3A_743 : vector<16xi32>
        %and3A_800 = arith.andi %eq3A_798, %lt3A_799 : vector<16xi1>
        %or3A_801 = arith.ori %gt3A_797, %and3A_800 : vector<16xi1>
        %select_n3A_802 = arith.select %or3A_801, %gather3A_796, %select_n3A_742 : vector<16xi1>, vector<16xf32>
        %select_n3A_803 = arith.select %or3A_801, %and3A_794, %select_n3A_743 : vector<16xi1>, vector<16xi32>
        %add3A_804 = arith.constant 11 : i32
        %add3A_805 = vector.broadcast %add3A_804 : i32 to vector<16xi32>
        %add3A_806 = arith.addi %add3A_639, %add3A_805 : vector<16xi32>
        %and3A_807 = arith.constant 2047 : i32
        %and3A_808 = vector.broadcast %and3A_807 : i32 to vector<16xi32>
        %and3A_809 = arith.andi %add3A_806, %and3A_808 : vector<16xi32>
        %add3A_810 = arith.addi %mul3A_9, %and3A_809 : vector<16xi32>
        %gather3A_811 = tpu.vector_load_idx %arg5[%add3A_810] : memref<33024xf32, #tpu.memory_space<vmem>>[vector<16xi32>], vector<16xf32>,
        %gt3A_812 = arith.cmpf ogt, %gather3A_811, %select_n3A_757 : vector<16xf32>
        %eq3A_813 = arith.cmpf oeq, %gather3A_811, %select_n3A_757 : vector<16xf32>
        %lt3A_814 = arith.cmpi slt, %and3A_809, %select_n3A_758 : vector<16xi32>
        %and3A_815 = arith.andi %eq3A_813, %lt3A_814 : vector<16xi1>
        %or3A_816 = arith.ori %gt3A_812, %and3A_815 : vector<16xi1>
        %select_n3A_817 = arith.select %or3A_816, %gather3A_811, %select_n3A_757 : vector<16xi1>, vector<16xf32>
        %select_n3A_818 = arith.select %or3A_816, %and3A_809, %select_n3A_758 : vector<16xi1>, vector<16xi32>
        %add3A_819 = arith.constant 12 : i32
        %add3A_820 = vector.broadcast %add3A_819 : i32 to vector<16xi32>
        %add3A_821 = arith.addi %add3A_639, %add3A_820 : vector<16xi32>
        %and3A_822 = arith.constant 2047 : i32
        %and3A_823 = vector.broadcast %and3A_822 : i32 to vector<16xi32>
        %and3A_824 = arith.andi %add3A_821, %and3A_823 : vector<16xi32>
        %add3A_825 = arith.addi %mul3A_9, %and3A_824 : vector<16xi32>
        %gather3A_826 = tpu.vector_load_idx %arg5[%add3A_825] : memref<33024xf32, #tpu.memory_space<vmem>>[vector<16xi32>], vector<16xf32>,
        %gt3A_827 = arith.cmpf ogt, %gather3A_826, %select_n3A_772 : vector<16xf32>
        %eq3A_828 = arith.cmpf oeq, %gather3A_826, %select_n3A_772 : vector<16xf32>
        %lt3A_829 = arith.cmpi slt, %and3A_824, %select_n3A_773 : vector<16xi32>
        %and3A_830 = arith.andi %eq3A_828, %lt3A_829 : vector<16xi1>
        %or3A_831 = arith.ori %gt3A_827, %and3A_830 : vector<16xi1>
        %select_n3A_832 = arith.select %or3A_831, %gather3A_826, %select_n3A_772 : vector<16xi1>, vector<16xf32>
        %select_n3A_833 = arith.select %or3A_831, %and3A_824, %select_n3A_773 : vector<16xi1>, vector<16xi32>
        %add3A_834 = arith.constant 13 : i32
        %add3A_835 = vector.broadcast %add3A_834 : i32 to vector<16xi32>
        %add3A_836 = arith.addi %add3A_639, %add3A_835 : vector<16xi32>
        %and3A_837 = arith.constant 2047 : i32
        %and3A_838 = vector.broadcast %and3A_837 : i32 to vector<16xi32>
        %and3A_839 = arith.andi %add3A_836, %and3A_838 : vector<16xi32>
        %add3A_840 = arith.addi %mul3A_9, %and3A_839 : vector<16xi32>
        %gather3A_841 = tpu.vector_load_idx %arg5[%add3A_840] : memref<33024xf32, #tpu.memory_space<vmem>>[vector<16xi32>], vector<16xf32>,
        %gt3A_842 = arith.cmpf ogt, %gather3A_841, %select_n3A_787 : vector<16xf32>
        %eq3A_843 = arith.cmpf oeq, %gather3A_841, %select_n3A_787 : vector<16xf32>
        %lt3A_844 = arith.cmpi slt, %and3A_839, %select_n3A_788 : vector<16xi32>
        %and3A_845 = arith.andi %eq3A_843, %lt3A_844 : vector<16xi1>
        %or3A_846 = arith.ori %gt3A_842, %and3A_845 : vector<16xi1>
        %select_n3A_847 = arith.select %or3A_846, %gather3A_841, %select_n3A_787 : vector<16xi1>, vector<16xf32>
        %select_n3A_848 = arith.select %or3A_846, %and3A_839, %select_n3A_788 : vector<16xi1>, vector<16xi32>
        %add3A_849 = arith.constant 14 : i32
        %add3A_850 = vector.broadcast %add3A_849 : i32 to vector<16xi32>
        %add3A_851 = arith.addi %add3A_639, %add3A_850 : vector<16xi32>
        %and3A_852 = arith.constant 2047 : i32
        %and3A_853 = vector.broadcast %and3A_852 : i32 to vector<16xi32>
        %and3A_854 = arith.andi %add3A_851, %and3A_853 : vector<16xi32>
        %add3A_855 = arith.addi %mul3A_9, %and3A_854 : vector<16xi32>
        %gather3A_856 = tpu.vector_load_idx %arg5[%add3A_855] : memref<33024xf32, #tpu.memory_space<vmem>>[vector<16xi32>], vector<16xf32>,
        %gt3A_857 = arith.cmpf ogt, %gather3A_856, %select_n3A_802 : vector<16xf32>
        %eq3A_858 = arith.cmpf oeq, %gather3A_856, %select_n3A_802 : vector<16xf32>
        %lt3A_859 = arith.cmpi slt, %and3A_854, %select_n3A_803 : vector<16xi32>
        %and3A_860 = arith.andi %eq3A_858, %lt3A_859 : vector<16xi1>
        %or3A_861 = arith.ori %gt3A_857, %and3A_860 : vector<16xi1>
        %select_n3A_862 = arith.select %or3A_861, %gather3A_856, %select_n3A_802 : vector<16xi1>, vector<16xf32>
        %select_n3A_863 = arith.select %or3A_861, %and3A_854, %select_n3A_803 : vector<16xi1>, vector<16xi32>
        %add3A_864 = arith.constant 15 : i32
        %add3A_865 = vector.broadcast %add3A_864 : i32 to vector<16xi32>
        %add3A_866 = arith.addi %add3A_639, %add3A_865 : vector<16xi32>
        %and3A_867 = arith.constant 2047 : i32
        %and3A_868 = vector.broadcast %and3A_867 : i32 to vector<16xi32>
        %and3A_869 = arith.andi %add3A_866, %and3A_868 : vector<16xi32>
        %add3A_870 = arith.addi %mul3A_9, %and3A_869 : vector<16xi32>
        %gather3A_871 = tpu.vector_load_idx %arg5[%add3A_870] : memref<33024xf32, #tpu.memory_space<vmem>>[vector<16xi32>], vector<16xf32>,
        %gt3A_872 = arith.cmpf ogt, %gather3A_871, %select_n3A_817 : vector<16xf32>
        %eq3A_873 = arith.cmpf oeq, %gather3A_871, %select_n3A_817 : vector<16xf32>
        %lt3A_874 = arith.cmpi slt, %and3A_869, %select_n3A_818 : vector<16xi32>
        %and3A_875 = arith.andi %eq3A_873, %lt3A_874 : vector<16xi1>
        %or3A_876 = arith.ori %gt3A_872, %and3A_875 : vector<16xi1>
        %select_n3A_877 = arith.select %or3A_876, %gather3A_871, %select_n3A_817 : vector<16xi1>, vector<16xf32>
        %select_n3A_878 = arith.select %or3A_876, %and3A_869, %select_n3A_818 : vector<16xi1>, vector<16xi32>
        scf.yield %select_n3A_832, %select_n3A_847, %select_n3A_862, %select_n3A_877, %select_n3A_833, %select_n3A_848, %select_n3A_863, %select_n3A_878 : vector<16xf32>, vector<16xf32>, vector<16xf32>, vector<16xf32>, vector<16xi32>, vector<16xi32>, vector<16xi32>, vector<16xi32>
      }
      %scan3A_584 = arith.constant 128 : i32
      %gt3A_585 = arith.cmpf ogt, %scan3A_583#1, %scan3A_583#0 : vector<16xf32>
      %eq3A_586 = arith.cmpf oeq, %scan3A_583#1, %scan3A_583#0 : vector<16xf32>
      %lt3A_587 = arith.cmpi slt, %scan3A_583#5, %scan3A_583#4 : vector<16xi32>
      %and3A_588 = arith.andi %eq3A_586, %lt3A_587 : vector<16xi1>
      %or3A_589 = arith.ori %gt3A_585, %and3A_588 : vector<16xi1>
      %select_n3A_590 = arith.select %or3A_589, %scan3A_583#1, %scan3A_583#0 : vector<16xi1>, vector<16xf32>
      %select_n3A_591 = arith.select %or3A_589, %scan3A_583#5, %scan3A_583#4 : vector<16xi1>, vector<16xi32>
      %gt3A_592 = arith.cmpf ogt, %scan3A_583#2, %select_n3A_590 : vector<16xf32>
      %eq3A_593 = arith.cmpf oeq, %scan3A_583#2, %select_n3A_590 : vector<16xf32>
      %lt3A_594 = arith.cmpi slt, %scan3A_583#6, %select_n3A_591 : vector<16xi32>
      %and3A_595 = arith.andi %eq3A_593, %lt3A_594 : vector<16xi1>
      %or3A_596 = arith.ori %gt3A_592, %and3A_595 : vector<16xi1>
      %select_n3A_597 = arith.select %or3A_596, %scan3A_583#2, %select_n3A_590 : vector<16xi1>, vector<16xf32>
      %select_n3A_598 = arith.select %or3A_596, %scan3A_583#6, %select_n3A_591 : vector<16xi1>, vector<16xi32>
      %gt3A_599 = arith.cmpf ogt, %scan3A_583#3, %select_n3A_597 : vector<16xf32>
      %eq3A_600 = arith.cmpf oeq, %scan3A_583#3, %select_n3A_597 : vector<16xf32>
      %lt3A_601 = arith.cmpi slt, %scan3A_583#7, %select_n3A_598 : vector<16xi32>
      %and3A_602 = arith.andi %eq3A_600, %lt3A_601 : vector<16xi1>
      %or3A_603 = arith.ori %gt3A_599, %and3A_602 : vector<16xi1>
      %select_n3A_604 = arith.select %or3A_603, %scan3A_583#3, %select_n3A_597 : vector<16xi1>, vector<16xf32>
      %select_n3A_605 = arith.select %or3A_603, %scan3A_583#7, %select_n3A_598 : vector<16xi1>, vector<16xi32>
      %gt3A_606 = arith.constant 0 : i32
      %gt3A_607 = arith.cmpi sgt, %add3A_388, %gt3A_606 : i32
      %convert_element_type3A_608 = arith.extui %gt3A_607 : i1 to i32
      %cond3A_609 = arith.constant 0 : i32
      %cond3A_610 = arith.cmpi ne, %convert_element_type3A_608, %cond3A_609 : i32
      scf.if %cond3A_610 {
        %dma_wait3A_627 = arith.constant 0 : i32
        %dma_wait3A_628 = tpu.memref_slice %arg3[%dma_wait3A_627] : memref<67108864xf32, #tpu.memory_space<hbm>> -> memref<67108864xf32, #tpu.memory_space<hbm>>
        tpu.wait_indirect_dma semaphore(%arg11 : memref<!tpu.dma_semaphore, #tpu.memory_space<semaphore_mem>>) src(%arg7 : memref<16xf32, #tpu.memory_space<vmem>>) dst(%dma_wait3A_628 : memref<67108864xf32, #tpu.memory_space<hbm>>)
      } else {
      }
      %swap3A_611 = arith.constant 0 : index
      %swap3A_612 = tpu.vector_load %arg7[%swap3A_611] {strides = array<i32>} : memref<16xf32, #tpu.memory_space<vmem>>, vector<16xf32>,
      tpu.vector_store %arg7[%swap3A_611], %select_n3A_604 {strides = array<i32>} : memref<16xf32, #tpu.memory_space<vmem>>, vector<16xf32>,
      %mul3A_613 = arith.constant 16 : i32
      %mul3A_614 = arith.muli %add3A_388, %mul3A_613 : i32
      %add3A_615 = arith.addi %mul3A_2, %mul3A_614 : i32
      %add3A_616 = vector.broadcast %add3A_615 : i32 to vector<16xi32>
      %add3A_617 = arith.addi %add3A_616, %iota3A : vector<16xi32>
      %mul3A_618 = arith.constant 2048 : i32
      %mul3A_619 = vector.broadcast %mul3A_618 : i32 to vector<16xi32>
      %mul3A_620 = arith.muli %add3A_617, %mul3A_619 : vector<16xi32>
      %add3A_621 = arith.addi %mul3A_620, %select_n3A_605 : vector<16xi32>
      %dma_wait3A_622 = tpu.memref_slice %arg3[%mul3A_393] : memref<67108864xf32, #tpu.memory_space<hbm>> -> memref<32768xf32, #tpu.memory_space<hbm>>
      %dma_wait3A_623 = tpu.memref_slice %arg3[%mul3A_393] : memref<67108864xf32, #tpu.memory_space<hbm>> -> memref<32768xf32, #tpu.memory_space<hbm>>
      tpu.wait_dma2 semaphore(%arg10 : memref<!tpu.dma_semaphore, #tpu.memory_space<semaphore_mem>>) src(%arg6 : memref<32768xf32, #tpu.memory_space<vmem>>) dst(%dma_wait3A_623 : memref<32768xf32, #tpu.memory_space<hbm>>)
      %dma_start3A_624 = arith.constant 0 : i32
      %dma_start3A_625 = tpu.memref_slice %arg3[%dma_start3A_624] : memref<67108864xf32, #tpu.memory_space<hbm>> -> memref<67108864xf32, #tpu.memory_space<hbm>>
      tpu.enqueue_indirect_dma source(%arg7 : memref<16xf32, #tpu.memory_space<vmem>>) target(%dma_start3A_625 : memref<67108864xf32, #tpu.memory_space<hbm>>) offsets(%add3A_621 : vector<16xi32>) semaphore(%arg11 : memref<!tpu.dma_semaphore, #tpu.memory_space<semaphore_mem>>)
      %scan3A_626 = arith.constant 0 : i32
      scf.yield %scan3A_626 : i32
    }
    %scan3A_153 = arith.constant 32 : i32
    %dma_wait3A = arith.constant 0 : i32
    %dma_wait3A_154 = tpu.memref_slice %arg3[%dma_wait3A] : memref<67108864xf32, #tpu.memory_space<hbm>> -> memref<67108864xf32, #tpu.memory_space<hbm>>
    tpu.wait_indirect_dma semaphore(%arg11 : memref<!tpu.dma_semaphore, #tpu.memory_space<semaphore_mem>>) src(%arg7 : memref<16xf32, #tpu.memory_space<vmem>>) dst(%dma_wait3A_154 : memref<67108864xf32, #tpu.memory_space<hbm>>)
    return
  }
}

</mosaic_0001>

<sc_bundles>
// kernel: kernel.3.cloned.1.call-start
scs
__scs_entry_jumppad:
0x0: {  	(pc) =	sbr.rel $0x88, $3  }
0x1: {  	(tag) =	ssettag $0x0;
	lr =	simm.s32 $0x1  }
0x2: {  	[smem:$0x3FA0] =	sst lr;
	_ =	strace $0xD0000000  }
0x3: {  	_ = 	snop  }
0x4: {  	_ = 	snop  }
0x5: {  	_ = 	snop  }
0x6: {  	_ = 	snop  }
0x7: {  	_ = 	snop  }
__scs_overlays_trampoline_lowered:
0x8: {  	[smem:$0x3FAF] =	sst s0  }
0x9: {  	[smem:$0x3FB0] =	sst s1  }
0xa: {  	[smem:$0x3FB1] =	sst s2  }
0xb: {  	[smem:$0x3FB2] =	sst s3  }
0xc: {  	[smem:$0x3FB3] =	sst s4  }
0xd: {  	[smem:$0x3FB4] =	sst s5  }
0xe: {  	[smem:$0x3FB5] =	sst s6  }
0xf: {  	[smem:$0x3FB6] =	sst s7  }
0x10: {  	[smem:$0x3FB7] =	sst s8  }
0x11: {  	[smem:$0x3FB8] =	sst s9;
	s0 =	simm.s32 @!p0 $0x0  }
0x12: {  	s1 =	sld [smem:$0x3F9E];
	s0 =	simm.s32 @p0 $0x1  }
0x13: {  	[smem:$0x3FB9] =	sst s0;
	s0 =	simm.s32 @!p1 $0x0  }
0x14: {  	s2 =	sld [smem:$0x3F9D];
	s0 =	simm.s32 @p1 $0x1  }
0x15: {  	[smem:$0x3FBA] =	sst s0;
	s0 =	simm.s32 @!p2 $0x0  }
0x16: {  	s3 =	sld [smem:$0x3FDB];
	s0 =	simm.s32 @p2 $0x1  }
0x17: {  	s4 =	simm.s32 $0x1BF5;
	[smem:$0x3FBC] =	sst s0  }
0x18: {  	s0 =	sld [smem:$0x3F9F];
	_ =	swait.ge [sflag:s4], $0x0  }
0x19: {  	s7 =	sld [smem:$0x3FA0]  }
0x1a: {  	s8 =	sadd.s32 $0xFFFFE003, lr  }
0x1b: {  	s9 =	sadd.s32 $0xFFFFFEF7, lr;
	s5 =	simm.s32 $0xFFFFFFFF;
	p2 =	slt.u32 s8, $0xFFFFF086  }
0x1c: {  	p1 =	slt.u32 s9, $0xF7A;
	s5 =	simm.s32 @!p2 $0x0  }
0x1d: {  	s5 =	simm.s32 @p1 $0x1;
	p0 =	seq.s32 s7, s2  }
0x1e: {  	s7 =	smul.u32 @!p0 $0xF7A, s2;
	p2 =	seq.s32 @!p0 s5, $0x0  }
0x1f: {  	s9 =	smul.u32 $0xF7A, s1;
	s8 =	simm.s32 @!p0 $0x1BF5;
	p2 =	por !p2, p0  }
0x20: {  	[sflag:s8] =	ssyncset.s32 @!p0 $0xFFFFF086;
	s6 =	sadd.s32 @!p0 s3, s7;
	s7 =	simm.s32 @!p0 $0x108  }
0x21: {  	s3 =	sadd.s32 s3, s9;
	s6 =	sadd.s32 @!p0 $0x88, s6;
	s7 =	simm.s32 @p2 $0x1082  }
0x22: {  	[simem:s7], [sflag:s8] =	dma.local @!p0 [hbm:s6], $0xF7A  }
0x23: {  	s9 =	sor.u32 $0xD0000000, s2;
	s6 =	simm.s32 $0x108;
	_ =	swait.ge @!p0 [sflag:s8], $0x0  }
0x24: {  	s3 =	sadd.s32 $0x88, s3;
	s6 =	simm.s32 @!p1 $0x1082;
	[sflag:s4] =	ssyncset.s32 $0xFFFFF086  }
0x25: {  	[simem:s6], [sflag:s4] =	dma.local [hbm:s3], $0xF7A  }
0x26: {  	[smem:$0x3FA0] =	sst s1;
	(tag) =	ssettag s2;
	_ =	strace s9  }
0x27: {  	s1 =	sld [smem:$0x3FB0]  }
0x28: {  	s2 =	sld [smem:$0x3FB1]  }
0x29: {  	s4 =	sld [smem:$0x3FB3]  }
0x2a: {  	p0 =	seq.s32 s5, $0x0;
	s5 =	sld [smem:$0x3FB4]  }
0x2b: {  	s6 =	sld [smem:$0x3FB5]  }
0x2c: {  	s7 =	sld [smem:$0x3FB6]  }
0x2d: {  	s3 =	simm.s32 $0x108;
	s8 =	sld [smem:$0x3FB7]  }
0x2e: {  	s3 =	simm.s32 @!p0 $0x1082;
	s9 =	sld [smem:$0x3FB8]  }
0x2f: {  	lr =	sadd.s32 s0, s3;
	s0 =	sld [smem:$0x3FAF]  }
0x30: {  	s3 =	sld [smem:$0x3FB2]  }
0x31: {  	[smem:$0x3FBB] =	sst s10  }
0x32: {  	s10 =	sld [smem:$0x3FB9];
	_ =	sdelay $0x3  }
0x33: {  	p0 =	seq.s32 s10, $0x1;
	s10 =	sld [smem:$0x3FBB];
	_ =	sdelay $0x3  }
0x34: {  	[smem:$0x3FBB] =	sst s10  }
0x35: {  	s10 =	sld [smem:$0x3FBA];
	_ =	sdelay $0x3  }
0x36: {  	p1 =	seq.s32 s10, $0x1;
	s10 =	sld [smem:$0x3FBB];
	_ =	sdelay $0x3  }
0x37: {  	[smem:$0x3FBB] =	sst s10  }
0x38: {  	s10 =	sld [smem:$0x3FBC]  }
0x39: {  	_ = 	snop;
	(pc) =	sbr.ind lr, $3  }
0x3a: {  	_ = 	snop  }
0x3b: {  	_ = 	snop  }
0x3c: {  	p2 =	seq.s32 s10, $0x1;
	s10 =	sld [smem:$0x3FBB]  }
0x3d: {  	_ =	shalt  }
0x3e: {  	_ =	shalt  }
0x3f: {  	_ =	shalt  }
0x40: {  	_ =	shalt  }
0x41: {  	_ =	shalt  }
0x42: {  	_ =	shalt  }
0x43: {  	_ =	shalt  }
0x44: {  	_ =	shalt  }
0x45: {  	_ =	shalt  }
0x46: {  	_ =	shalt  }
0x47: {  	_ =	shalt  }
0x48: {  	_ =	shalt  }
0x49: {  	_ =	shalt  }
0x4a: {  	_ =	shalt  }
0x4b: {  	_ =	shalt  }
0x4c: {  	_ =	shalt  }
0x4d: {  	_ =	shalt  }
0x4e: {  	_ =	shalt  }
0x4f: {  	_ =	shalt  }
0x50: {  	_ =	shalt  }
0x51: {  	_ =	shalt  }
0x52: {  	_ =	shalt  }
0x53: {  	_ =	shalt  }
0x54: {  	_ =	shalt  }
0x55: {  	_ =	shalt  }
0x56: {  	_ =	shalt  }
0x57: {  	_ =	shalt  }
0x58: {  	_ =	shalt  }
0x59: {  	_ =	shalt  }
0x5a: {  	_ =	shalt  }
0x5b: {  	_ =	shalt  }
0x5c: {  	_ =	shalt  }
0x5d: {  	_ =	shalt  }
0x5e: {  	_ =	shalt  }
0x5f: {  	_ =	shalt  }
0x60: {  	_ =	shalt  }
0x61: {  	_ =	shalt  }
0x62: {  	_ =	shalt  }
0x63: {  	_ =	shalt  }
0x64: {  	_ =	shalt  }
0x65: {  	_ =	shalt  }
0x66: {  	_ =	shalt  }
0x67: {  	_ =	shalt  }
0x68: {  	_ =	shalt  }
0x69: {  	_ =	shalt  }
0x6a: {  	_ =	shalt  }
0x6b: {  	_ =	shalt  }
0x6c: {  	_ =	shalt  }
0x6d: {  	_ =	shalt  }
0x6e: {  	_ =	shalt  }
0x6f: {  	_ =	shalt  }
0x70: {  	_ =	shalt  }
0x71: {  	_ =	shalt  }
0x72: {  	_ =	shalt  }
0x73: {  	_ =	shalt  }
0x74: {  	_ =	shalt  }
0x75: {  	_ =	shalt  }
0x76: {  	_ =	shalt  }
0x77: {  	_ =	shalt  }
0x78: {  	_ =	shalt  }
0x79: {  	_ =	shalt  }
0x7a: {  	_ =	shalt  }
0x7b: {  	_ =	shalt  }
0x7c: {  	_ =	shalt  }
0x7d: {  	_ =	shalt  }
0x7e: {  	_ =	shalt  }
0x7f: {  	_ =	shalt  }
0x80: {  	_ =	shalt  }
0x81: {  	_ =	shalt  }
0x82: {  	_ =	shalt  }
0x83: {  	_ =	shalt  }
0x84: {  	_ =	shalt  }
0x85: {  	_ =	shalt  }
0x86: {  	_ =	shalt  }
0x87: {  	_ =	shalt  }
.Lfunc_end0:
.L_simem_size_0:
called_computation.1_lowered:
.L_overlay_start_0:
0x88: {  	s2 =	sld [smem:$0x3FD9]  }
0x89: {  	s3 =	sld [smem:$0x3FFE];
	_ =	sdelay $0x1  }
0x8a: {  	s1 =	srdreg.scid  }
0x8b: {  	s0 =	sand.u32 $0x1, s1  }
0x8c: {  	s17 =	sshll.u32 s0, $0xA;
	s2 =	sadd.s32 s3, s2  }
0x8d: {  	s2 =	sadd.s32 s2, s17  }
0x8e: {  	[smem:$0x3FC7] =	sst s2  }
0x8f: {  	_ = 	snop  }
0x90: {  	s2 =	sld [smem:$0x3FD0];
	(tm) =	ssettm $0x1  }
0x91: {  	s18 =	sld [smem:$0x3FFB];
	_ =	sdelay $0x3  }
0x92: {  	_ =	strace s18  }
0x93: {  	s3 =	sld [smem:$0x3FFC];
	_ =	sdelay $0x3  }
0x94: {  	_ =	strace s3  }
0x95: {  	s3 =	sld [smem:$0x3FFD];
	_ =	sdelay $0x3  }
0x96: {  	_ =	strace s3  }
0x97: {  	_ =	strace $0x8FFFFFFF  }
0x98: {  	s19 =	sld [smem:$0x3FDB];
	_ =	sdelay $0x1  }
0x99: {  	s4 =	simm.s32 $_scs_section_size  }
0x9a: {  	s5 =	simm.s32 $_size__tile_overlayer_lowered;
	s6 =	simm.s32 $_tile_overlayer_lowered  }
0x9b: {  	s22 =	simm.s32 $0x1BFF;
	s21 =	sshll.u32 s6, $0x1;
	s3 =	sadd.s32 s4, s19  }
0x9c: {  	s7 =	simm.s32 $0x0;
	s20 =	sshll.u32 s5, $0x1;
	s5 =	sadd.s32 s21, s3  }
0x9d: {  	[timem:s7], [sflag:s22] =	dma.local [hbm:s5], s20  }
0x9e: {  	_ =	swait.ge [sflag:s22], s20  }
0x9f: {  	s4 =	ssub.s32 $0x0, s20;
	[sflag:s22] =	ssyncset.done $0x0  }
0xa0: {  	[sflag:s22] =	ssyncadd.s32 s4;
	_ =	sdelay $0x1  }
0xa1: {  	s23 =	simm.s32 $0x1B8B  }
0xa2: {  	_ =	swait.ge [sflag:s23], $0x1  }
0xa3: {  	[sflag:s23] =	ssyncset.done $0x0  }
0xa4: {  	s25 =	simm.s32 $0x1B8E;
	s24 =	sld [smem:$0x3FFE];
	[sflag:s23] =	ssyncadd.s32 $0xFFFFFFFF  }
0xa5: {  	s26 =	simm.s32 $execute0_lowered;
	[smem:$0x3FD2] =	sst s25  }
0xa6: {  	s5 =	sshll.u32 s26, $0x1;
	_ =	strace $0x80000049;
	[dreg:$0x1] =	wrdreg $0xFFFFFFFF  }
0xa7: {  	s28 =	simm.s32 $_size_execute0_lowered;
	s3 =	sadd.s32 s3, s5;
	[dreg:$0x0] =	wrdreg $0x0  }
0xa8: {  	s5 =	sshll.u32 s28, $0x1;
	[dreg:$0x2] =	wrdreg s3  }
0xa9: {  	[dreg:$0x3] =	wrdreg s5  }
0xaa: {  	[dreg:$0x4] =	wrdreg $0xC0  }
0xab: {  	_ =	task [dreg:s7], $0x5FFFF  }
0xac: {  	[dreg:$0x1] =	wrdreg $0xFFFFFFFF  }
0xad: {  	[dreg:$0x0] =	wrdreg $0x60  }
0xae: {  	[dreg:$0x2] =	wrdreg s2  }
0xaf: {  	[dreg:$0x3] =	wrdreg s24  }
0xb0: {  	[dreg:$0x4] =	wrdreg $0x9  }
0xb1: {  	_ =	task.clear_ibuf [dreg:s7], $0x5FFFF;
	_ =	strace $0x90000049  }
0xb2: {  	s29 =	simm.s32 $0x9;
	_ =	strace $0x8000004B  }
0xb3: {  	_ =	swait.ge [sflag:s29], $0x1  }
0xb4: {  	[sflag:s29] =	ssyncadd.s32 $0xFFFFFFFF  }
0xb5: {  	_ =	strace $0x9000004B  }
0xb6: {  	_ =	sfence  }
0xb7: {  	s30 =	sld [smem:$0x0];
	_ =	sdelay $0x2  }
0xb8: {  	s31 =	sshll.u32 s1, $0xD;
	s1 =	sshrl.u32 s1, $0x2  }
0xb9: {  	s3 =	sand.u32 $0x4000, s31;
	s1 =	sadd.s32 s1, s30  }
0xba: {  	s0 =	sor.u32 s3, s0;
	s1 =	sshll.u32 s1, $0x11  }
0xbb: {  	s0 =	sor.u32 s1, s0  }
0xbc: {  	s0 =	sadd.s32 $0x8F2B, s0  }
0xbd: {  	[sflag:s0] =	ssyncadd.remote.s32 $0x1  }
0xbe: {  	_ =	sfence.sel $0xFFFF  }
0xbf: {  	[dreg:$0x0] =	wrdreg $0xFFFFFFFF;
	(pc) =	sbr.abs _section_cstart, $3  }
0xc0: {  	[dreg:$0x1] =	wrdreg $0xFFFFFFFF  }
0xc1: {  	_ =	task.clear_ibuf [dreg:s7], $0x2FFFF;
	_ =	strace $0x9FFFFFFF  }
0xc2: {  	(tm) =	ssettm $0x7FFFFFFF  }
0xc3: {  	_ =	shalt  }
tec
execute0_lowered:
.L_overlay_start_1:
0x0: {  	(tag) =	ssettag $0x1  }
0x1: {  	s21 =	rddreg [dreg:$0x0]  }
0x2: {  	s0 =	rddreg [dreg:$0x1]  }
0x3: {  	s1 =	srdreg.scid;
	s2 =	stileid.u32  }
0x4: {  	s3 =	simm.s32 $0x0;
	s1 =	sand.u32 $0x1, s1;
	s2 =	sshll.u32 s2, $0x1  }
0x5: {  	[smem:$0x7FF] =	sst s3;
	s4 =	sadd.s32 $0x800, s0;
	s2 =	sor.u32 s1, s2  }
0x6: {  	s6 =	sadd.s32 $0x100, s21;
	s7 =	sadd.s32 $0x200, s21;
	s9 =	sshll.u32 s2, $0x12  }
0x7: {  	s8 =	sadd.s32 $0x300, s21;
	s12 =	sadd.s32 $0x400, s21;
	s23 =	sadd.s32 s21, s9  }
0x8: {  	_ =	strace $0x8000004A;
	s24 =	sadd.s32 s9, s6;
	[dreg:$0x3] =	wrdreg s23  }
0x9: {  	s13 =	sadd.s32 $0x500, s21;
	s25 =	sadd.s32 s9, s7;
	[dreg:$0x4] =	wrdreg s24  }
0xa: {  	s14 =	sadd.s32 $0x600, s21;
	s26 =	sadd.s32 s9, s8;
	[dreg:$0x5] =	wrdreg s25  }
0xb: {  	s18 =	sadd.s32 $0x700, s21;
	s30 =	sadd.s32 s9, s12;
	[dreg:$0x6] =	wrdreg s26  }
0xc: {  	s5 =	ssub.s32 $0x2, s1;
	s1 =	sadd.s32 s9, s13;
	[dreg:$0x7] =	wrdreg s30  }
0xd: {  	s19 =	sadd.s32 $0x800, s21;
	s10 =	sadd.s32 s9, s14;
	[dreg:$0x8] =	wrdreg s1  }
0xe: {  	s20 =	sadd.s32 $0x900, s21;
	s11 =	sadd.s32 s9, s18;
	[dreg:$0x9] =	wrdreg s10  }
0xf: {  	s31 =	sadd.s32 $0xD00, s21;
	s15 =	sadd.s32 s9, s19;
	[dreg:$0xa] =	wrdreg s11  }
0x10: {  	s0 =	sadd.s32 $0xE00, s21;
	s16 =	sadd.s32 s9, s20;
	[dreg:$0xb] =	wrdreg s15  }
0x11: {  	s22 =	sshrl.u32 s5, $0x1;
	[dreg:$0xc] =	wrdreg s16;
	s10 =	sadd.s32 s9, s31  }
0x12: {  	s5 =	ssub.s32 s5, s22;
	s30 =	sadd.s32 s9, s0;
	[dreg:$0x10] =	wrdreg s10  }
0x13: {  	s24 =	sadd.s32 $0xA00, s21;
	s5 =	smax.u32 s5, $0x1;
	[dreg:$0x11] =	wrdreg s30  }
0x14: {  	s11 =	sshll.u32 s2, $0xA;
	s2 =	sshll.u32 s2, $0x15;
	[dreg:$0x14] =	wrdreg s5  }
0x15: {  	v0 =	vimm.f32 $0.0e+00;
	v1 =	vlaneseq.u32;
	s25 =	sadd.s32 $0xB00, s21;
	s17 =	sadd.s32 s9, s24;
	[dreg:$0x13] =	wrdreg s2  }
0x16: {  	vm0 =	vmmov $0xffff;
	v2 =	vmul.u32 $0x811, v1;
	v3 =	vmul.u32 $0x810, v1;
	s26 =	sadd.s32 $0xC00, s21;
	s22 =	sadd.s32 s9, s25;
	[dreg:$0xd] =	wrdreg s17  }
0x17: {  	v4 =	vadd.s32 $0x1, v1;
	v5 =	vadd.s32 $0x2, v1;
	v6 =	vadd.s32 $0x3, v1;
	s1 =	sadd.s32 $0xF00, s21;
	s23 =	sadd.s32 s9, s26;
	[dreg:$0xe] =	wrdreg s22  }
0x18: {  	v7 =	vadd.s32 $0x4, v1;
	v8 =	vadd.s32 $0x5, v1;
	v9 =	vadd.s32 $0x6, v1;
	s9 =	sadd.s32 s9, s1;
	[dreg:$0xf] =	wrdreg s23  }
0x19: {  	s28 =	simm.s32 $0x10200;
	v10 =	vadd.s32 $0x7, v1;
	v11 =	vadd.s32 $0x8, v1;
	v12 =	vadd.s32 $0x9, v1;
	s2 =	sor.u32 $0x10000, s2;
	[dreg:$0x12] =	wrdreg s9  }
0x1a: {  	s29 =	simm.s32 $0x2;
	v13 =	vadd.s32 $0xA, v1;
	v14 =	vadd.s32 $0xB, v1;
	v15 =	vadd.s32 $0xC, v1;
	s16 =	simm.s32 $0x1;
	[dreg:$0x15] =	wrdreg s2  }
0x1b: {  	v16 =	vadd.s32 $0xD, v1;
	v17 =	vadd.s32 $0xE, v1;
	v18 =	vadd.s32 $0xF, v1;
	s22 =	simm.s32 $0x8100;
	s23 =	simm.s32 $0x3;
	s9 =	simm.s32 $0x0  }
.LBB2_1:
0x1c: {  	[dreg:$0x16] =	wrdreg s9;
	s2 =	simm.s32 $0x40;
	s5 =	simm.s32 $0x0  }
.LBB2_2:
0x1d: {  	p0 =	sne.s32 s2, $0x1FFC0;
	[tilespmem:s5+$0x10200] =	vst v0;
	s5 =	smov.u32 s2;
	s2 =	sadd.s32 $0x40, s2  }
.Ltmp0:
0x1e: {  	(pc) =	sbr.rel @p0 .LBB2_2-.Ltmp0, $2  }
0x1f: {  	_ =	sdelay $0x2  }
0x20: {  	s5 =	sshra.s32 s5, $0x2  }
0x21: {  	[tilespmem:s5+$0x10200] =	vst v0;
	s5 =	simm.s32 $0x0;
	s2 =	rddreg [dreg:$0x3]  }
0x22: {  	[tilespmem:s5], [sflag:$0x1] =	stream.linear.gather [hbm4b:s2+s5], $0x800, $0x38;
	[tilespmem:$0x18280] =	vst v63  }
0x23: {  	s30 =	rddreg [dreg:$0x4];
	s9 =	simm.s32 $0x810  }
0x24: {  	[tilespmem:s9], [sflag:$0x1] =	stream.linear.gather [hbm4b:s30+s5], $0x800, $0x38;
	[tilespmem:$0x18280] =	vst v63  }
0x25: {  	s10 =	rddreg [dreg:$0x5];
	s15 =	simm.s32 $0x1020  }
0x26: {  	[tilespmem:s15], [sflag:$0x1] =	stream.linear.gather [hbm4b:s10+s5], $0x800, $0x38;
	[tilespmem:$0x18280] =	vst v63  }
0x27: {  	s17 =	rddreg [dreg:$0x6];
	s30 =	simm.s32 $0x1830  }
0x28: {  	[tilespmem:s30], [sflag:$0x1] =	stream.linear.gather [hbm4b:s17+s5], $0x800, $0x38;
	[tilespmem:$0x18280] =	vst v63  }
0x29: {  	s10 =	rddreg [dreg:$0x7];
	s15 =	simm.s32 $0x2040  }
0x2a: {  	[tilespmem:s15], [sflag:$0x1] =	stream.linear.gather [hbm4b:s10+s5], $0x800, $0x38;
	[tilespmem:$0x18280] =	vst v63  }
0x2b: {  	s17 =	rddreg [dreg:$0x8];
	s30 =	simm.s32 $0x2850  }
0x2c: {  	[tilespmem:s30], [sflag:$0x1] =	stream.linear.gather [hbm4b:s17+s5], $0x800, $0x38;
	[tilespmem:$0x18280] =	vst v63  }
0x2d: {  	s10 =	rddreg [dreg:$0x9];
	s15 =	simm.s32 $0x3060  }
0x2e: {  	[tilespmem:s15], [sflag:$0x1] =	stream.linear.gather [hbm4b:s10+s5], $0x800, $0x38;
	[tilespmem:$0x18280] =	vst v63  }
0x2f: {  	s17 =	rddreg [dreg:$0xa];
	s30 =	simm.s32 $0x3870  }
0x30: {  	[tilespmem:s30], [sflag:$0x1] =	stream.linear.gather [hbm4b:s17+s5], $0x800, $0x38;
	[tilespmem:$0x18280] =	vst v63  }
0x31: {  	s10 =	rddreg [dreg:$0xb];
	s15 =	simm.s32 $0x4080  }
0x32: {  	[tilespmem:s15], [sflag:$0x1] =	stream.linear.gather [hbm4b:s10+s5], $0x800, $0x38;
	[tilespmem:$0x18280] =	vst v63  }
0x33: {  	s17 =	rddreg [dreg:$0xc];
	s30 =	simm.s32 $0x4890  }
0x34: {  	[tilespmem:s30], [sflag:$0x1] =	stream.linear.gather [hbm4b:s17+s5], $0x800, $0x38;
	[tilespmem:$0x18280] =	vst v63  }
0x35: {  	s10 =	rddreg [dreg:$0xd];
	s15 =	simm.s32 $0x50A0  }
0x36: {  	[tilespmem:s15], [sflag:$0x1] =	stream.linear.gather [hbm4b:s10+s5], $0x800, $0x38;
	[tilespmem:$0x18280] =	vst v63  }
0x37: {  	s17 =	rddreg [dreg:$0xe];
	s30 =	simm.s32 $0x58B0  }
0x38: {  	[tilespmem:s30], [sflag:$0x1] =	stream.linear.gather [hbm4b:s17+s5], $0x800, $0x38;
	[tilespmem:$0x18280] =	vst v63  }
0x39: {  	s10 =	rddreg [dreg:$0xf];
	s15 =	simm.s32 $0x60C0  }
0x3a: {  	[tilespmem:s15], [sflag:$0x1] =	stream.linear.gather [hbm4b:s10+s5], $0x800, $0x38;
	[tilespmem:$0x18280] =	vst v63  }
0x3b: {  	s17 =	rddreg [dreg:$0x10];
	s30 =	simm.s32 $0x68D0  }
0x3c: {  	[tilespmem:s30], [sflag:$0x1] =	stream.linear.gather [hbm4b:s17+s5], $0x800, $0x38;
	[tilespmem:$0x18280] =	vst v63  }
0x3d: {  	s10 =	rddreg [dreg:$0x11];
	s15 =	simm.s32 $0x70E0  }
0x3e: {  	[tilespmem:s15], [sflag:$0x1] =	stream.linear.gather [hbm4b:s10+s5], $0x800, $0x38;
	[tilespmem:$0x18280] =	vst v63  }
0x3f: {  	s9 =	simm.s32 $0x0;
	s17 =	rddreg [dreg:$0x12];
	s30 =	simm.s32 $0x78F0  }
0x40: {  	[tilespmem:s30], [sflag:$0x1] =	stream.linear.gather [hbm4b:s17+s5], $0x800, $0x38;
	[tilespmem:$0x18280] =	vst v63  }
.LBB2_4:
0x41: {  	s2 =	sshll.u32 s9, $0x5  }
0x42: {  	s2 =	sadd.s32 s11, s2  }
0x43: {  	s10 =	sshll.u32 s2, $0x8  }
0x44: {  	s10 =	sadd.s32 s4, s10  }
0x45: {  	[hbm4b:s10+s5] =	stream.linear.scatter [tilespmem:s28], [sflag:$0x3], $0x8000, $0x38;
	[tilespmem:$0x18280] =	vst v63  }
0x46: {  	s10 =	sshllo.u32 s9, $0x1  }
0x47: {  	s17 =	rddreg [dreg:$0x13];
	s15 =	sshll.u32 s10, $0xF  }
0x48: {  	s15 =	sadd.s32 s17, s15  }
0x49: {  	s15 =	sshrl.u32 s15, $0x3  }
0x4a: {  	s30 =	sadd.s32 s21, s15  }
0x4b: {  	[tilespmem:s22], [sflag:$0x2] =	stream.linear.gather [hbm4b:s30+s5], $0x800, $0x38;
	[tilespmem:$0x18280] =	vst v63  }
0x4c: {  	s17 =	sadd.s32 s15, s6;
	s30 =	simm.s32 $0x8910  }
0x4d: {  	[tilespmem:s30], [sflag:$0x2] =	stream.linear.gather [hbm4b:s17+s5], $0x800, $0x38;
	[tilespmem:$0x18280] =	vst v63  }
0x4e: {  	s17 =	sadd.s32 s15, s7;
	s30 =	simm.s32 $0x9120  }
0x4f: {  	[tilespmem:s30], [sflag:$0x2] =	stream.linear.gather [hbm4b:s17+s5], $0x800, $0x38;
	[tilespmem:$0x18280] =	vst v63  }
0x50: {  	s17 =	sadd.s32 s15, s8;
	s30 =	simm.s32 $0x9930  }
0x51: {  	[tilespmem:s30], [sflag:$0x2] =	stream.linear.gather [hbm4b:s17+s5], $0x800, $0x38;
	[tilespmem:$0x18280] =	vst v63  }
0x52: {  	s17 =	sadd.s32 s15, s12;
	s30 =	simm.s32 $0xA140  }
0x53: {  	[tilespmem:s30], [sflag:$0x2] =	stream.linear.gather [hbm4b:s17+s5], $0x800, $0x38;
	[tilespmem:$0x18280] =	vst v63  }
0x54: {  	s17 =	sadd.s32 s15, s13;
	s30 =	simm.s32 $0xA950  }
0x55: {  	[tilespmem:s30], [sflag:$0x2] =	stream.linear.gather [hbm4b:s17+s5], $0x800, $0x38;
	[tilespmem:$0x18280] =	vst v63  }
0x56: {  	s17 =	sadd.s32 s15, s14;
	s30 =	simm.s32 $0xB160  }
0x57: {  	[tilespmem:s30], [sflag:$0x2] =	stream.linear.gather [hbm4b:s17+s5], $0x800, $0x38;
	[tilespmem:$0x18280] =	vst v63  }
0x58: {  	s17 =	sadd.s32 s15, s18;
	s30 =	simm.s32 $0xB970  }
0x59: {  	[tilespmem:s30], [sflag:$0x2] =	stream.linear.gather [hbm4b:s17+s5], $0x800, $0x38;
	[tilespmem:$0x18280] =	vst v63  }
0x5a: {  	s17 =	sadd.s32 s15, s19;
	s30 =	simm.s32 $0xC180  }
0x5b: {  	[tilespmem:s30], [sflag:$0x2] =	stream.linear.gather [hbm4b:s17+s5], $0x800, $0x38;
	[tilespmem:$0x18280] =	vst v63  }
0x5c: {  	s17 =	sadd.s32 s15, s20;
	s30 =	simm.s32 $0xC990  }
0x5d: {  	[tilespmem:s30], [sflag:$0x2] =	stream.linear.gather [hbm4b:s17+s5], $0x800, $0x38;
	[tilespmem:$0x18280] =	vst v63  }
0x5e: {  	s17 =	sadd.s32 s15, s24;
	s30 =	simm.s32 $0xD1A0  }
0x5f: {  	[tilespmem:s30], [sflag:$0x2] =	stream.linear.gather [hbm4b:s17+s5], $0x800, $0x38;
	[tilespmem:$0x18280] =	vst v63  }
0x60: {  	s17 =	sadd.s32 s15, s25;
	s30 =	simm.s32 $0xD9B0  }
0x61: {  	[tilespmem:s30], [sflag:$0x2] =	stream.linear.gather [hbm4b:s17+s5], $0x800, $0x38;
	[tilespmem:$0x18280] =	vst v63  }
0x62: {  	s17 =	sadd.s32 s15, s26;
	s30 =	simm.s32 $0xE1C0  }
0x63: {  	[tilespmem:s30], [sflag:$0x2] =	stream.linear.gather [hbm4b:s17+s5], $0x800, $0x38;
	[tilespmem:$0x18280] =	vst v63  }
0x64: {  	s17 =	sadd.s32 s15, s31;
	s30 =	simm.s32 $0xE9D0  }
0x65: {  	[tilespmem:s30], [sflag:$0x2] =	stream.linear.gather [hbm4b:s17+s5], $0x800, $0x38;
	[tilespmem:$0x18280] =	vst v63  }
0x66: {  	s17 =	sadd.s32 s15, s0;
	s30 =	simm.s32 $0xF1E0  }
0x67: {  	[tilespmem:s30], [sflag:$0x2] =	stream.linear.gather [hbm4b:s17+s5], $0x800, $0x38;
	[tilespmem:$0x18280] =	vst v63  }
0x68: {  	s15 =	sadd.s32 s15, s1;
	s30 =	simm.s32 $0xF9F0  }
0x69: {  	[tilespmem:s30], [sflag:$0x2] =	stream.linear.gather [hbm4b:s15+s5], $0x800, $0x38;
	[tilespmem:$0x18280] =	vst v63  }
0x6a: {  	_ =	swait.ge [sflag:s16], $0x800  }
0x6b: {  	[sflag:s16] =	ssyncset.done $0x0  }
0x6c: {  	[sflag:s16] =	ssyncadd.s32 $0xFFFFF800  }
0x6d: {  	_ =	swait.ge [sflag:s16], $0x800  }
0x6e: {  	[sflag:s16] =	ssyncset.done $0x0  }
0x6f: {  	[sflag:s16] =	ssyncadd.s32 $0xFFFFF800  }
0x70: {  	_ =	swait.ge [sflag:s16], $0x800  }
0x71: {  	[sflag:s16] =	ssyncset.done $0x0  }
0x72: {  	[sflag:s16] =	ssyncadd.s32 $0xFFFFF800  }
0x73: {  	_ =	swait.ge [sflag:s16], $0x800  }
0x74: {  	[sflag:s16] =	ssyncset.done $0x0  }
0x75: {  	[sflag:s16] =	ssyncadd.s32 $0xFFFFF800  }
0x76: {  	_ =	swait.ge [sflag:s16], $0x800  }
0x77: {  	[sflag:s16] =	ssyncset.done $0x0  }
0x78: {  	[sflag:s16] =	ssyncadd.s32 $0xFFFFF800  }
0x79: {  	_ =	swait.ge [sflag:s16], $0x800  }
0x7a: {  	[sflag:s16] =	ssyncset.done $0x0  }
0x7b: {  	[sflag:s16] =	ssyncadd.s32 $0xFFFFF800  }
0x7c: {  	_ =	swait.ge [sflag:s16], $0x800  }
0x7d: {  	[sflag:s16] =	ssyncset.done $0x0  }
0x7e: {  	[sflag:s16] =	ssyncadd.s32 $0xFFFFF800  }
0x7f: {  	_ =	swait.ge [sflag:s16], $0x800  }
0x80: {  	[sflag:s16] =	ssyncset.done $0x0  }
0x81: {  	[sflag:s16] =	ssyncadd.s32 $0xFFFFF800  }
0x82: {  	_ =	swait.ge [sflag:s16], $0x800  }
0x83: {  	[sflag:s16] =	ssyncset.done $0x0  }
0x84: {  	[sflag:s16] =	ssyncadd.s32 $0xFFFFF800  }
0x85: {  	_ =	swait.ge [sflag:s16], $0x800  }
0x86: {  	[sflag:s16] =	ssyncset.done $0x0  }
0x87: {  	[sflag:s16] =	ssyncadd.s32 $0xFFFFF800  }
0x88: {  	_ =	swait.ge [sflag:s16], $0x800  }
0x89: {  	[sflag:s16] =	ssyncset.done $0x0  }
0x8a: {  	[sflag:s16] =	ssyncadd.s32 $0xFFFFF800  }
0x8b: {  	_ =	swait.ge [sflag:s16], $0x800  }
0x8c: {  	[sflag:s16] =	ssyncset.done $0x0  }
0x8d: {  	[sflag:s16] =	ssyncadd.s32 $0xFFFFF800  }
0x8e: {  	_ =	swait.ge [sflag:s16], $0x800  }
0x8f: {  	[sflag:s16] =	ssyncset.done $0x0  }
0x90: {  	v34 =	vimm.f32 $-Inf;
	v36 =	vimm.s32 $0x0;
	v26 =	vor.u32 s5, v1;
	[sflag:s16] =	ssyncadd.s32 $0xFFFFF800  }
0x91: {  	v20 =	vadd.s32 s5, v11;
	v19 =	vadd.s32 s5, v15;
	v21 =	vadd.s32 s5, v7;
	_ =	swait.ge [sflag:s16], $0x800  }
0x92: {  	v22 =	vadd.s32 s5, v2;
	v24 =	vadd.s32 s5, v6;
	v27 =	vadd.s32 s5, v14;
	[sflag:s16] =	ssyncset.done $0x0  }
0x93: {  	v28 =	vadd.s32 s5, v4;
	v29 =	vadd.s32 s5, v5;
	v43 =	vadd.s32 s5, v13;
	[sflag:s16] =	ssyncadd.s32 $0xFFFFF800  }
0x94: {  	v63 =	vadd.s32 s5, v8;
	v46 =	vadd.s32 s5, v12;
	v49 =	vadd.s32 s5, v16;
	_ =	swait.ge [sflag:s16], $0x800  }
0x95: {  	v19 =	vand.u32 $0x7FF, v19;
	v31 =	vand.u32 $0x7FF, v21;
	v38 =	vand.u32 $0x7FF, v20;
	[sflag:s16] =	ssyncset.done $0x0  }
0x96: {  	v20 =	vadd.s32 s5, v18;
	v21 =	vadd.s32 s5, v10;
	v44 =	vand.u32 $0x7FF, v28;
	[sflag:s16] =	ssyncadd.s32 $0xFFFFF800  }
0x97: {  	v33 =	vand.u32 $0x7FF, v29;
	v29 =	vadd.s32 s5, v9;
	v41 =	vadd.s32 v3, v44;
	_ =	swait.ge [sflag:s16], $0x800  }
0x98: {  	vm2 =	vlt.s32 v26, v36;
	v47 =	vand.u32 $0x7FF, v63;
	v46 =	vand.u32 $0x7FF, v46;
	[sflag:s16] =	ssyncset.done $0x0  }
0x99: {  	v32 =	vadd.s32 v3, v19;
	v25 =	vadd.s32 v3, v31;
	v39 =	vadd.s32 v3, v38;
	[sflag:s16] =	ssyncadd.s32 $0xFFFFF800  }
0x9a: {  	v23 =	vand.u32 $0x7FF, v21;
	v21 =	vand.u32 $0x7FF, v27;
	v20 =	vand.u32 $0x7FF, v20;
	v40 =	vld.idx.msk [tilespmem:v22+s3+$0x0], $0xffff  }
0x9b: {  	v27 =	vand.u32 $0x7FF, v24;
	v42 =	vadd.s32 v3, v33;
	v30 =	vand.u32 $0x7FF, v29  }
0x9c: {  	v55 =	vadd.s32 v3, v46;
	vm6 =	vlt.s32 v44, v36;
	v35 =	vadd.s32 v3, v27;
	v48 =	vld.idx.msk [tilespmem:v41+s3+$0x0], $0xffff  }
0x9d: {  	v24 =	vadd.s32 v3, v20;
	v28 =	vadd.s32 v3, v21;
	v37 =	vadd.s32 v3, v23  }
0x9e: {  	v45 =	vadd.s32 v3, v30;
	v22 =	vadd.s32 s5, v17;
	v50 =	vld.idx.msk [tilespmem:v25+s3+$0x0], $0xffff;
	v25 =	vand.u32 $0x7FF, v43  }
0x9f: {  	v43 =	vadd.s32 v3, v47;
	v22 =	vand.u32 $0x7FF, v22;
	vm1 =	veq.f32 v40, v34  }
0xa0: {  	v42 =	vld.idx.msk [tilespmem:v42+s3+$0x0], $0xffff;
	v41 =	vadd.s32 v3, v25;
	vm3 =	vgt.f32 v40, v34;
	vm1 =	vmand vm2, vm1  }
0xa1: {  	v35 =	vld.idx.msk [tilespmem:v35+s3+$0x0], $0xffff;
	v29 =	vadd.s32 v3, v22;
	vm4 =	vgt.f32 v48, v34;
	vm1 =	vmor vm3, vm1  }
0xa2: {  	vm5 =	veq.f32 v48, v34;
	v40 =	vsel vm1, v40, v34;
	v52 =	vsel vm1, v26, v36  }
0xa3: {  	v26 =	vand.u32 $0x7FF, v49;
	v49 =	vld.idx.msk [tilespmem:v39+s3+$0x0], $0xffff;
	vm1 =	veq.f32 v50, v40;
	vm2 =	vlt.s32 v31, v52  }
0xa4: {  	v39 =	vimm.f32 $-Inf;
	vm3 =	vgt.f32 v50, v40;
	vm1 =	vmand vm1, vm2  }
0xa5: {  	v51 =	vadd.s32 v3, v26;
	vm2 =	vgt.f32 v42, v34;
	vm3 =	vmor vm3, vm1  }
0xa6: {  	vm1 =	vgt.f32 v35, v34;
	v54 =	vsel vm3, v50, v40;
	v53 =	vsel vm3, v31, v52;
	v52 =	vld.idx.msk [tilespmem:v43+s3+$0x0], $0xffff  }
0xa7: {  	vm3 =	vmand vm6, vm5;
	v40 =	vimm.s32 $0x0;
	v31 =	vimm.f32 $-Inf  }
0xa8: {  	v43 =	vld.idx.msk [tilespmem:v32+s3+$0x0], $0xffff;
	v32 =	vimm.s32 $0x0;
	vm5 =	veq.f32 v49, v54;
	vm6 =	vlt.s32 v38, v53  }
0xa9: {  	s15 =	simm.s32 $0x10;
	v50 =	vld.idx.msk [tilespmem:v55+s3+$0x0], $0xffff;
	vm3 =	vmor vm4, vm3;
	vm4 =	vgt.f32 v49, v54;
	vm5 =	vmand vm5, vm6  }
.LBB2_5:
0xaa: {  	p0 =	sne.s32 s15, $0x7F0;
	v34 =	vsel vm3, v48, v34;
	v36 =	vsel vm3, v44, v36;
	vm3 =	vmor vm4, vm5  }
0xab: {  	vm4 =	veq.f32 v52, v34;
	vm5 =	vlt.s32 v47, v36;
	v44 =	vsel vm3, v49, v54  }
0xac: {  	vm6 =	vgt.f32 v52, v34;
	v38 =	vsel vm3, v38, v53;
	vm4 =	vmand vm4, vm5  }
0xad: {  	vm5 =	veq.f32 v43, v44;
	vm3 =	vmor vm6, vm4;
	vm4 =	vgt.f32 v43, v44;
	v48 =	vld.idx.msk [tilespmem:v51+s3+$0x0], $0xffff  }
0xae: {  	v34 =	vsel vm3, v52, v34;
	v36 =	vsel vm3, v47, v36;
	vm3 =	vlt.s32 v19, v38  }
0xaf: {  	v45 =	vld.idx.msk [tilespmem:v45+s3+$0x0], $0xffff;
	vm6 =	veq.f32 v50, v34;
	vm7 =	vlt.s32 v46, v36;
	vm3 =	vmand vm5, vm3  }
0xb0: {  	vm5 =	vgt.f32 v50, v34;
	vm6 =	vmand vm6, vm7;
	vm3 =	vmor vm4, vm3  }
0xb1: {  	vm4 =	veq.f32 v42, v39;
	vm7 =	vlt.s32 v33, v40;
	vm5 =	vmor vm5, vm6  }
0xb2: {  	vm4 =	vmand vm7, vm4;
	v43 =	vsel vm3, v43, v44;
	v34 =	vsel vm5, v50, v34  }
0xb3: {  	vm2 =	vmor vm2, vm4;
	v36 =	vsel vm5, v46, v36;
	vm4 =	vgt.f32 v48, v34  }
0xb4: {  	v39 =	vsel vm2, v42, v39;
	vm5 =	veq.f32 v48, v34;
	vm6 =	vlt.s32 v26, v36;
	v37 =	vld.idx.msk [tilespmem:v37+s3+$0x0], $0xffff  }
0xb5: {  	v33 =	vsel vm2, v33, v40;
	vm2 =	veq.f32 v45, v39;
	vm5 =	vmand vm5, vm6;
	v40 =	vld.idx.msk [tilespmem:v41+s3+$0x0], $0xffff  }
0xb6: {  	vm7 =	vlt.s32 v27, v32;
	vm6 =	veq.f32 v35, v31;
	vm8 =	vlt.s32 v30, v33  }
0xb7: {  	vm6 =	vmand vm7, vm6;
	vm7 =	vgt.f32 v45, v39;
	vm2 =	vmand vm2, vm8  }
0xb8: {  	vm6 =	vmor vm1, vm6;
	vm2 =	vmor vm7, vm2;
	vm1 =	vmor vm4, vm5;
	v28 =	vld.idx.msk [tilespmem:v28+s3+$0x0], $0xffff  }
0xb9: {  	v31 =	vsel vm6, v35, v31;
	v27 =	vsel vm6, v27, v32;
	v32 =	vsel vm2, v45, v39  }
0xba: {  	v30 =	vsel vm2, v30, v33;
	vm4 =	vlt.s32 v23, v27;
	vm2 =	veq.f32 v37, v31;
	v29 =	vld.idx.msk [tilespmem:v29+s3+$0x0], $0xffff  }
0xbb: {  	vm5 =	vgt.f32 v37, v31;
	vm2 =	vmand vm2, vm4;
	vm4 =	vgt.f32 v40, v32  }
0xbc: {  	vm6 =	vlt.s32 v25, v30;
	vm2 =	vmor vm5, vm2;
	vm5 =	veq.f32 v40, v32;
	v24 =	vld.idx.msk [tilespmem:v24+s3+$0x0], $0xffff  }
0xbd: {  	v31 =	vsel vm2, v37, v31;
	v23 =	vsel vm2, v23, v27;
	vm2 =	vmand vm5, vm6  }
0xbe: {  	vm2 =	vmor vm4, vm2;
	vm4 =	veq.f32 v28, v31;
	vm5 =	vlt.s32 v21, v23  }
0xbf: {  	vm6 =	vgt.f32 v28, v31;
	v27 =	vsel vm2, v40, v32;
	vm4 =	vmand vm4, vm5  }
0xc0: {  	v25 =	vsel vm2, v25, v30;
	vm2 =	vmor vm6, vm4;
	vm4 =	vgt.f32 v29, v27  }
0xc1: {  	v28 =	vsel vm2, v28, v31;
	v21 =	vsel vm2, v21, v23;
	vm2 =	veq.f32 v29, v27  }
0xc2: {  	vm5 =	vlt.s32 v22, v25;
	vm6 =	veq.f32 v24, v28;
	vm7 =	vlt.s32 v20, v21  }
0xc3: {  	vm2 =	vmand vm2, vm5;
	vm5 =	vgt.f32 v24, v28;
	vm6 =	vmand vm6, vm7  }
0xc4: {  	v34 =	vsel vm1, v48, v34;
	vm2 =	vmor vm4, vm2;
	vm4 =	vmor vm5, vm6  }
0xc5: {  	v39 =	vsel vm2, v29, v27;
	v31 =	vsel vm4, v24, v28;
	v32 =	vsel vm4, v20, v21  }
0xc6: {  	v46 =	vsel vm3, v19, v38;
	v36 =	vsel vm1, v26, v36;
	v40 =	vsel vm2, v22, v25  }
0xc7: {  	v19 =	vadd.s32 s15, v15;
	v26 =	vor.u32 s15, v1;
	v20 =	vadd.s32 s15, v11  }
0xc8: {  	v19 =	vand.u32 $0x7FF, v19;
	v22 =	vadd.s32 s15, v2;
	v21 =	vadd.s32 s15, v7  }
0xc9: {  	v55 =	vadd.s32 v3, v19;
	v50 =	vand.u32 $0x7FF, v21;
	v38 =	vand.u32 $0x7FF, v20  }
0xca: {  	v20 =	vadd.s32 s15, v18;
	v25 =	vadd.s32 v3, v50;
	v49 =	vadd.s32 v3, v38  }
0xcb: {  	v27 =	vadd.s32 s15, v14;
	v24 =	vadd.s32 s15, v6;
	v21 =	vadd.s32 s15, v10  }
0xcc: {  	v23 =	vand.u32 $0x7FF, v21;
	v21 =	vand.u32 $0x7FF, v27;
	v20 =	vand.u32 $0x7FF, v20  }
0xcd: {  	v28 =	vadd.s32 s15, v4;
	v27 =	vand.u32 $0x7FF, v24;
	v24 =	vadd.s32 v3, v20  }
0xce: {  	v44 =	vand.u32 $0x7FF, v28;
	v35 =	vadd.s32 v3, v27;
	v51 =	vld.idx.msk [tilespmem:v22+s3+$0x0], $0xffff;
	v22 =	vadd.s32 s15, v5  }
0xcf: {  	v42 =	vadd.s32 v3, v44;
	v28 =	vadd.s32 v3, v21;
	v33 =	vand.u32 $0x7FF, v22  }
0xd0: {  	v37 =	vadd.s32 v3, v23;
	v22 =	vadd.s32 s15, v17;
	v52 =	vadd.s32 v3, v33  }
0xd1: {  	v41 =	vadd.s32 s15, v13;
	v29 =	vadd.s32 s15, v9;
	v22 =	vand.u32 $0x7FF, v22  }
0xd2: {  	v30 =	vand.u32 $0x7FF, v29;
	v29 =	vadd.s32 v3, v22;
	v53 =	vld.idx.msk [tilespmem:v25+s3+$0x0], $0xffff;
	v25 =	vand.u32 $0x7FF, v41  }
0xd3: {  	v47 =	vadd.s32 s15, v8;
	v45 =	vadd.s32 v3, v30;
	v35 =	vld.idx.msk [tilespmem:v35+s3+$0x0], $0xffff;
	v41 =	vadd.s32 v3, v25  }
0xd4: {  	v47 =	vand.u32 $0x7FF, v47;
	vm2 =	vlt.s32 v26, v46;
	vm1 =	veq.f32 v51, v43;
	v48 =	vld.idx.msk [tilespmem:v42+s3+$0x0], $0xffff  }
0xd5: {  	vm3 =	vgt.f32 v51, v43;
	vm1 =	vmand vm2, vm1;
	v42 =	vld.idx.msk [tilespmem:v52+s3+$0x0], $0xffff;
	v52 =	vadd.s32 v3, v47  }
0xd6: {  	v56 =	vadd.s32 s15, v16;
	v54 =	vadd.s32 s15, v12;
	vm1 =	vmor vm3, vm1  }
0xd7: {  	v43 =	vsel vm1, v51, v43;
	v57 =	vsel vm1, v26, v46;
	v26 =	vand.u32 $0x7FF, v56;
	v49 =	vld.idx.msk [tilespmem:v49+s3+$0x0], $0xffff  }
0xd8: {  	v46 =	vand.u32 $0x7FF, v54;
	vm1 =	veq.f32 v53, v43;
	vm2 =	vlt.s32 v50, v57  }
0xd9: {  	vm3 =	vgt.f32 v53, v43;
	v56 =	vadd.s32 v3, v46;
	vm1 =	vmand vm1, vm2  }
.Ltmp1:
0xda: {  	v51 =	vadd.s32 v3, v26;
	vm4 =	vgt.f32 v48, v34;
	vm3 =	vmor vm3, vm1;
	v52 =	vld.idx.msk [tilespmem:v52+s3+$0x0], $0xffff;
	(pc) =	sbr.rel @p0 .LBB2_5-.Ltmp1, $4  }
0xdb: {  	vm1 =	vgt.f32 v35, v31;
	vm2 =	vgt.f32 v42, v39;
	v54 =	vsel vm3, v53, v43  }
0xdc: {  	vm6 =	vlt.s32 v44, v36;
	vm5 =	veq.f32 v48, v34;
	v53 =	vsel vm3, v50, v57;
	v43 =	vld.idx.msk [tilespmem:v55+s3+$0x0], $0xffff  }
0xdd: {  	vm3 =	vmand vm6, vm5;
	vm6 =	vlt.s32 v38, v53;
	vm5 =	veq.f32 v49, v54  }
0xde: {  	s15 =	sadd.s32 $0x10, s15;
	vm3 =	vmor vm4, vm3;
	vm4 =	vgt.f32 v49, v54;
	vm5 =	vmand vm5, vm6;
	v50 =	vld.idx.msk [tilespmem:v56+s3+$0x0], $0xffff  }
0xdf: {  	v34 =	vsel vm3, v48, v34;
	v36 =	vsel vm3, v44, v36;
	vm3 =	vmor vm4, vm5  }
0xe0: {  	vm4 =	veq.f32 v52, v34;
	vm5 =	vlt.s32 v47, v36;
	v62 =	vsel vm3, v49, v54  }
0xe1: {  	vm6 =	vgt.f32 v52, v34;
	v38 =	vsel vm3, v38, v53;
	vm4 =	vmand vm4, vm5  }
0xe2: {  	vm5 =	veq.f32 v43, v62;
	vm3 =	vmor vm6, vm4;
	vm4 =	vgt.f32 v43, v62  }
0xe3: {  	v34 =	vsel vm3, v52, v34;
	v36 =	vsel vm3, v47, v36;
	vm3 =	vlt.s32 v19, v38  }
0xe4: {  	v63 =	vld.idx.msk [tilespmem:v51+s3+$0x0], $0xffff;
	vm6 =	veq.f32 v50, v34;
	vm7 =	vlt.s32 v46, v36;
	vm3 =	vmand vm5, vm3  }
0xe5: {  	v45 =	vld.idx.msk [tilespmem:v45+s3+$0x0], $0xffff;
	vm5 =	vgt.f32 v50, v34;
	vm6 =	vmand vm6, vm7;
	vm3 =	vmor vm4, vm3  }
0xe6: {  	vm4 =	veq.f32 v42, v39;
	vm7 =	vlt.s32 v33, v40;
	vm5 =	vmor vm5, vm6  }
0xe7: {  	vm4 =	vmand vm7, vm4;
	vm7 =	vlt.s32 v27, v32;
	v19 =	vsel vm3, v19, v38  }
0xe8: {  	v34 =	vsel vm5, v50, v34;
	v50 =	vsel vm3, v43, v62;
	vm2 =	vmor vm2, vm4  }
0xe9: {  	v36 =	vsel vm5, v46, v36;
	v51 =	vsel vm2, v42, v39;
	vm5 =	veq.f32 v63, v34  }
0xea: {  	vm6 =	vlt.s32 v26, v36;
	v52 =	vsel vm2, v33, v40;
	vm2 =	veq.f32 v45, v51  }
0xeb: {  	v37 =	vld.idx.msk [tilespmem:v37+s3+$0x0], $0xffff;
	vm5 =	vmand vm5, vm6;
	vm6 =	veq.f32 v35, v31;
	vm8 =	vlt.s32 v30, v52  }
0xec: {  	vm6 =	vmand vm7, vm6;
	vm7 =	vgt.f32 v45, v51;
	vm2 =	vmand vm2, vm8  }
0xed: {  	v53 =	vld.idx.msk [tilespmem:v41+s3+$0x0], $0xffff;
	vm4 =	vgt.f32 v63, v34;
	vm6 =	vmor vm1, vm6;
	vm2 =	vmor vm7, vm2  }
0xee: {  	vm1 =	vmor vm4, vm5;
	v31 =	vsel vm6, v35, v31;
	v27 =	vsel vm6, v27, v32  }
0xef: {  	v28 =	vld.idx.msk [tilespmem:v28+s3+$0x0], $0xffff;
	v54 =	vsel vm2, v45, v51;
	v30 =	vsel vm2, v30, v52;
	v26 =	vsel vm1, v26, v36  }
0xf0: {  	vm2 =	veq.f32 v37, v31;
	vm4 =	vlt.s32 v23, v27;
	vm5 =	vgt.f32 v37, v31  }
0xf1: {  	v29 =	vld.idx.msk [tilespmem:v29+s3+$0x0], $0xffff;
	vm6 =	vlt.s32 v25, v30;
	vm3 =	vlt.s32 v26, v19;
	vm2 =	vmand vm2, vm4  }
0xf2: {  	vm4 =	vgt.f32 v53, v54;
	vm2 =	vmor vm5, vm2;
	vm5 =	veq.f32 v53, v54  }
0xf3: {  	v24 =	vld.idx.msk [tilespmem:v24+s3+$0x0], $0xffff;
	v31 =	vsel vm2, v37, v31;
	v23 =	vsel vm2, v23, v27;
	vm2 =	vmand vm5, vm6  }
0xf4: {  	vm2 =	vmor vm4, vm2;
	vm4 =	veq.f32 v28, v31;
	vm5 =	vlt.s32 v21, v23  }
0xf5: {  	vm6 =	vgt.f32 v28, v31;
	v27 =	vsel vm2, v53, v54;
	vm4 =	vmand vm4, vm5  }
0xf6: {  	v25 =	vsel vm2, v25, v30;
	vm2 =	vmor vm6, vm4;
	vm4 =	vgt.f32 v29, v27  }
0xf7: {  	vm5 =	vlt.s32 v22, v25;
	v28 =	vsel vm2, v28, v31;
	v21 =	vsel vm2, v21, v23  }
0xf8: {  	vm2 =	veq.f32 v29, v27;
	v23 =	vsel vm1, v63, v34;
	vm6 =	veq.f32 v24, v28  }
0xf9: {  	vm7 =	vlt.s32 v20, v21;
	vm1 =	vmand vm2, vm5;
	vm2 =	veq.f32 v23, v50  }
0xfa: {  	vm1 =	vmor vm4, vm1;
	vm4 =	vgt.f32 v23, v50;
	vm2 =	vmand vm2, vm3  }
0xfb: {  	vm3 =	vgt.f32 v24, v28;
	v27 =	vsel vm1, v29, v27;
	vm2 =	vmor vm4, vm2  }
0xfc: {  	v22 =	vsel vm1, v22, v25;
	v23 =	vsel vm2, v23, v50;
	v19 =	vsel vm2, v26, v19  }
0xfd: {  	vm1 =	vmand vm6, vm7;
	vm2 =	veq.f32 v27, v23;
	vm4 =	vlt.s32 v22, v19  }
0xfe: {  	vm1 =	vmor vm3, vm1;
	vm3 =	vgt.f32 v27, v23;
	vm2 =	vmand vm2, vm4  }
0xff: {  	v24 =	vsel vm1, v24, v28;
	vm2 =	vmor vm3, vm2  }
0x100: {  	v20 =	vsel vm1, v20, v21;
	v21 =	vsel vm2, v27, v23;
	v22 =	vsel vm2, v22, v19  }
0x101: {  	p0 =	seq.s32 s9, $0x0;
	v23 =	vmov s2;
	vm2 =	veq.f32 v24, v21;
	vm3 =	vlt.s32 v20, v22  }
0x102: {  	s15 =	simm.s32 @!p0 $0x4;
	v19 =	vmul.u32 $0x800, v1;
	vm1 =	vgt.f32 v24, v21;
	vm2 =	vmand vm2, vm3  }
0x103: {  	_ =	swait.ge @!p0 [sflag:s15], $0x10;
	v23 =	vshll.u32 v23, $0xB;
	vm1 =	vmor vm1, vm2  }
0x104: {  	[sflag:s15] =	ssyncset.done @!p0 $0x0;
	v20 =	vsel vm1, v20, v22;
	v22 =	vor.u32 v19, v23  }
0x105: {  	[sflag:s15] =	ssyncadd.s32 @!p0 $0xFFFFFFF0;
	v21 =	vsel vm1, v24, v21;
	v20 =	vadd.s32 v22, v20  }
0x106: {  	s17 =	sshll.u32 s10, $0x4;
	[tilespmem:$0x18200] =	vst v21  }
0x107: {  	s10 =	sadd.s32 s11, s17;
	_ =	swait.ge [sflag:s23], $0x8000  }
0x108: {  	s2 =	sshll.u32 s10, $0x8;
	[sflag:s23] =	ssyncset.done $0x0  }
0x109: {  	s30 =	simm.s32 $0x18200;
	s2 =	sand.u32 $0x1FFFF000, s2;
	[sflag:s23] =	ssyncadd.s32 $0xFFFF8000  }
0x10a: {  	[hbm4b:s4+s3] =	stream.indirect_vreg.scatter [tilespmem:s30], [sflag:$0x4], $0x1, v20, vm0, $0xb8;
	[tilespmem:$0x18280] =	vst v63  }
0x10b: {  	p0 =	seq.s32 s9, $0x1F;
	s2 =	sadd.s32 s4, s2  }
0x10c: {  	[hbm4b:s2+s3] =	stream.linear.scatter [tilespmem:s28], [sflag:$0x3], $0x8000, $0x38;
	[tilespmem:$0x18280] =	vst v63  }
0x10d: {  	s15 =	rddreg [dreg:$0x15];
	s2 =	sshll.u32 @!p0 s9, $0x10  }
0x10e: {  	s2 =	sadd.s32 @!p0 s2, s15  }
0x10f: {  	s2 =	sshrl.u32 @!p0 s2, $0x3  }
0x110: {  	s17 =	simm.s32 @!p0 $0x0;
	s15 =	sadd.s32 @!p0 s21, s2  }
0x111: {  	[tilespmem:s17], [sflag:$0x1] =	stream.linear.gather @!p0 [hbm4b:s15+s17], $0x800, $0x38;
	[tilespmem:$0x18280] =	vst v63  }
0x112: {  	s28 =	smov.u32 s21;
	s21 =	simm.s32 @!p0 $0x810;
	s15 =	sadd.s32 @!p0 s2, s6  }
0x113: {  	[tilespmem:s21], [sflag:$0x1] =	stream.linear.gather @!p0 [hbm4b:s15+s17], $0x800, $0x38;
	[tilespmem:$0x18280] =	vst v63  }
0x114: {  	s15 =	sadd.s32 @!p0 s2, s7;
	s21 =	simm.s32 @!p0 $0x1020  }
0x115: {  	[tilespmem:s21], [sflag:$0x1] =	stream.linear.gather @!p0 [hbm4b:s15+s17], $0x800, $0x38;
	[tilespmem:$0x18280] =	vst v63  }
0x116: {  	s15 =	sadd.s32 @!p0 s2, s8;
	s21 =	simm.s32 @!p0 $0x1830  }
0x117: {  	[tilespmem:s21], [sflag:$0x1] =	stream.linear.gather @!p0 [hbm4b:s15+s17], $0x800, $0x38;
	[tilespmem:$0x18280] =	vst v63  }
0x118: {  	s15 =	sadd.s32 @!p0 s2, s12;
	s21 =	simm.s32 @!p0 $0x2040  }
0x119: {  	[tilespmem:s21], [sflag:$0x1] =	stream.linear.gather @!p0 [hbm4b:s15+s17], $0x800, $0x38;
	[tilespmem:$0x18280] =	vst v63  }
0x11a: {  	s15 =	sadd.s32 @!p0 s2, s13;
	s21 =	simm.s32 @!p0 $0x2850  }
0x11b: {  	[tilespmem:s21], [sflag:$0x1] =	stream.linear.gather @!p0 [hbm4b:s15+s17], $0x800, $0x38;
	[tilespmem:$0x18280] =	vst v63  }
0x11c: {  	s15 =	sadd.s32 @!p0 s2, s14;
	s21 =	simm.s32 @!p0 $0x3060  }
0x11d: {  	[tilespmem:s21], [sflag:$0x1] =	stream.linear.gather @!p0 [hbm4b:s15+s17], $0x800, $0x38;
	[tilespmem:$0x18280] =	vst v63  }
0x11e: {  	s15 =	sadd.s32 @!p0 s2, s18;
	s21 =	simm.s32 @!p0 $0x3870  }
0x11f: {  	[tilespmem:s21], [sflag:$0x1] =	stream.linear.gather @!p0 [hbm4b:s15+s17], $0x800, $0x38;
	[tilespmem:$0x18280] =	vst v63  }
0x120: {  	s15 =	sadd.s32 @!p0 s2, s19;
	s21 =	simm.s32 @!p0 $0x4080  }
0x121: {  	[tilespmem:s21], [sflag:$0x1] =	stream.linear.gather @!p0 [hbm4b:s15+s17], $0x800, $0x38;
	[tilespmem:$0x18280] =	vst v63  }
0x122: {  	s15 =	sadd.s32 @!p0 s2, s20;
	s21 =	simm.s32 @!p0 $0x4890  }
0x123: {  	[tilespmem:s21], [sflag:$0x1] =	stream.linear.gather @!p0 [hbm4b:s15+s17], $0x800, $0x38;
	[tilespmem:$0x18280] =	vst v63  }
0x124: {  	s15 =	sadd.s32 @!p0 s2, s24;
	s21 =	simm.s32 @!p0 $0x50A0  }
0x125: {  	[tilespmem:s21], [sflag:$0x1] =	stream.linear.gather @!p0 [hbm4b:s15+s17], $0x800, $0x38;
	[tilespmem:$0x18280] =	vst v63  }
0x126: {  	s15 =	sadd.s32 @!p0 s2, s25;
	s21 =	simm.s32 @!p0 $0x58B0  }
0x127: {  	[tilespmem:s21], [sflag:$0x1] =	stream.linear.gather @!p0 [hbm4b:s15+s17], $0x800, $0x38;
	[tilespmem:$0x18280] =	vst v63  }
0x128: {  	s15 =	sadd.s32 @!p0 s2, s26;
	s21 =	simm.s32 @!p0 $0x60C0  }
0x129: {  	[tilespmem:s21], [sflag:$0x1] =	stream.linear.gather @!p0 [hbm4b:s15+s17], $0x800, $0x38;
	[tilespmem:$0x18280] =	vst v63  }
0x12a: {  	s15 =	sadd.s32 @!p0 s2, s31;
	s21 =	simm.s32 @!p0 $0x68D0  }
0x12b: {  	[tilespmem:s21], [sflag:$0x1] =	stream.linear.gather @!p0 [hbm4b:s15+s17], $0x800, $0x38;
	[tilespmem:$0x18280] =	vst v63  }
0x12c: {  	s15 =	sadd.s32 @!p0 s2, s0;
	s21 =	simm.s32 @!p0 $0x70E0  }
0x12d: {  	[tilespmem:s21], [sflag:$0x1] =	stream.linear.gather @!p0 [hbm4b:s15+s17], $0x800, $0x38;
	[tilespmem:$0x18280] =	vst v63  }
0x12e: {  	s2 =	sadd.s32 @!p0 s2, s1;
	s15 =	simm.s32 @!p0 $0x78F0  }
0x12f: {  	[tilespmem:s15], [sflag:$0x1] =	stream.linear.gather @!p0 [hbm4b:s2+s17], $0x800, $0x38;
	[tilespmem:$0x18280] =	vst v63  }
0x130: {  	_ =	swait.ge [sflag:s29], $0x800  }
0x131: {  	[sflag:s29] =	ssyncset.done $0x0  }
0x132: {  	[sflag:s29] =	ssyncadd.s32 $0xFFFFF800  }
0x133: {  	_ =	swait.ge [sflag:s29], $0x800  }
0x134: {  	[sflag:s29] =	ssyncset.done $0x0  }
0x135: {  	[sflag:s29] =	ssyncadd.s32 $0xFFFFF800  }
0x136: {  	_ =	swait.ge [sflag:s29], $0x800  }
0x137: {  	[sflag:s29] =	ssyncset.done $0x0  }
0x138: {  	[sflag:s29] =	ssyncadd.s32 $0xFFFFF800  }
0x139: {  	_ =	swait.ge [sflag:s29], $0x800  }
0x13a: {  	[sflag:s29] =	ssyncset.done $0x0  }
0x13b: {  	[sflag:s29] =	ssyncadd.s32 $0xFFFFF800  }
0x13c: {  	_ =	swait.ge [sflag:s29], $0x800  }
0x13d: {  	[sflag:s29] =	ssyncset.done $0x0  }
0x13e: {  	[sflag:s29] =	ssyncadd.s32 $0xFFFFF800  }
0x13f: {  	_ =	swait.ge [sflag:s29], $0x800  }
0x140: {  	[sflag:s29] =	ssyncset.done $0x0  }
0x141: {  	[sflag:s29] =	ssyncadd.s32 $0xFFFFF800  }
0x142: {  	_ =	swait.ge [sflag:s29], $0x800  }
0x143: {  	[sflag:s29] =	ssyncset.done $0x0  }
0x144: {  	[sflag:s29] =	ssyncadd.s32 $0xFFFFF800  }
0x145: {  	_ =	swait.ge [sflag:s29], $0x800  }
0x146: {  	[sflag:s29] =	ssyncset.done $0x0  }
0x147: {  	[sflag:s29] =	ssyncadd.s32 $0xFFFFF800  }
0x148: {  	_ =	swait.ge [sflag:s29], $0x800  }
0x149: {  	[sflag:s29] =	ssyncset.done $0x0  }
0x14a: {  	[sflag:s29] =	ssyncadd.s32 $0xFFFFF800  }
0x14b: {  	_ =	swait.ge [sflag:s29], $0x800  }
0x14c: {  	[sflag:s29] =	ssyncset.done $0x0  }
0x14d: {  	[sflag:s29] =	ssyncadd.s32 $0xFFFFF800  }
0x14e: {  	_ =	swait.ge [sflag:s29], $0x800  }
0x14f: {  	[sflag:s29] =	ssyncset.done $0x0  }
0x150: {  	[sflag:s29] =	ssyncadd.s32 $0xFFFFF800  }
0x151: {  	_ =	swait.ge [sflag:s29], $0x800  }
0x152: {  	[sflag:s29] =	ssyncset.done $0x0  }
0x153: {  	[sflag:s29] =	ssyncadd.s32 $0xFFFFF800  }
0x154: {  	_ =	swait.ge [sflag:s29], $0x800  }
0x155: {  	s21 =	simm.s32 $0x0;
	[sflag:s29] =	ssyncset.done $0x0  }
0x156: {  	v35 =	vimm.f32 $-Inf;
	v37 =	vimm.s32 $0x0;
	v27 =	vor.u32 s21, v1;
	[sflag:s29] =	ssyncadd.s32 $0xFFFFF800  }
0x157: {  	v21 =	vadd.s32 s21, v11;
	v20 =	vadd.s32 s21, v15;
	v22 =	vadd.s32 s21, v7;
	_ =	swait.ge [sflag:s29], $0x800  }
0x158: {  	v23 =	vadd.s32 s21, v2;
	v25 =	vadd.s32 s21, v6;
	v28 =	vadd.s32 s21, v14;
	[sflag:s29] =	ssyncset.done $0x0  }
0x159: {  	v29 =	vadd.s32 s21, v4;
	v30 =	vadd.s32 s21, v5;
	v59 =	vadd.s32 s21, v13;
	[sflag:s29] =	ssyncadd.s32 $0xFFFFF800  }
0x15a: {  	v60 =	vadd.s32 s21, v8;
	v61 =	vadd.s32 s21, v12;
	v62 =	vadd.s32 s21, v16;
	_ =	swait.ge [sflag:s29], $0x800  }
0x15b: {  	v20 =	vand.u32 $0x7FF, v20;
	v32 =	vand.u32 $0x7FF, v22;
	v22 =	vadd.s32 s21, v10;
	[sflag:s29] =	ssyncset.done $0x0  }
0x15c: {  	v45 =	vand.u32 $0x7FF, v29;
	v26 =	vadd.s32 v3, v32;
	v24 =	vand.u32 $0x7FF, v22;
	[sflag:s29] =	ssyncadd.s32 $0xFFFFF800  }
0x15d: {  	v22 =	vand.u32 $0x7FF, v28;
	v28 =	vand.u32 $0x7FF, v25;
	v57 =	vadd.s32 v3, v45;
	_ =	swait.ge [sflag:s29], $0x800  }
0x15e: {  	v39 =	vand.u32 $0x7FF, v21;
	v21 =	vadd.s32 s21, v18;
	v56 =	vadd.s32 v3, v28;
	[sflag:s29] =	ssyncset.done $0x0  }
0x15f: {  	v34 =	vand.u32 $0x7FF, v30;
	v48 =	vand.u32 $0x7FF, v60;
	v40 =	vadd.s32 v3, v39;
	[sflag:s29] =	ssyncadd.s32 $0xFFFFF800  }
0x160: {  	v30 =	vadd.s32 s21, v9;
	vm2 =	vlt.s32 v27, v37;
	v44 =	vadd.s32 v3, v48;
	v55 =	vld.idx.msk [tilespmem:v23+s22+$0x0], $0xffff  }
0x161: {  	v47 =	vand.u32 $0x7FF, v61;
	v33 =	vadd.s32 v3, v20;
	v21 =	vand.u32 $0x7FF, v21;
	v51 =	vld.idx.msk [tilespmem:v26+s22+$0x0], $0xffff  }
0x162: {  	v58 =	vadd.s32 v3, v34;
	v31 =	vand.u32 $0x7FF, v30;
	vm6 =	vlt.s32 v45, v37;
	v49 =	vld.idx.msk [tilespmem:v57+s22+$0x0], $0xffff  }
0x163: {  	v25 =	vadd.s32 v3, v21;
	v29 =	vadd.s32 v3, v22;
	v38 =	vadd.s32 v3, v24;
	v36 =	vld.idx.msk [tilespmem:v56+s22+$0x0], $0xffff  }
0x164: {  	v46 =	vadd.s32 v3, v31;
	v23 =	vadd.s32 s21, v17;
	v26 =	vand.u32 $0x7FF, v59;
	v50 =	vld.idx.msk [tilespmem:v40+s22+$0x0], $0xffff  }
0x165: {  	v56 =	vadd.s32 v3, v47;
	v53 =	vld.idx.msk [tilespmem:v44+s22+$0x0], $0xffff;
	v40 =	vimm.f32 $-Inf;
	vm1 =	veq.f32 v55, v35  }
0x166: {  	v44 =	vld.idx.msk [tilespmem:v33+s22+$0x0], $0xffff;
	v33 =	vimm.s32 $0x0;
	vm3 =	vgt.f32 v55, v35;
	vm1 =	vmand vm2, vm1  }
0x167: {  	v43 =	vld.idx.msk [tilespmem:v58+s22+$0x0], $0xffff;
	v23 =	vand.u32 $0x7FF, v23;
	v42 =	vadd.s32 v3, v26;
	vm1 =	vmor vm3, vm1  }
0x168: {  	v30 =	vadd.s32 v3, v23;
	v41 =	vsel vm1, v55, v35;
	v63 =	vsel vm1, v27, v37  }
0x169: {  	vm4 =	vgt.f32 v49, v35;
	vm1 =	veq.f32 v51, v41;
	vm2 =	vlt.s32 v32, v63  }
0x16a: {  	v27 =	vand.u32 $0x7FF, v62;
	vm3 =	vgt.f32 v51, v41;
	vm1 =	vmand vm1, vm2  }
0x16b: {  	vm5 =	veq.f32 v49, v35;
	v52 =	vadd.s32 v3, v27;
	vm3 =	vmor vm3, vm1  }
0x16c: {  	vm2 =	vgt.f32 v43, v35;
	vm1 =	vgt.f32 v36, v35;
	v55 =	vsel vm3, v51, v41  }
0x16d: {  	v54 =	vsel vm3, v32, v63;
	vm3 =	vmand vm6, vm5;
	v41 =	vimm.s32 $0x0  }
0x16e: {  	v32 =	vimm.f32 $-Inf;
	vm5 =	veq.f32 v50, v55;
	vm6 =	vlt.s32 v39, v54  }
0x16f: {  	s2 =	simm.s32 $0x10;
	v51 =	vld.idx.msk [tilespmem:v56+s22+$0x0], $0xffff;
	vm3 =	vmor vm4, vm3;
	vm4 =	vgt.f32 v50, v55;
	vm5 =	vmand vm5, vm6  }
.LBB2_7:
0x170: {  	p0 =	sne.s32 s2, $0x7F0;
	v35 =	vsel vm3, v49, v35;
	v37 =	vsel vm3, v45, v37;
	vm3 =	vmor vm4, vm5  }
0x171: {  	vm4 =	veq.f32 v53, v35;
	vm5 =	vlt.s32 v48, v37;
	v45 =	vsel vm3, v50, v55  }
0x172: {  	vm6 =	vgt.f32 v53, v35;
	v39 =	vsel vm3, v39, v54;
	vm4 =	vmand vm4, vm5  }
0x173: {  	vm5 =	veq.f32 v44, v45;
	vm3 =	vmor vm6, vm4;
	vm4 =	vgt.f32 v44, v45;
	v49 =	vld.idx.msk [tilespmem:v52+s22+$0x0], $0xffff  }
0x174: {  	v35 =	vsel vm3, v53, v35;
	v37 =	vsel vm3, v48, v37;
	vm3 =	vlt.s32 v20, v39  }
0x175: {  	v46 =	vld.idx.msk [tilespmem:v46+s22+$0x0], $0xffff;
	vm6 =	veq.f32 v51, v35;
	vm7 =	vlt.s32 v47, v37;
	vm3 =	vmand vm5, vm3  }
0x176: {  	vm5 =	vgt.f32 v51, v35;
	vm6 =	vmand vm6, vm7;
	vm3 =	vmor vm4, vm3  }
0x177: {  	vm4 =	veq.f32 v43, v40;
	vm7 =	vlt.s32 v34, v41;
	vm5 =	vmor vm5, vm6  }
0x178: {  	vm4 =	vmand vm7, vm4;
	v44 =	vsel vm3, v44, v45;
	v35 =	vsel vm5, v51, v35  }
0x179: {  	vm2 =	vmor vm2, vm4;
	v37 =	vsel vm5, v47, v37;
	vm4 =	vgt.f32 v49, v35  }
0x17a: {  	v40 =	vsel vm2, v43, v40;
	vm5 =	veq.f32 v49, v35;
	vm6 =	vlt.s32 v27, v37;
	v38 =	vld.idx.msk [tilespmem:v38+s22+$0x0], $0xffff  }
0x17b: {  	v34 =	vsel vm2, v34, v41;
	vm2 =	veq.f32 v46, v40;
	vm5 =	vmand vm5, vm6;
	v41 =	vld.idx.msk [tilespmem:v42+s22+$0x0], $0xffff  }
0x17c: {  	vm7 =	vlt.s32 v28, v33;
	vm6 =	veq.f32 v36, v32;
	vm8 =	vlt.s32 v31, v34  }
0x17d: {  	vm6 =	vmand vm7, vm6;
	vm7 =	vgt.f32 v46, v40;
	vm2 =	vmand vm2, vm8  }
0x17e: {  	vm6 =	vmor vm1, vm6;
	vm2 =	vmor vm7, vm2;
	vm1 =	vmor vm4, vm5;
	v29 =	vld.idx.msk [tilespmem:v29+s22+$0x0], $0xffff  }
0x17f: {  	v32 =	vsel vm6, v36, v32;
	v28 =	vsel vm6, v28, v33;
	v33 =	vsel vm2, v46, v40  }
0x180: {  	v31 =	vsel vm2, v31, v34;
	vm4 =	vlt.s32 v24, v28;
	vm2 =	veq.f32 v38, v32;
	v30 =	vld.idx.msk [tilespmem:v30+s22+$0x0], $0xffff  }
0x181: {  	vm5 =	vgt.f32 v38, v32;
	vm2 =	vmand vm2, vm4;
	vm4 =	vgt.f32 v41, v33  }
0x182: {  	vm6 =	vlt.s32 v26, v31;
	vm2 =	vmor vm5, vm2;
	vm5 =	veq.f32 v41, v33;
	v25 =	vld.idx.msk [tilespmem:v25+s22+$0x0], $0xffff  }
0x183: {  	v32 =	vsel vm2, v38, v32;
	v24 =	vsel vm2, v24, v28;
	vm2 =	vmand vm5, vm6  }
0x184: {  	vm2 =	vmor vm4, vm2;
	vm4 =	veq.f32 v29, v32;
	vm5 =	vlt.s32 v22, v24  }
0x185: {  	vm6 =	vgt.f32 v29, v32;
	v28 =	vsel vm2, v41, v33;
	vm4 =	vmand vm4, vm5  }
0x186: {  	v26 =	vsel vm2, v26, v31;
	vm2 =	vmor vm6, vm4;
	vm4 =	vgt.f32 v30, v28  }
0x187: {  	v29 =	vsel vm2, v29, v32;
	v22 =	vsel vm2, v22, v24;
	vm2 =	veq.f32 v30, v28  }
0x188: {  	vm5 =	vlt.s32 v23, v26;
	vm6 =	veq.f32 v25, v29;
	vm7 =	vlt.s32 v21, v22  }
0x189: {  	vm2 =	vmand vm2, vm5;
	vm5 =	vgt.f32 v25, v29;
	vm6 =	vmand vm6, vm7  }
0x18a: {  	v35 =	vsel vm1, v49, v35;
	vm2 =	vmor vm4, vm2;
	vm4 =	vmor vm5, vm6  }
0x18b: {  	v40 =	vsel vm2, v30, v28;
	v32 =	vsel vm4, v25, v29;
	v33 =	vsel vm4, v21, v22  }
0x18c: {  	v47 =	vsel vm3, v20, v39;
	v37 =	vsel vm1, v27, v37;
	v41 =	vsel vm2, v23, v26  }
0x18d: {  	v20 =	vadd.s32 s2, v15;
	v27 =	vor.u32 s2, v1;
	v21 =	vadd.s32 s2, v11  }
0x18e: {  	v20 =	vand.u32 $0x7FF, v20;
	v23 =	vadd.s32 s2, v2;
	v22 =	vadd.s32 s2, v7  }
0x18f: {  	v56 =	vadd.s32 v3, v20;
	v51 =	vand.u32 $0x7FF, v22;
	v39 =	vand.u32 $0x7FF, v21  }
0x190: {  	v21 =	vadd.s32 s2, v18;
	v26 =	vadd.s32 v3, v51;
	v50 =	vadd.s32 v3, v39  }
0x191: {  	v28 =	vadd.s32 s2, v14;
	v25 =	vadd.s32 s2, v6;
	v22 =	vadd.s32 s2, v10  }
0x192: {  	v24 =	vand.u32 $0x7FF, v22;
	v22 =	vand.u32 $0x7FF, v28;
	v21 =	vand.u32 $0x7FF, v21  }
0x193: {  	v29 =	vadd.s32 s2, v4;
	v28 =	vand.u32 $0x7FF, v25;
	v25 =	vadd.s32 v3, v21  }
0x194: {  	v45 =	vand.u32 $0x7FF, v29;
	v36 =	vadd.s32 v3, v28;
	v52 =	vld.idx.msk [tilespmem:v23+s22+$0x0], $0xffff;
	v23 =	vadd.s32 s2, v5  }
0x195: {  	v43 =	vadd.s32 v3, v45;
	v29 =	vadd.s32 v3, v22;
	v34 =	vand.u32 $0x7FF, v23  }
0x196: {  	v38 =	vadd.s32 v3, v24;
	v23 =	vadd.s32 s2, v17;
	v53 =	vadd.s32 v3, v34  }
0x197: {  	v42 =	vadd.s32 s2, v13;
	v30 =	vadd.s32 s2, v9;
	v23 =	vand.u32 $0x7FF, v23  }
0x198: {  	v31 =	vand.u32 $0x7FF, v30;
	v30 =	vadd.s32 v3, v23;
	v54 =	vld.idx.msk [tilespmem:v26+s22+$0x0], $0xffff;
	v26 =	vand.u32 $0x7FF, v42  }
0x199: {  	v48 =	vadd.s32 s2, v8;
	v46 =	vadd.s32 v3, v31;
	v36 =	vld.idx.msk [tilespmem:v36+s22+$0x0], $0xffff;
	v42 =	vadd.s32 v3, v26  }
0x19a: {  	v48 =	vand.u32 $0x7FF, v48;
	vm2 =	vlt.s32 v27, v47;
	vm1 =	veq.f32 v52, v44;
	v49 =	vld.idx.msk [tilespmem:v43+s22+$0x0], $0xffff  }
0x19b: {  	vm3 =	vgt.f32 v52, v44;
	vm1 =	vmand vm2, vm1;
	v43 =	vld.idx.msk [tilespmem:v53+s22+$0x0], $0xffff;
	v53 =	vadd.s32 v3, v48  }
0x19c: {  	v57 =	vadd.s32 s2, v16;
	v55 =	vadd.s32 s2, v12;
	vm1 =	vmor vm3, vm1  }
0x19d: {  	v44 =	vsel vm1, v52, v44;
	v58 =	vsel vm1, v27, v47;
	v27 =	vand.u32 $0x7FF, v57;
	v50 =	vld.idx.msk [tilespmem:v50+s22+$0x0], $0xffff  }
0x19e: {  	v47 =	vand.u32 $0x7FF, v55;
	vm1 =	veq.f32 v54, v44;
	vm2 =	vlt.s32 v51, v58  }
0x19f: {  	vm3 =	vgt.f32 v54, v44;
	v57 =	vadd.s32 v3, v47;
	vm1 =	vmand vm1, vm2  }
.Ltmp2:
0x1a0: {  	v52 =	vadd.s32 v3, v27;
	vm4 =	vgt.f32 v49, v35;
	vm3 =	vmor vm3, vm1;
	v53 =	vld.idx.msk [tilespmem:v53+s22+$0x0], $0xffff;
	(pc) =	sbr.rel @p0 .LBB2_7-.Ltmp2, $4  }
0x1a1: {  	vm1 =	vgt.f32 v36, v32;
	vm2 =	vgt.f32 v43, v40;
	v55 =	vsel vm3, v54, v44  }
0x1a2: {  	vm6 =	vlt.s32 v45, v37;
	vm5 =	veq.f32 v49, v35;
	v54 =	vsel vm3, v51, v58;
	v44 =	vld.idx.msk [tilespmem:v56+s22+$0x0], $0xffff  }
0x1a3: {  	vm3 =	vmand vm6, vm5;
	vm6 =	vlt.s32 v39, v54;
	vm5 =	veq.f32 v50, v55  }
0x1a4: {  	s2 =	sadd.s32 $0x10, s2;
	vm3 =	vmor vm4, vm3;
	vm4 =	vgt.f32 v50, v55;
	vm5 =	vmand vm5, vm6;
	v51 =	vld.idx.msk [tilespmem:v57+s22+$0x0], $0xffff  }
0x1a5: {  	v35 =	vsel vm3, v49, v35;
	v37 =	vsel vm3, v45, v37;
	vm3 =	vmor vm4, vm5  }
0x1a6: {  	vm9 =	veq.f32 v43, v40;
	vm10 =	veq.f32 v53, v35;
	vm11 =	vlt.s32 v48, v37  }
0x1a7: {  	v60 =	vsel vm3, v50, v55;
	vm6 =	vgt.f32 v53, v35;
	v39 =	vsel vm3, v39, v54  }
0x1a8: {  	vm4 =	vmand vm10, vm11;
	vm12 =	vgt.f32 v44, v60;
	vm10 =	vlt.s32 v34, v41  }
0x1a9: {  	v46 =	vld.idx.msk [tilespmem:v46+s22+$0x0], $0xffff;
	vm13 =	veq.f32 v44, v60;
	vm3 =	vmor vm6, vm4;
	vm4 =	vmand vm10, vm9  }
0x1aa: {  	v35 =	vsel vm3, v53, v35;
	v37 =	vsel vm3, v48, v37;
	vm3 =	vlt.s32 v20, v39  }
0x1ab: {  	vm2 =	vmor vm2, vm4;
	vm14 =	veq.f32 v51, v35;
	vm7 =	vlt.s32 v47, v37  }
0x1ac: {  	vm3 =	vmand vm13, vm3;
	vm15 =	vgt.f32 v51, v35;
	v63 =	vsel vm2, v43, v40  }
0x1ad: {  	v61 =	vld.idx.msk [tilespmem:v52+s22+$0x0], $0xffff;
	v45 =	vsel vm2, v34, v41;
	vm13 =	veq.f32 v36, v32;
	vm6 =	vmand vm14, vm7  }
0x1ae: {  	vm3 =	vmor vm12, vm3;
	vm2 =	veq.f32 v46, v63;
	vm14 =	vlt.s32 v28, v33  }
0x1af: {  	vm8 =	vlt.s32 v31, v45;
	vm5 =	vmor vm15, vm6;
	v62 =	vsel vm3, v44, v60  }
0x1b0: {  	v38 =	vld.idx.msk [tilespmem:v38+s22+$0x0], $0xffff;
	vm6 =	vmand vm14, vm13;
	vm15 =	vgt.f32 v46, v63;
	vm2 =	vmand vm2, vm8  }
0x1b1: {  	v20 =	vsel vm3, v20, v39;
	v35 =	vsel vm5, v51, v35;
	v37 =	vsel vm5, v47, v37  }
0x1b2: {  	vm6 =	vmor vm1, vm6;
	vm2 =	vmor vm15, vm2;
	vm4 =	vgt.f32 v61, v35  }
0x1b3: {  	v47 =	vld.idx.msk [tilespmem:v42+s22+$0x0], $0xffff;
	vm11 =	veq.f32 v61, v35;
	vm12 =	vlt.s32 v27, v37;
	v48 =	vsel vm6, v36, v32  }
0x1b4: {  	v50 =	vsel vm6, v28, v33;
	v51 =	vsel vm2, v46, v63;
	v52 =	vsel vm2, v31, v45  }
0x1b5: {  	v29 =	vld.idx.msk [tilespmem:v29+s22+$0x0], $0xffff;
	vm5 =	vmand vm11, vm12;
	vm2 =	veq.f32 v38, v48;
	vm9 =	vlt.s32 v24, v50  }
0x1b6: {  	vm10 =	vgt.f32 v38, v48;
	vm1 =	vmor vm4, vm5;
	vm2 =	vmand vm2, vm9  }
0x1b7: {  	vm13 =	vlt.s32 v26, v52;
	vm2 =	vmor vm10, vm2;
	v57 =	vsel vm1, v61, v35  }
0x1b8: {  	v30 =	vld.idx.msk [tilespmem:v30+s22+$0x0], $0xffff;
	v58 =	vsel vm1, v27, v37;
	vm11 =	vgt.f32 v47, v51;
	vm12 =	veq.f32 v47, v51  }
0x1b9: {  	v32 =	vsel vm2, v38, v48;
	v53 =	vsel vm2, v24, v50;
	vm3 =	vlt.s32 v58, v20  }
0x1ba: {  	v25 =	vld.idx.msk [tilespmem:v25+s22+$0x0], $0xffff;
	vm2 =	vmand vm12, vm13;
	vm14 =	veq.f32 v29, v32;
	vm15 =	vlt.s32 v22, v53  }
0x1bb: {  	vm9 =	vgt.f32 v29, v32;
	vm2 =	vmor vm11, vm2;
	vm4 =	vmand vm14, vm15  }
0x1bc: {  	v54 =	vsel vm2, v47, v51;
	v55 =	vsel vm2, v26, v52;
	vm2 =	vmor vm9, vm4  }
0x1bd: {  	vm14 =	vgt.f32 v57, v62;
	vm10 =	vgt.f32 v30, v54;
	v29 =	vsel vm2, v29, v32  }
0x1be: {  	v56 =	vsel vm2, v22, v53;
	vm2 =	veq.f32 v30, v54;
	vm11 =	vlt.s32 v23, v55  }
0x1bf: {  	vm12 =	veq.f32 v25, v29;
	vm1 =	vmand vm2, vm11;
	vm2 =	veq.f32 v57, v62  }
0x1c0: {  	vm13 =	vlt.s32 v21, v56;
	vm1 =	vmor vm10, vm1;
	vm2 =	vmand vm2, vm3  }
0x1c1: {  	vm3 =	vgt.f32 v25, v29;
	v28 =	vsel vm1, v30, v54;
	vm2 =	vmor vm14, vm2  }
0x1c2: {  	v59 =	vsel vm1, v23, v55;
	v24 =	vsel vm2, v57, v62;
	v20 =	vsel vm2, v58, v20  }
0x1c3: {  	vm1 =	vmand vm12, vm13;
	vm2 =	veq.f32 v28, v24;
	vm15 =	vlt.s32 v59, v20  }
0x1c4: {  	vm1 =	vmor vm3, vm1;
	vm3 =	vgt.f32 v28, v24;
	vm2 =	vmand vm2, vm15  }
0x1c5: {  	v25 =	vsel vm1, v25, v29;
	vm2 =	vmor vm3, vm2  }
0x1c6: {  	v60 =	vsel vm1, v21, v56;
	v61 =	vsel vm2, v28, v24;
	v20 =	vsel vm2, v59, v20  }
0x1c7: {  	vm1 =	veq.f32 v25, v61;
	vm2 =	vlt.s32 v60, v20  }
0x1c8: {  	s2 =	simm.s32 $0x4;
	v62 =	vmov s10;
	vm3 =	vgt.f32 v25, v61;
	vm1 =	vmand vm1, vm2  }
0x1c9: {  	_ =	swait.ge [sflag:s2], $0x10;
	v23 =	vshll.u32 v62, $0xB;
	vm1 =	vmor vm3, vm1  }
0x1ca: {  	s9 =	sadd.s32 $0x1, s9;
	[sflag:s2] =	ssyncset.done $0x0;
	v19 =	vor.u32 v19, v23;
	v20 =	vsel vm1, v60, v20  }
0x1cb: {  	p0 =	sne.s32 s9, $0x20;
	[sflag:s2] =	ssyncadd.s32 $0xFFFFFFF0;
	v63 =	vsel vm1, v25, v61;
	v19 =	vadd.s32 v19, v20  }
.Ltmp3:
0x1cc: {  	[tilespmem:$0x18200] =	vst v63;
	(pc) =	sbr.rel @p0 .LBB2_4-.Ltmp3, $4  }
0x1cd: {  	_ =	swait.ge [sflag:s23], $0x8000  }
0x1ce: {  	[sflag:s23] =	ssyncset.done $0x0  }
0x1cf: {  	s21 =	smov.u32 s28;
	s28 =	simm.s32 $0x10200;
	[sflag:s23] =	ssyncadd.s32 $0xFFFF8000  }
0x1d0: {  	[hbm4b:s4+s3] =	stream.indirect_vreg.scatter [tilespmem:s30], [sflag:$0x4], $0x1, v19, vm0, $0xb8;
	[tilespmem:$0x18280] =	vst v63  }
0x1d1: {  	s5 =	simm.s32 $0x4  }
0x1d2: {  	_ =	swait.ge [sflag:s5], $0x10  }
0x1d3: {  	s9 =	rddreg [dreg:$0x16]  }
0x1d4: {  	s2 =	rddreg [dreg:$0x14];
	s9 =	sadd.s32 $0x1, s9  }
0x1d5: {  	p0 =	sne.s32 s9, s2  }
.Ltmp4:
0x1d6: {  	_ = 	snop;
	(pc) =	sbr.rel @p0 .LBB2_1-.Ltmp4, $3  }
0x1d7: {  	_ =	sdelay $0x1  }
0x1d8: {  	[sflag:s5] =	ssyncset.done $0x0  }
0x1d9: {  	[sflag:s5] =	ssyncadd.s32 $0xFFFFFFF0  }
0x1da: {  	_ =	sfence.sel $0x180000  }
0x1db: {  	[bflag:$0x0] =	sbarrier.arrive $0xFFFF  }
0x1dc: {  	_ =	strace $0x9000004A  }
0x1dd: {  	s0 =	stileid.u32;
	[bflag:$0x2] =	sbarrier.arrive $0xFFFF  }
0x1de: {  	p0 =	sne.s32 s0, $0x0;
	s0 =	rddreg [dreg:$0x2]  }
0x1df: {  	s0 =	sadd.s32 @!p0 $0x100000, s0  }
0x1e0: {  	[sflag:s0] =	ssyncadd.tile.s32 @!p0 $0x1;
	_ =	shalt  }
.Lfunc_end2:
_tile_overlayer_lowered:
.L_overlay_start_2:
0x1e1: {  	(tag) =	ssettag $0x2  }
0x1e2: {  	s0 =	rddreg [dreg:$0x0];
	s2 =	stileid.u32  }
0x1e3: {  	s1 =	rddreg [dreg:$0x1];
	p0 =	sne.s32 s2, $0x0  }
0x1e4: {  	s3 =	rddreg [dreg:$0x2];
	[bflag:$0x3] =	sbarrier.arrive $0xFFFF;
	s2 =	simm.s32 @!p0 $0x1C05  }
0x1e5: {  	[timem:s3], [sflag:s2] =	dma.local @!p0 [hbm:s0], s1  }
0x1e6: {  	s0 =	simm.s32 @!p0 $0x5  }
0x1e7: {  	_ =	swait.ge @!p0 [sflag:s0], s1  }
0x1e8: {  	s1 =	ssub.s32 @!p0 $0x0, s1;
	[sflag:s0] =	ssyncset.done @!p0 $0x0  }
0x1e9: {  	[sflag:s0] =	ssyncadd.s32 @!p0 s1  }
0x1ea: {  	[bflag:$0x3] =	sbarrier.arrive $0xFFFF  }
0x1eb: {  	_ =	shalt  }

// kernel: sparse-core-data-format-call.cloned.1.call-start
scs
called_computation_lowered:
.L_overlay_start_0:
0x0: {  	s2 =	sld [smem:$0x3FD9]  }
0x1: {  	s3 =	sld [smem:$0x3FFE];
	_ =	sdelay $0x1  }
0x2: {  	s1 =	srdreg.scid  }
0x3: {  	s0 =	sand.u32 $0x1, s1  }
0x4: {  	s19 =	sshll.u32 s0, $0xA;
	s2 =	sadd.s32 s3, s2  }
0x5: {  	s2 =	sadd.s32 s2, s19  }
0x6: {  	[smem:$0x3FC7] =	sst s2  }
0x7: {  	_ = 	snop  }
0x8: {  	s2 =	sld [smem:$0x3FC9]  }
0x9: {  	s20 =	sld [smem:$0x3FD0];
	(tm) =	ssettm $0x1  }
0xa: {  	s4 =	sld [smem:$0x3FFB];
	_ =	sdelay $0x3  }
0xb: {  	_ =	strace s4  }
0xc: {  	s4 =	sld [smem:$0x3FFC];
	_ =	sdelay $0x3  }
0xd: {  	_ =	strace s4  }
0xe: {  	s4 =	sld [smem:$0x3FFD];
	_ =	sdelay $0x3  }
0xf: {  	_ =	strace s4  }
0x10: {  	_ =	strace $0x8FFFFFFF  }
0x11: {  	s21 =	sld [smem:$0x3FDB];
	_ =	sdelay $0x1  }
0x12: {  	s5 =	simm.s32 $_scs_section_size  }
0x13: {  	s6 =	simm.s32 $_size__tile_overlayer_lowered;
	s7 =	simm.s32 $_tile_overlayer_lowered  }
0x14: {  	s24 =	simm.s32 $0x1BFF;
	s23 =	sshll.u32 s7, $0x1;
	s4 =	sadd.s32 s5, s21  }
0x15: {  	s8 =	simm.s32 $0x0;
	s22 =	sshll.u32 s6, $0x1;
	s6 =	sadd.s32 s23, s4  }
0x16: {  	[timem:s8], [sflag:s24] =	dma.local [hbm:s6], s22  }
0x17: {  	_ =	swait.ge [sflag:s24], s22  }
0x18: {  	s5 =	ssub.s32 $0x0, s22;
	[sflag:s24] =	ssyncset.done $0x0  }
0x19: {  	[sflag:s24] =	ssyncadd.s32 s5;
	_ =	sdelay $0x1  }
0x1a: {  	s25 =	simm.s32 $0x1B8B  }
0x1b: {  	_ =	swait.ge [sflag:s25], $0x1  }
0x1c: {  	[sflag:s25] =	ssyncset.done $0x0  }
0x1d: {  	s26 =	simm.s32 $0x1B8E;
	[sflag:s25] =	ssyncadd.s32 $0xFFFFFFFF  }
0x1e: {  	s27 =	simm.s32 $execute0_lowered;
	[smem:$0x3FD2] =	sst s26  }
0x1f: {  	s5 =	sshll.u32 s27, $0x1;
	_ =	strace $0x80000046;
	[dreg:$0x1] =	wrdreg $0xFFFFFFFF  }
0x20: {  	s28 =	simm.s32 $_size_execute0_lowered;
	s4 =	sadd.s32 s4, s5;
	[dreg:$0x0] =	wrdreg $0x0  }
0x21: {  	s5 =	sshll.u32 s28, $0x1;
	[dreg:$0x2] =	wrdreg s4  }
0x22: {  	[dreg:$0x3] =	wrdreg s5  }
0x23: {  	[dreg:$0x4] =	wrdreg $0xC0  }
0x24: {  	_ =	task [dreg:s8], $0x5FFFF  }
0x25: {  	[dreg:$0x1] =	wrdreg $0xFFFFFFFF  }
0x26: {  	[dreg:$0x0] =	wrdreg $0x60  }
0x27: {  	[dreg:$0x2] =	wrdreg s2  }
0x28: {  	[dreg:$0x3] =	wrdreg s20  }
0x29: {  	[dreg:$0x4] =	wrdreg $0x9  }
0x2a: {  	_ =	task.clear_ibuf [dreg:s8], $0x5FFFF;
	_ =	strace $0x90000046  }
0x2b: {  	s29 =	simm.s32 $0x9;
	_ =	strace $0x80000048  }
0x2c: {  	_ =	swait.ge [sflag:s29], $0x1  }
0x2d: {  	[sflag:s29] =	ssyncadd.s32 $0xFFFFFFFF  }
0x2e: {  	_ =	strace $0x90000048  }
0x2f: {  	_ =	sfence  }
0x30: {  	s30 =	sld [smem:$0x0];
	_ =	sdelay $0x2  }
0x31: {  	s31 =	sshll.u32 s1, $0xD;
	s1 =	sshrl.u32 s1, $0x2  }
0x32: {  	s3 =	sand.u32 $0x4000, s31;
	s1 =	sadd.s32 s1, s30  }
0x33: {  	s0 =	sor.u32 s3, s0;
	s1 =	sshll.u32 s1, $0x11  }
0x34: {  	s0 =	sor.u32 s1, s0  }
0x35: {  	s0 =	sadd.s32 $0x8F2B, s0  }
0x36: {  	[sflag:s0] =	ssyncadd.remote.s32 $0x1  }
0x37: {  	_ =	sfence.sel $0xFFFF  }
0x38: {  	[dreg:$0x0] =	wrdreg $0xFFFFFFFF;
	(pc) =	sbr.abs _section_cstart, $3  }
0x39: {  	[dreg:$0x1] =	wrdreg $0xFFFFFFFF  }
0x3a: {  	_ =	task.clear_ibuf [dreg:s8], $0x2FFFF;
	_ =	strace $0x9FFFFFFF  }
0x3b: {  	(tm) =	ssettm $0x7FFFFFFF  }
tec
execute0_lowered:
.L_overlay_start_1:
0x0: {  	(tag) =	ssettag $0x1  }
0x1: {  	s2 =	rddreg [dreg:$0x0]  }
0x2: {  	s3 =	rddreg [dreg:$0x1]  }
0x3: {  	s0 =	rddreg [dreg:$0x2];
	s4 =	srdreg.scid  }
.Ltmp0:
0x4: {  	_ =	strace $0x80000047;
	s1 =	stileid.u32;
	(pc) =	sbr.rel .LBB1_1-.Ltmp0, $4  }
0x5: {  	s6 =	simm.s32 $0x2;
	p0 =	por $0x0, $0x0;
	s5 =	sshll.u32 s4, $0x4  }
0x6: {  	s9 =	simm.s32 $0x0;
	s4 =	simm.s32 $0x1;
	s5 =	sand.u32 $0x10, s5  }
0x7: {  	s7 =	simm.s32 $0x0;
	[sflag:s4] =	ssyncpa.u1 $0x0;
	s5 =	sor.u32 s1, s5  }
0x8: {  	[sflag:s6] =	ssyncpa.u1 $0x0;
	s6 =	simm.s32 $0x0;
	s8 =	smov.u32 s5  }
.LBB1_7:
0x9: {  	s11 =	sadd.s32 $0x20, s8  }
0xa: {  	p1 =	slt.u32 s7, $0x2;
	s7 =	sadd.s32 $0x1, s7;
	p2 =	sgt.s32 s11, $0xFFF  }
0xb: {  	s11 =	smov.u32 @p2 s5;
	p2 =	sne.s32 s7, $0x82  }
.Ltmp1:
0xc: {  	_ = 	snop;
	(pc) =	sbr.rel @!p2 .LBB1_8-.Ltmp1, $4  }
0xd: {  	s10 =	simm.s32 @!p1 $0x2  }
0xe: {  	_ =	swait.ge @!p1 [sflag:s10], $0x4000  }
0xf: {  	s9 =	smov.u32 s8;
	[sflag:s10] =	ssyncset.done @!p1 $0x0  }
0x10: {  	p0 =	por !p0, !p0;
	s8 =	smov.u32 s11;
	[sflag:s10] =	ssyncadd.s32 @!p1 $0xFFFFC000  }
.LBB1_1:
0x11: {  	p1 =	sgt.u32 s7, $0x7F  }
0x12: {  	s10 =	sxor.u32 @!p1 $0xFFFFFFFF, s7  }
0x13: {  	s11 =	sshll.u32 @!p1 s8, $0xB;
	s10 =	sshll.u32 @!p1 s10, $0xE  }
0x14: {  	s12 =	simm.s32 @!p1 $0x0;
	s11 =	sadd.s32 @!p1 s2, s11;
	s10 =	sand.u32 @!p1 $0x4000, s10  }
0x15: {  	[tilespmem:s10], [sflag:$0x1] =	stream.linear.gather @!p1 [hbm4b:s11+s12], $0x4000, $0x38;
	[tilespmem:$0x10000] =	vst v63  }
0x16: {  	p1 =	seq.s32 s7, $0x0  }
0x17: {  	p2 =	seq.s32 @!p1 s7, $0x81  }
0x18: {  	p1 =	por p1, p2  }
.Ltmp2:
0x19: {  	_ = 	snop;
	(pc) =	sbr.rel @p1 .LBB1_7-.Ltmp2, $1  }
0x1a: {  	_ =	sdelay $0x3  }
0x1b: {  	s10 =	simm.s32 $0x1;
	_ =	swait.ge [sflag:s4], $0x4000;
	s12 =	sshll.u32 s7, $0xE  }
0x1c: {  	s13 =	simm.s32 $0x0;
	s10 =	simm.s32 @!p0 $0x0;
	[sflag:s4] =	ssyncset.done $0x0  }
0x1d: {  	s12 =	sand.u32 $0x4000, s12;
	s11 =	sshll.u32 s10, $0xE;
	[sflag:s4] =	ssyncadd.s32 $0xFFFFC000  }
0x1e: {  	s12 =	sor.u32 $0x8000, s12;
	s10 =	sor.u32 $0x8040, s11;
	s11 =	sor.u32 $0x40, s11  }
.LBB1_3:
0x1f: {  	v0 =	vmov s11;
	_ =	sdelay $0x3  }
0x20: {  	s15 =	simm.s32 $0x0  }
0x21: {  	v6 =	vld.idx.msk [tilespmem:v0+s15+$0x30 ss:$0x1], $0xffff  }
0x22: {  	v7 =	vld.idx.msk [tilespmem:v0+s15+$0xFFFFFFC0 ss:$0x1], $0xffff  }
0x23: {  	v5 =	vld.idx.msk [tilespmem:v0+s15+$0xFFFFFFD0 ss:$0x1], $0xffff  }
0x24: {  	v4 =	vld.idx.msk [tilespmem:v0+s15+$0xFFFFFFE0 ss:$0x1], $0xffff  }
0x25: {  	v3 =	vld.idx.msk [tilespmem:v0+s15+$0xFFFFFFF0 ss:$0x1], $0xffff  }
0x26: {  	v1 =	vld.idx.msk [tilespmem:v0+s15+$0x0 ss:$0x1], $0xffff  }
0x27: {  	v2 =	vld.idx.msk [tilespmem:v0+s15+$0x10 ss:$0x1], $0xffff;
	[tilespmem:s10+$0x30] =	vst v6  }
0x28: {  	s14 =	simm.s32 $0x80;
	s16 =	simm.s32 $0x400;
	[tilespmem:s10+$0xFFFFFFC0] =	vst v7;
	v6 =	vld.idx.msk [tilespmem:v0+s15+$0x20 ss:$0x1], $0xffff;
	s15 =	smov.u32 s10  }
.LBB1_4:
0x29: {  	p1 =	sne.s32 s16, $0xE00;
	v7 =	vld.idx.msk [tilespmem:v0+s14+$0x30 ss:$0x1], $0xffff;
	[tilespmem:s15+$0xFFFFFFD0] =	vst v5  }
0x2a: {  	v8 =	vld.idx.msk [tilespmem:v0+s14+$0xFFFFFFC0 ss:$0x1], $0xffff;
	[tilespmem:s15+$0xFFFFFFE0] =	vst v4  }
0x2b: {  	v5 =	vld.idx.msk [tilespmem:v0+s14+$0xFFFFFFD0 ss:$0x1], $0xffff;
	[tilespmem:s15+$0xFFFFFFF0] =	vst v3  }
.Ltmp3:
0x2c: {  	v4 =	vld.idx.msk [tilespmem:v0+s14+$0xFFFFFFE0 ss:$0x1], $0xffff;
	[tilespmem:s15+$0x0] =	vst v1;
	(pc) =	sbr.rel @p1 .LBB1_4-.Ltmp3, $4  }
0x2d: {  	v3 =	vld.idx.msk [tilespmem:v0+s14+$0xFFFFFFF0 ss:$0x1], $0xffff;
	[tilespmem:s15+$0x10] =	vst v2  }
0x2e: {  	v1 =	vld.idx.msk [tilespmem:v0+s14+$0x0 ss:$0x1], $0xffff;
	[tilespmem:s15+$0x20] =	vst v6;
	s15 =	sadd.s32 $0x800, s15  }
0x2f: {  	v2 =	vld.idx.msk [tilespmem:v0+s14+$0x10 ss:$0x1], $0xffff;
	[tilespmem:s15+$0x30] =	vst v7  }
0x30: {  	[tilespmem:s15+$0xFFFFFFC0] =	vst v8;
	v6 =	vld.idx.msk [tilespmem:v0+s14+$0x20 ss:$0x1], $0xffff;
	s14 =	sshra.s32 s16, $0x2;
	s16 =	sadd.s32 $0x200, s16  }
0x31: {  	_ =	sdelay $0x2  }
0x32: {  	[tilespmem:s15+$0xFFFFFFD0] =	vst v5  }
0x33: {  	v56 =	vld.idx.msk [tilespmem:v0+s14+$0x30 ss:$0x1], $0xffff;
	[tilespmem:s15+$0xFFFFFFE0] =	vst v4  }
0x34: {  	v57 =	vld.idx.msk [tilespmem:v0+s14+$0xFFFFFFC0 ss:$0x1], $0xffff;
	[tilespmem:s15+$0xFFFFFFF0] =	vst v3  }
0x35: {  	v58 =	vld.idx.msk [tilespmem:v0+s14+$0xFFFFFFD0 ss:$0x1], $0xffff;
	[tilespmem:s15+$0x0] =	vst v1  }
0x36: {  	v59 =	vld.idx.msk [tilespmem:v0+s14+$0xFFFFFFE0 ss:$0x1], $0xffff;
	[tilespmem:s15+$0x10] =	vst v2  }
0x37: {  	v60 =	vld.idx.msk [tilespmem:v0+s14+$0xFFFFFFF0 ss:$0x1], $0xffff;
	s31 =	sadd.s32 $0x800, s15;
	[tilespmem:s15+$0x20] =	vst v6  }
0x38: {  	v61 =	vld.idx.msk [tilespmem:v0+s14+$0x0 ss:$0x1], $0xffff;
	[tilespmem:s31+$0x30] =	vst v56  }
0x39: {  	v62 =	vld.idx.msk [tilespmem:v0+s14+$0x10 ss:$0x1], $0xffff;
	s13 =	sadd.s32 $0x1, s13;
	[tilespmem:s31+$0xFFFFFFC0] =	vst v57  }
0x3a: {  	v63 =	vld.idx.msk [tilespmem:v0+s14+$0x20 ss:$0x1], $0xffff;
	p1 =	sne.s32 s13, $0x10;
	[tilespmem:s31+$0xFFFFFFD0] =	vst v58  }
.Ltmp4:
0x3b: {  	[tilespmem:s31+$0xFFFFFFE0] =	vst v59;
	(pc) =	sbr.rel @p1 .LBB1_3-.Ltmp4, $4  }
0x3c: {  	[tilespmem:s31+$0xFFFFFFF0] =	vst v60  }
0x3d: {  	[tilespmem:s31+$0x0] =	vst v61  }
0x3e: {  	[tilespmem:s31+$0x10] =	vst v62  }
0x3f: {  	s10 =	sadd.s32 $0x80, s10;
	s11 =	sadd.s32 $0x400, s11;
	[tilespmem:s31+$0x20] =	vst v63  }
.Ltmp5:
0x40: {  	(pc) =	sbr.rel .LBB1_7-.Ltmp5, $4  }
0x41: {  	_ = 	snop  }
0x42: {  	s9 =	sshll.u32 s9, $0xB  }
0x43: {  	s9 =	sadd.s32 s3, s9  }
0x44: {  	[hbm4b:s9+s6] =	stream.linear.scatter [tilespmem:s12], [sflag:$0x2], $0x4000, $0x38;
	[tilespmem:$0x10000] =	vst v63  }
.LBB1_8:
0x45: {  	_ =	sfence.sel $0x180000  }
0x46: {  	s2 =	simm.s32 $0x1;
	[bflag:$0x0] =	sbarrier.arrive $0xFFFF  }
0x47: {  	s31 =	simm.s32 $0x2;
	[sflag:s2] =	ssyncpa.u1 $0x1  }
0x48: {  	[sflag:s31] =	ssyncpa.u1 $0x1  }
0x49: {  	p0 =	sne.s32 s1, $0x0;
	_ =	strace $0x90000047  }
0x4a: {  	s0 =	sadd.s32 @!p0 $0x100000, s0;
	[bflag:$0x2] =	sbarrier.arrive $0xFFFF  }
0x4b: {  	[sflag:s0] =	ssyncadd.tile.s32 @!p0 $0x1;
	_ =	shalt  }
.Lfunc_end1:
_tile_overlayer_lowered:
.L_overlay_start_2:
0x4c: {  	(tag) =	ssettag $0x2  }
0x4d: {  	s0 =	rddreg [dreg:$0x0];
	s2 =	stileid.u32  }
0x4e: {  	s1 =	rddreg [dreg:$0x1];
	p0 =	sne.s32 s2, $0x0  }
0x4f: {  	s3 =	rddreg [dreg:$0x2];
	[bflag:$0x3] =	sbarrier.arrive $0xFFFF;
	s2 =	simm.s32 @!p0 $0x1C01  }
0x50: {  	[timem:s3], [sflag:s2] =	dma.local @!p0 [hbm:s0], s1  }
0x51: {  	s0 =	simm.s32 @!p0 $0x1  }
0x52: {  	_ =	swait.ge @!p0 [sflag:s0], s1  }
0x53: {  	s1 =	ssub.s32 @!p0 $0x0, s1;
	[sflag:s0] =	ssyncset.done @!p0 $0x0  }
0x54: {  	[sflag:s0] =	ssyncadd.s32 @!p0 s1  }
0x55: {  	[bflag:$0x3] =	sbarrier.arrive $0xFFFF  }
0x56: {  	_ =	shalt  }

</sc_bundles>
